<compile_context>
chip_gen: v7x
topology: tpu7x:2x2x1
jax: 0.10.2.dev20260603
libtpu: 0.0.44.dev20260713+nightly
codegen_flags: <defaults>
</compile_context>

<pallas_src>
import functools

import jax
import jax.numpy as jnp
from jax import lax
from jax.experimental import pallas as pl
from jax.experimental.pallas import tpu as pltpu
from jax.experimental.pallas import tpu_sc as plsc


def _softmax_pad_body(x_ref, o_ref):
    x = x_ref[...]
    m = jnp.max(x, axis=-1, keepdims=True)
    e = jnp.exp(x - m)
    s = jnp.sum(e, axis=-1, keepdims=True)
    d = x.shape[-1]
    if o_ref.shape[-1] == d:
        o_ref[...] = e / s
    else:
        o_ref[:, :d] = e / s
        o_ref[:, d:] = jnp.zeros(
            (x.shape[0], o_ref.shape[-1] - d), jnp.float32)


def _tail_body(idx_ref, table_ref, o_ref, *, n, c0, c1):
    idx = idx_ref[0, 0, :]
    onehot = (idx[:, None] == lax.broadcasted_iota(jnp.int32, (1, n), 1))
    tail = table_ref[:, c0:c1]
    o_ref[...] = jnp.dot(onehot.astype(jnp.float32), tail,
                         preferred_element_type=jnp.float32)


def _make_sc_gather(B, D, DP, DA, NC, NS, CH):
    DT = D - DA
    NW = NC * NS
    b_per_w = B // NW
    n_ch = b_per_w // CH
    mesh = plsc.VectorSubcoreMesh(core_axis_name="c", subcore_axis_name="s")

    scratch = [
        pltpu.VMEM((b_per_w,), jnp.int32),
        pltpu.VMEM((CH, DP), jnp.float32),
        pltpu.VMEM((CH, DP), jnp.float32),
    ]
    if DT:
        scratch += [
            pltpu.VMEM((CH, DT), jnp.float32),
            pltpu.VMEM((CH, DT), jnp.float32),
        ]
    scratch += [pltpu.SemaphoreType.DMA] * (8 if DT else 4)

    @functools.partial(
        pl.kernel,
        mesh=mesh,
        out_type=jax.ShapeDtypeStruct((B, D), jnp.float32),
        scratch_types=scratch,
    )
    def gather_rows(table_hbm, idx_hbm, tail_hbm, out_hbm, idx_v,
                    buf0, buf1, *rest):
        if DT:
            tb0, tb1, gsem0, gsem1, tsem0, tsem1, ssem0, ssem1, s2em0, s2em1 = rest
            tbufs = (tb0, tb1)
            tsems = (tsem0, tsem1)
            s2ems = (s2em0, s2em1)
        else:
            gsem0, gsem1, ssem0, ssem1 = rest
        wid = lax.axis_index("s") * NC + lax.axis_index("c")
        base = wid * b_per_w
        pltpu.sync_copy(idx_hbm.at[pl.ds(base, b_per_w)], idx_v)

        bufs = (buf0, buf1)
        gsems = (gsem0, gsem1)
        ssems = (ssem0, ssem1)

        def gather(c):
            g = pltpu.async_copy(
                table_hbm.at[idx_v.at[pl.ds(c * CH, CH)]],
                bufs[c % 2], gsems[c % 2])
            if DT:
                t = pltpu.async_copy(
                    tail_hbm.at[pl.ds(base + c * CH, CH)],
                    tbufs[c % 2], tsems[c % 2])
                return (g, t)
            return (g,)

        def scatter(c):
            s = pltpu.async_copy(
                bufs[c % 2].at[:, pl.ds(0, DA)],
                out_hbm.at[pl.ds(base + c * CH, CH), pl.ds(0, DA)],
                ssems[c % 2])
            if DT:
                t = pltpu.async_copy(
                    tbufs[c % 2],
                    out_hbm.at[pl.ds(base + c * CH, CH), pl.ds(DA, DT)],
                    s2ems[c % 2])
                return (s, t)
            return (s,)

        def wait(cps):
            for cp in cps:
                cp.wait()

        gathers = {0: gather(0)}
        scatters = {}
        for c in range(n_ch):
            if c + 1 < n_ch:
                if c - 1 >= 0:
                    wait(scatters[c - 1])
                gathers[c + 1] = gather(c + 1)
            wait(gathers[c])
            scatters[c] = scatter(c)
        if n_ch >= 2:
            wait(scatters[n_ch - 2])
        wait(scatters[n_ch - 1])

    return gather_rows


def kernel(inputs_idx, params):
    B = inputs_idx.shape[0]
    N, D = params.shape
    DP = (D + 127) // 128 * 128
    DA = D // 128 * 128
    DT = D - DA

    sm_table = pl.pallas_call(
        _softmax_pad_body,
        out_shape=jax.ShapeDtypeStruct((N, DP), jnp.float32),
    )(params)

    idx32 = inputs_idx.astype(jnp.int32)

    info = plsc.get_sparse_core_info()
    NC, NS = info.num_cores, info.num_subcores

    if DT:
        TB = 1024
        idx3 = idx32.reshape(B // TB, 1, TB)
        tail = pl.pallas_call(
            functools.partial(_tail_body, n=N, c0=DA, c1=D),
            grid=(B // TB,),
            in_specs=[
                pl.BlockSpec((1, 1, TB), lambda i: (i, 0, 0)),
                pl.BlockSpec((N, DP), lambda i: (0, 0)),
            ],
            out_specs=pl.BlockSpec((TB, DT), lambda i: (i, 0)),
            out_shape=jax.ShapeDtypeStruct((B, DT), jnp.float32),
        )(idx3, sm_table)
    else:
        tail = jnp.zeros((B, 0), jnp.float32)

    gather_rows = _make_sc_gather(B, D, DP, DA, NC, NS, CH=32)
    return gather_rows(sm_table, idx32, tail)

# --- scband reference (transcript-rebuilt; emitter-appended) ---
"""Pipeline reference for scband-example-label-weights-23476291240131 (READ-ONLY COPY).

The authoritative reference and input builder live on the scoring server;
editing this copy changes nothing except your own understanding.
"""

import jax, jax.numpy as jnp
import numpy as np

NUM_PARAMS = 100
CARD = 1000
BATCH = 16384

def setup_inputs(seed: int = 0) -> dict:
    key = jax.random.key(seed)
    k1, _ = jax.random.split(key)
    inputs_idx = jax.random.randint(k1, (BATCH,), 0, NUM_PARAMS, dtype=jnp.int64 if jax.config.jax_enable_x64 else jnp.int32)
    # torch init: each param is torch.ones(card); uniform cardinality lets us stack into one table
    params = jnp.ones((NUM_PARAMS, CARD), dtype=jnp.float32)
    return {"inputs_idx": inputs_idx, "params": params}

def reference(inputs_idx, params):
    # Original loops over inputs_idx, selecting params[idx] and softmaxing each.
    # Vectorized equivalent: gather the rows then row-wise softmax (returned stacked).
    gathered = jnp.take(params, inputs_idx, axis=0)  # [B, CARD]
    weights = jax.nn.softmax(gathered, axis=-1)
    return weights

if __name__ == "__main__":
    import jax
    _d = setup_inputs()
    print(jax.jit(kernel)(*tuple(_d.values())))

</pallas_src>

<mosaic_0001>
#map = affine_map<(d0, d1) -> (0, 0)>
#map1 = affine_map<(d0, d1) -> (0)>
module attributes {stable_mosaic.version = 14 : i64} {
  func.func @gather_rows(%arg0: i32, %arg1: i32, %arg2: memref<100x1024xf32, #tpu.memory_space<hbm>>, %arg3: memref<16384xi32, #tpu.memory_space<hbm>>, %arg4: memref<16384x104xf32, #tpu.memory_space<hbm>>, %arg5: memref<16384x1000xf32, #tpu.memory_space<hbm>>, %arg6: memref<512xi32, #tpu.memory_space<vmem>>, %arg7: memref<32x1024xf32, #tpu.memory_space<vmem>>, %arg8: memref<32x1024xf32, #tpu.memory_space<vmem>>, %arg9: memref<32x104xf32, #tpu.memory_space<vmem>>, %arg10: memref<32x104xf32, #tpu.memory_space<vmem>>, %arg11: memref<!tpu.dma_semaphore, #tpu.memory_space<semaphore_mem>>, %arg12: memref<!tpu.dma_semaphore, #tpu.memory_space<semaphore_mem>>, %arg13: memref<!tpu.dma_semaphore, #tpu.memory_space<semaphore_mem>>, %arg14: memref<!tpu.dma_semaphore, #tpu.memory_space<semaphore_mem>>, %arg15: memref<!tpu.dma_semaphore, #tpu.memory_space<semaphore_mem>>, %arg16: memref<!tpu.dma_semaphore, #tpu.memory_space<semaphore_mem>>, %arg17: memref<!tpu.dma_semaphore, #tpu.memory_space<semaphore_mem>>, %arg18: memref<!tpu.dma_semaphore, #tpu.memory_space<semaphore_mem>>) attributes {dimension_semantics = [#tpu.dimension_semantics<core_parallel>, #tpu.dimension_semantics<subcore_parallel>], iteration_bounds = array<i64: 2, 16>, scalar_prefetch = 0 : i64, scratch_operands = 13 : i64, tpu.core_type = #tpu.core_type<sc_vector_subcore>, window_params = [{transform_indices = #map}, {transform_indices = #map1}, {transform_indices = #map}, {transform_indices = #map}]} {
    %mul3A = arith.constant 2 : i32
    %mul3A_0 = arith.muli %arg1, %mul3A : i32
    %add3A = arith.addi %mul3A_0, %arg0 : i32
    %mul3A_1 = arith.constant 512 : i32
    %mul3A_2 = arith.muli %add3A, %mul3A_1 : i32
    "tpu.region"() ({
      %run_scoped3A = tpu.sem_alloc : memref<!tpu.dma_semaphore, #tpu.memory_space<semaphore_mem>>
      %dma_start3A_833 = tpu.memref_slice %arg3[%mul3A_2] : memref<16384xi32, #tpu.memory_space<hbm>> -> memref<512xi32, #tpu.memory_space<hbm>>
      %dma_start3A_834 = tpu.memref_slice %arg3[%mul3A_2] : memref<16384xi32, #tpu.memory_space<hbm>> -> memref<512xi32, #tpu.memory_space<hbm>>
      tpu.enqueue_dma source(%dma_start3A_834 : memref<512xi32, #tpu.memory_space<hbm>>) target(%arg6 : memref<512xi32, #tpu.memory_space<vmem>>) target_semaphore(%run_scoped3A : memref<!tpu.dma_semaphore, #tpu.memory_space<semaphore_mem>>)
      %dma_wait3A_835 = tpu.memref_slice %arg3[%mul3A_2] : memref<16384xi32, #tpu.memory_space<hbm>> -> memref<512xi32, #tpu.memory_space<hbm>>
      %dma_wait3A_836 = tpu.memref_slice %arg3[%mul3A_2] : memref<16384xi32, #tpu.memory_space<hbm>> -> memref<512xi32, #tpu.memory_space<hbm>>
      tpu.wait_dma2 semaphore(%run_scoped3A : memref<!tpu.dma_semaphore, #tpu.memory_space<semaphore_mem>>) src(%dma_wait3A_836 : memref<512xi32, #tpu.memory_space<hbm>>) dst(%arg6 : memref<512xi32, #tpu.memory_space<vmem>>)
      tpu.yield
    }) : () -> ()
    %dma_start3A = arith.constant 0 : i32
    %dma_start3A_3 = tpu.memref_slice %arg6[%dma_start3A] : memref<512xi32, #tpu.memory_space<vmem>> -> memref<32xi32, #tpu.memory_space<vmem>>
    %dma_start3A_4 = arith.constant 0 : i32
    %dma_start3A_5 = arith.constant 0 : i32
    %dma_start3A_6 = tpu.memref_slice %arg2[%dma_start3A_4, %dma_start3A_5] : memref<100x1024xf32, #tpu.memory_space<hbm>> -> memref<100x1024xf32, #tpu.memory_space<hbm>>
    tpu.enqueue_indirect_dma source(%dma_start3A_6 : memref<100x1024xf32, #tpu.memory_space<hbm>>) target(%arg7 : memref<32x1024xf32, #tpu.memory_space<vmem>>) offsets(%dma_start3A_3 : memref<32xi32, #tpu.memory_space<vmem>>) semaphore(%arg11 : memref<!tpu.dma_semaphore, #tpu.memory_space<semaphore_mem>>)
    %add3A_7 = arith.constant 0 : i32
    %add3A_8 = arith.addi %mul3A_2, %add3A_7 : i32
    %dma_start3A_9 = arith.constant 0 : i32
    %dma_start3A_10 = tpu.memref_slice %arg4[%add3A_8, %dma_start3A_9] : memref<16384x104xf32, #tpu.memory_space<hbm>> -> memref<32x104xf32, #tpu.memory_space<hbm>>
    %dma_start3A_11 = arith.constant 0 : i32
    %dma_start3A_12 = tpu.memref_slice %arg4[%add3A_8, %dma_start3A_11] : memref<16384x104xf32, #tpu.memory_space<hbm>> -> memref<32x104xf32, #tpu.memory_space<hbm>>
    tpu.enqueue_dma source(%dma_start3A_12 : memref<32x104xf32, #tpu.memory_space<hbm>>) target(%arg9 : memref<32x104xf32, #tpu.memory_space<vmem>>) target_semaphore(%arg13 : memref<!tpu.dma_semaphore, #tpu.memory_space<semaphore_mem>>)
    %dma_start3A_13 = arith.constant 32 : i32
    %dma_start3A_14 = tpu.memref_slice %arg6[%dma_start3A_13] : memref<512xi32, #tpu.memory_space<vmem>> -> memref<32xi32, #tpu.memory_space<vmem>>
    %dma_start3A_15 = arith.constant 0 : i32
    %dma_start3A_16 = arith.constant 0 : i32
    %dma_start3A_17 = tpu.memref_slice %arg2[%dma_start3A_15, %dma_start3A_16] : memref<100x1024xf32, #tpu.memory_space<hbm>> -> memref<100x1024xf32, #tpu.memory_space<hbm>>
    tpu.enqueue_indirect_dma source(%dma_start3A_17 : memref<100x1024xf32, #tpu.memory_space<hbm>>) target(%arg8 : memref<32x1024xf32, #tpu.memory_space<vmem>>) offsets(%dma_start3A_14 : memref<32xi32, #tpu.memory_space<vmem>>) semaphore(%arg12 : memref<!tpu.dma_semaphore, #tpu.memory_space<semaphore_mem>>)
    %add3A_18 = arith.constant 32 : i32
    %add3A_19 = arith.addi %mul3A_2, %add3A_18 : i32
    %dma_start3A_20 = arith.constant 0 : i32
    %dma_start3A_21 = tpu.memref_slice %arg4[%add3A_19, %dma_start3A_20] : memref<16384x104xf32, #tpu.memory_space<hbm>> -> memref<32x104xf32, #tpu.memory_space<hbm>>
    %dma_start3A_22 = arith.constant 0 : i32
    %dma_start3A_23 = tpu.memref_slice %arg4[%add3A_19, %dma_start3A_22] : memref<16384x104xf32, #tpu.memory_space<hbm>> -> memref<32x104xf32, #tpu.memory_space<hbm>>
    tpu.enqueue_dma source(%dma_start3A_23 : memref<32x104xf32, #tpu.memory_space<hbm>>) target(%arg10 : memref<32x104xf32, #tpu.memory_space<vmem>>) target_semaphore(%arg14 : memref<!tpu.dma_semaphore, #tpu.memory_space<semaphore_mem>>)
    %dma_wait3A = arith.constant 0 : i32
    %dma_wait3A_24 = tpu.memref_slice %arg6[%dma_wait3A] : memref<512xi32, #tpu.memory_space<vmem>> -> memref<32xi32, #tpu.memory_space<vmem>>
    %dma_wait3A_25 = arith.constant 0 : i32
    %dma_wait3A_26 = arith.constant 0 : i32
    %dma_wait3A_27 = tpu.memref_slice %arg2[%dma_wait3A_25, %dma_wait3A_26] : memref<100x1024xf32, #tpu.memory_space<hbm>> -> memref<100x1024xf32, #tpu.memory_space<hbm>>
    tpu.wait_indirect_dma semaphore(%arg11 : memref<!tpu.dma_semaphore, #tpu.memory_space<semaphore_mem>>) src(%dma_wait3A_27 : memref<100x1024xf32, #tpu.memory_space<hbm>>) dst(%arg7 : memref<32x1024xf32, #tpu.memory_space<vmem>>)
    %dma_wait3A_28 = arith.constant 0 : i32
    %dma_wait3A_29 = tpu.memref_slice %arg4[%add3A_8, %dma_wait3A_28] : memref<16384x104xf32, #tpu.memory_space<hbm>> -> memref<32x104xf32, #tpu.memory_space<hbm>>
    %dma_wait3A_30 = arith.constant 0 : i32
    %dma_wait3A_31 = tpu.memref_slice %arg4[%add3A_8, %dma_wait3A_30] : memref<16384x104xf32, #tpu.memory_space<hbm>> -> memref<32x104xf32, #tpu.memory_space<hbm>>
    tpu.wait_dma2 semaphore(%arg13 : memref<!tpu.dma_semaphore, #tpu.memory_space<semaphore_mem>>) src(%dma_wait3A_31 : memref<32x104xf32, #tpu.memory_space<hbm>>) dst(%arg9 : memref<32x104xf32, #tpu.memory_space<vmem>>)
    %add3A_32 = arith.constant 0 : i32
    %add3A_33 = arith.addi %mul3A_2, %add3A_32 : i32
    %dma_start3A_34 = arith.constant 0 : i32
    %dma_start3A_35 = arith.constant 0 : i32
    %dma_start3A_36 = tpu.memref_slice %arg7[%dma_start3A_34, %dma_start3A_35] : memref<32x1024xf32, #tpu.memory_space<vmem>> -> memref<32x896xf32, #tpu.memory_space<vmem>>
    %dma_start3A_37 = arith.constant 0 : i32
    %dma_start3A_38 = tpu.memref_slice %arg5[%add3A_33, %dma_start3A_37] : memref<16384x1000xf32, #tpu.memory_space<hbm>> -> memref<32x896xf32, #tpu.memory_space<hbm>>
    %dma_start3A_39 = arith.constant 0 : i32
    %dma_start3A_40 = tpu.memref_slice %arg5[%add3A_33, %dma_start3A_39] : memref<16384x1000xf32, #tpu.memory_space<hbm>> -> memref<32x896xf32, #tpu.memory_space<hbm>>
    %dma_start3A_41 = arith.constant 0 : i32
    %dma_start3A_42 = arith.constant 0 : i32
    %dma_start3A_43 = tpu.memref_slice %arg7[%dma_start3A_41, %dma_start3A_42] : memref<32x1024xf32, #tpu.memory_space<vmem>> -> memref<32x896xf32, #tpu.memory_space<vmem>>
    tpu.enqueue_dma source(%dma_start3A_43 : memref<32x896xf32, #tpu.memory_space<vmem>>) target(%dma_start3A_40 : memref<32x896xf32, #tpu.memory_space<hbm>>) target_semaphore(%arg15 : memref<!tpu.dma_semaphore, #tpu.memory_space<semaphore_mem>>)
    %add3A_44 = arith.constant 0 : i32
    %add3A_45 = arith.addi %mul3A_2, %add3A_44 : i32
    %dma_start3A_46 = arith.constant 896 : i32
    %dma_start3A_47 = tpu.memref_slice %arg5[%add3A_45, %dma_start3A_46] : memref<16384x1000xf32, #tpu.memory_space<hbm>> -> memref<32x104xf32, #tpu.memory_space<hbm>>
    %dma_start3A_48 = arith.constant 896 : i32
    %dma_start3A_49 = tpu.memref_slice %arg5[%add3A_45, %dma_start3A_48] : memref<16384x1000xf32, #tpu.memory_space<hbm>> -> memref<32x104xf32, #tpu.memory_space<hbm>>
    tpu.enqueue_dma source(%arg9 : memref<32x104xf32, #tpu.memory_space<vmem>>) target(%dma_start3A_49 : memref<32x104xf32, #tpu.memory_space<hbm>>) target_semaphore(%arg17 : memref<!tpu.dma_semaphore, #tpu.memory_space<semaphore_mem>>)
    %dma_wait3A_50 = arith.constant 0 : i32
    %dma_wait3A_51 = arith.constant 0 : i32
    %dma_wait3A_52 = tpu.memref_slice %arg7[%dma_wait3A_50, %dma_wait3A_51] : memref<32x1024xf32, #tpu.memory_space<vmem>> -> memref<32x896xf32, #tpu.memory_space<vmem>>
    %dma_wait3A_53 = arith.constant 0 : i32
    %dma_wait3A_54 = tpu.memref_slice %arg5[%add3A_33, %dma_wait3A_53] : memref<16384x1000xf32, #tpu.memory_space<hbm>> -> memref<32x896xf32, #tpu.memory_space<hbm>>
    %dma_wait3A_55 = arith.constant 0 : i32
    %dma_wait3A_56 = tpu.memref_slice %arg5[%add3A_33, %dma_wait3A_55] : memref<16384x1000xf32, #tpu.memory_space<hbm>> -> memref<32x896xf32, #tpu.memory_space<hbm>>
    %dma_wait3A_57 = arith.constant 0 : i32
    %dma_wait3A_58 = arith.constant 0 : i32
    %dma_wait3A_59 = tpu.memref_slice %arg7[%dma_wait3A_57, %dma_wait3A_58] : memref<32x1024xf32, #tpu.memory_space<vmem>> -> memref<32x896xf32, #tpu.memory_space<vmem>>
    tpu.wait_dma2 semaphore(%arg15 : memref<!tpu.dma_semaphore, #tpu.memory_space<semaphore_mem>>) src(%dma_wait3A_59 : memref<32x896xf32, #tpu.memory_space<vmem>>) dst(%dma_wait3A_56 : memref<32x896xf32, #tpu.memory_space<hbm>>)
    %dma_wait3A_60 = arith.constant 896 : i32
    %dma_wait3A_61 = tpu.memref_slice %arg5[%add3A_45, %dma_wait3A_60] : memref<16384x1000xf32, #tpu.memory_space<hbm>> -> memref<32x104xf32, #tpu.memory_space<hbm>>
    %dma_wait3A_62 = arith.constant 896 : i32
    %dma_wait3A_63 = tpu.memref_slice %arg5[%add3A_45, %dma_wait3A_62] : memref<16384x1000xf32, #tpu.memory_space<hbm>> -> memref<32x104xf32, #tpu.memory_space<hbm>>
    tpu.wait_dma2 semaphore(%arg17 : memref<!tpu.dma_semaphore, #tpu.memory_space<semaphore_mem>>) src(%arg9 : memref<32x104xf32, #tpu.memory_space<vmem>>) dst(%dma_wait3A_63 : memref<32x104xf32, #tpu.memory_space<hbm>>)
    %dma_start3A_64 = arith.constant 64 : i32
    %dma_start3A_65 = tpu.memref_slice %arg6[%dma_start3A_64] : memref<512xi32, #tpu.memory_space<vmem>> -> memref<32xi32, #tpu.memory_space<vmem>>
    %dma_start3A_66 = arith.constant 0 : i32
    %dma_start3A_67 = arith.constant 0 : i32
    %dma_start3A_68 = tpu.memref_slice %arg2[%dma_start3A_66, %dma_start3A_67] : memref<100x1024xf32, #tpu.memory_space<hbm>> -> memref<100x1024xf32, #tpu.memory_space<hbm>>
    tpu.enqueue_indirect_dma source(%dma_start3A_68 : memref<100x1024xf32, #tpu.memory_space<hbm>>) target(%arg7 : memref<32x1024xf32, #tpu.memory_space<vmem>>) offsets(%dma_start3A_65 : memref<32xi32, #tpu.memory_space<vmem>>) semaphore(%arg11 : memref<!tpu.dma_semaphore, #tpu.memory_space<semaphore_mem>>)
    %add3A_69 = arith.constant 64 : i32
    %add3A_70 = arith.addi %mul3A_2, %add3A_69 : i32
    %dma_start3A_71 = arith.constant 0 : i32
    %dma_start3A_72 = tpu.memref_slice %arg4[%add3A_70, %dma_start3A_71] : memref<16384x104xf32, #tpu.memory_space<hbm>> -> memref<32x104xf32, #tpu.memory_space<hbm>>
    %dma_start3A_73 = arith.constant 0 : i32
    %dma_start3A_74 = tpu.memref_slice %arg4[%add3A_70, %dma_start3A_73] : memref<16384x104xf32, #tpu.memory_space<hbm>> -> memref<32x104xf32, #tpu.memory_space<hbm>>
    tpu.enqueue_dma source(%dma_start3A_74 : memref<32x104xf32, #tpu.memory_space<hbm>>) target(%arg9 : memref<32x104xf32, #tpu.memory_space<vmem>>) target_semaphore(%arg13 : memref<!tpu.dma_semaphore, #tpu.memory_space<semaphore_mem>>)
    %dma_wait3A_75 = arith.constant 32 : i32
    %dma_wait3A_76 = tpu.memref_slice %arg6[%dma_wait3A_75] : memref<512xi32, #tpu.memory_space<vmem>> -> memref<32xi32, #tpu.memory_space<vmem>>
    %dma_wait3A_77 = arith.constant 0 : i32
    %dma_wait3A_78 = arith.constant 0 : i32
    %dma_wait3A_79 = tpu.memref_slice %arg2[%dma_wait3A_77, %dma_wait3A_78] : memref<100x1024xf32, #tpu.memory_space<hbm>> -> memref<100x1024xf32, #tpu.memory_space<hbm>>
    tpu.wait_indirect_dma semaphore(%arg12 : memref<!tpu.dma_semaphore, #tpu.memory_space<semaphore_mem>>) src(%dma_wait3A_79 : memref<100x1024xf32, #tpu.memory_space<hbm>>) dst(%arg8 : memref<32x1024xf32, #tpu.memory_space<vmem>>)
    %dma_wait3A_80 = arith.constant 0 : i32
    %dma_wait3A_81 = tpu.memref_slice %arg4[%add3A_19, %dma_wait3A_80] : memref<16384x104xf32, #tpu.memory_space<hbm>> -> memref<32x104xf32, #tpu.memory_space<hbm>>
    %dma_wait3A_82 = arith.constant 0 : i32
    %dma_wait3A_83 = tpu.memref_slice %arg4[%add3A_19, %dma_wait3A_82] : memref<16384x104xf32, #tpu.memory_space<hbm>> -> memref<32x104xf32, #tpu.memory_space<hbm>>
    tpu.wait_dma2 semaphore(%arg14 : memref<!tpu.dma_semaphore, #tpu.memory_space<semaphore_mem>>) src(%dma_wait3A_83 : memref<32x104xf32, #tpu.memory_space<hbm>>) dst(%arg10 : memref<32x104xf32, #tpu.memory_space<vmem>>)
    %add3A_84 = arith.constant 32 : i32
    %add3A_85 = arith.addi %mul3A_2, %add3A_84 : i32
    %dma_start3A_86 = arith.constant 0 : i32
    %dma_start3A_87 = arith.constant 0 : i32
    %dma_start3A_88 = tpu.memref_slice %arg8[%dma_start3A_86, %dma_start3A_87] : memref<32x1024xf32, #tpu.memory_space<vmem>> -> memref<32x896xf32, #tpu.memory_space<vmem>>
    %dma_start3A_89 = arith.constant 0 : i32
    %dma_start3A_90 = tpu.memref_slice %arg5[%add3A_85, %dma_start3A_89] : memref<16384x1000xf32, #tpu.memory_space<hbm>> -> memref<32x896xf32, #tpu.memory_space<hbm>>
    %dma_start3A_91 = arith.constant 0 : i32
    %dma_start3A_92 = tpu.memref_slice %arg5[%add3A_85, %dma_start3A_91] : memref<16384x1000xf32, #tpu.memory_space<hbm>> -> memref<32x896xf32, #tpu.memory_space<hbm>>
    %dma_start3A_93 = arith.constant 0 : i32
    %dma_start3A_94 = arith.constant 0 : i32
    %dma_start3A_95 = tpu.memref_slice %arg8[%dma_start3A_93, %dma_start3A_94] : memref<32x1024xf32, #tpu.memory_space<vmem>> -> memref<32x896xf32, #tpu.memory_space<vmem>>
    tpu.enqueue_dma source(%dma_start3A_95 : memref<32x896xf32, #tpu.memory_space<vmem>>) target(%dma_start3A_92 : memref<32x896xf32, #tpu.memory_space<hbm>>) target_semaphore(%arg16 : memref<!tpu.dma_semaphore, #tpu.memory_space<semaphore_mem>>)
    %add3A_96 = arith.constant 32 : i32
    %add3A_97 = arith.addi %mul3A_2, %add3A_96 : i32
    %dma_start3A_98 = arith.constant 896 : i32
    %dma_start3A_99 = tpu.memref_slice %arg5[%add3A_97, %dma_start3A_98] : memref<16384x1000xf32, #tpu.memory_space<hbm>> -> memref<32x104xf32, #tpu.memory_space<hbm>>
    %dma_start3A_100 = arith.constant 896 : i32
    %dma_start3A_101 = tpu.memref_slice %arg5[%add3A_97, %dma_start3A_100] : memref<16384x1000xf32, #tpu.memory_space<hbm>> -> memref<32x104xf32, #tpu.memory_space<hbm>>
    tpu.enqueue_dma source(%arg10 : memref<32x104xf32, #tpu.memory_space<vmem>>) target(%dma_start3A_101 : memref<32x104xf32, #tpu.memory_space<hbm>>) target_semaphore(%arg18 : memref<!tpu.dma_semaphore, #tpu.memory_space<semaphore_mem>>)
    %dma_wait3A_102 = arith.constant 0 : i32
    %dma_wait3A_103 = arith.constant 0 : i32
    %dma_wait3A_104 = tpu.memref_slice %arg8[%dma_wait3A_102, %dma_wait3A_103] : memref<32x1024xf32, #tpu.memory_space<vmem>> -> memref<32x896xf32, #tpu.memory_space<vmem>>
    %dma_wait3A_105 = arith.constant 0 : i32
    %dma_wait3A_106 = tpu.memref_slice %arg5[%add3A_85, %dma_wait3A_105] : memref<16384x1000xf32, #tpu.memory_space<hbm>> -> memref<32x896xf32, #tpu.memory_space<hbm>>
    %dma_wait3A_107 = arith.constant 0 : i32
    %dma_wait3A_108 = tpu.memref_slice %arg5[%add3A_85, %dma_wait3A_107] : memref<16384x1000xf32, #tpu.memory_space<hbm>> -> memref<32x896xf32, #tpu.memory_space<hbm>>
    %dma_wait3A_109 = arith.constant 0 : i32
    %dma_wait3A_110 = arith.constant 0 : i32
    %dma_wait3A_111 = tpu.memref_slice %arg8[%dma_wait3A_109, %dma_wait3A_110] : memref<32x1024xf32, #tpu.memory_space<vmem>> -> memref<32x896xf32, #tpu.memory_space<vmem>>
    tpu.wait_dma2 semaphore(%arg16 : memref<!tpu.dma_semaphore, #tpu.memory_space<semaphore_mem>>) src(%dma_wait3A_111 : memref<32x896xf32, #tpu.memory_space<vmem>>) dst(%dma_wait3A_108 : memref<32x896xf32, #tpu.memory_space<hbm>>)
    %dma_wait3A_112 = arith.constant 896 : i32
    %dma_wait3A_113 = tpu.memref_slice %arg5[%add3A_97, %dma_wait3A_112] : memref<16384x1000xf32, #tpu.memory_space<hbm>> -> memref<32x104xf32, #tpu.memory_space<hbm>>
    %dma_wait3A_114 = arith.constant 896 : i32
    %dma_wait3A_115 = tpu.memref_slice %arg5[%add3A_97, %dma_wait3A_114] : memref<16384x1000xf32, #tpu.memory_space<hbm>> -> memref<32x104xf32, #tpu.memory_space<hbm>>
    tpu.wait_dma2 semaphore(%arg18 : memref<!tpu.dma_semaphore, #tpu.memory_space<semaphore_mem>>) src(%arg10 : memref<32x104xf32, #tpu.memory_space<vmem>>) dst(%dma_wait3A_115 : memref<32x104xf32, #tpu.memory_space<hbm>>)
    %dma_start3A_116 = arith.constant 96 : i32
    %dma_start3A_117 = tpu.memref_slice %arg6[%dma_start3A_116] : memref<512xi32, #tpu.memory_space<vmem>> -> memref<32xi32, #tpu.memory_space<vmem>>
    %dma_start3A_118 = arith.constant 0 : i32
    %dma_start3A_119 = arith.constant 0 : i32
    %dma_start3A_120 = tpu.memref_slice %arg2[%dma_start3A_118, %dma_start3A_119] : memref<100x1024xf32, #tpu.memory_space<hbm>> -> memref<100x1024xf32, #tpu.memory_space<hbm>>
    tpu.enqueue_indirect_dma source(%dma_start3A_120 : memref<100x1024xf32, #tpu.memory_space<hbm>>) target(%arg8 : memref<32x1024xf32, #tpu.memory_space<vmem>>) offsets(%dma_start3A_117 : memref<32xi32, #tpu.memory_space<vmem>>) semaphore(%arg12 : memref<!tpu.dma_semaphore, #tpu.memory_space<semaphore_mem>>)
    %add3A_121 = arith.constant 96 : i32
    %add3A_122 = arith.addi %mul3A_2, %add3A_121 : i32
    %dma_start3A_123 = arith.constant 0 : i32
    %dma_start3A_124 = tpu.memref_slice %arg4[%add3A_122, %dma_start3A_123] : memref<16384x104xf32, #tpu.memory_space<hbm>> -> memref<32x104xf32, #tpu.memory_space<hbm>>
    %dma_start3A_125 = arith.constant 0 : i32
    %dma_start3A_126 = tpu.memref_slice %arg4[%add3A_122, %dma_start3A_125] : memref<16384x104xf32, #tpu.memory_space<hbm>> -> memref<32x104xf32, #tpu.memory_space<hbm>>
    tpu.enqueue_dma source(%dma_start3A_126 : memref<32x104xf32, #tpu.memory_space<hbm>>) target(%arg10 : memref<32x104xf32, #tpu.memory_space<vmem>>) target_semaphore(%arg14 : memref<!tpu.dma_semaphore, #tpu.memory_space<semaphore_mem>>)
    %dma_wait3A_127 = arith.constant 64 : i32
    %dma_wait3A_128 = tpu.memref_slice %arg6[%dma_wait3A_127] : memref<512xi32, #tpu.memory_space<vmem>> -> memref<32xi32, #tpu.memory_space<vmem>>
    %dma_wait3A_129 = arith.constant 0 : i32
    %dma_wait3A_130 = arith.constant 0 : i32
    %dma_wait3A_131 = tpu.memref_slice %arg2[%dma_wait3A_129, %dma_wait3A_130] : memref<100x1024xf32, #tpu.memory_space<hbm>> -> memref<100x1024xf32, #tpu.memory_space<hbm>>
    tpu.wait_indirect_dma semaphore(%arg11 : memref<!tpu.dma_semaphore, #tpu.memory_space<semaphore_mem>>) src(%dma_wait3A_131 : memref<100x1024xf32, #tpu.memory_space<hbm>>) dst(%arg7 : memref<32x1024xf32, #tpu.memory_space<vmem>>)
    %dma_wait3A_132 = arith.constant 0 : i32
    %dma_wait3A_133 = tpu.memref_slice %arg4[%add3A_70, %dma_wait3A_132] : memref<16384x104xf32, #tpu.memory_space<hbm>> -> memref<32x104xf32, #tpu.memory_space<hbm>>
    %dma_wait3A_134 = arith.constant 0 : i32
    %dma_wait3A_135 = tpu.memref_slice %arg4[%add3A_70, %dma_wait3A_134] : memref<16384x104xf32, #tpu.memory_space<hbm>> -> memref<32x104xf32, #tpu.memory_space<hbm>>
    tpu.wait_dma2 semaphore(%arg13 : memref<!tpu.dma_semaphore, #tpu.memory_space<semaphore_mem>>) src(%dma_wait3A_135 : memref<32x104xf32, #tpu.memory_space<hbm>>) dst(%arg9 : memref<32x104xf32, #tpu.memory_space<vmem>>)
    %add3A_136 = arith.constant 64 : i32
    %add3A_137 = arith.addi %mul3A_2, %add3A_136 : i32
    %dma_start3A_138 = arith.constant 0 : i32
    %dma_start3A_139 = arith.constant 0 : i32
    %dma_start3A_140 = tpu.memref_slice %arg7[%dma_start3A_138, %dma_start3A_139] : memref<32x1024xf32, #tpu.memory_space<vmem>> -> memref<32x896xf32, #tpu.memory_space<vmem>>
    %dma_start3A_141 = arith.constant 0 : i32
    %dma_start3A_142 = tpu.memref_slice %arg5[%add3A_137, %dma_start3A_141] : memref<16384x1000xf32, #tpu.memory_space<hbm>> -> memref<32x896xf32, #tpu.memory_space<hbm>>
    %dma_start3A_143 = arith.constant 0 : i32
    %dma_start3A_144 = tpu.memref_slice %arg5[%add3A_137, %dma_start3A_143] : memref<16384x1000xf32, #tpu.memory_space<hbm>> -> memref<32x896xf32, #tpu.memory_space<hbm>>
    %dma_start3A_145 = arith.constant 0 : i32
    %dma_start3A_146 = arith.constant 0 : i32
    %dma_start3A_147 = tpu.memref_slice %arg7[%dma_start3A_145, %dma_start3A_146] : memref<32x1024xf32, #tpu.memory_space<vmem>> -> memref<32x896xf32, #tpu.memory_space<vmem>>
    tpu.enqueue_dma source(%dma_start3A_147 : memref<32x896xf32, #tpu.memory_space<vmem>>) target(%dma_start3A_144 : memref<32x896xf32, #tpu.memory_space<hbm>>) target_semaphore(%arg15 : memref<!tpu.dma_semaphore, #tpu.memory_space<semaphore_mem>>)
    %add3A_148 = arith.constant 64 : i32
    %add3A_149 = arith.addi %mul3A_2, %add3A_148 : i32
    %dma_start3A_150 = arith.constant 896 : i32
    %dma_start3A_151 = tpu.memref_slice %arg5[%add3A_149, %dma_start3A_150] : memref<16384x1000xf32, #tpu.memory_space<hbm>> -> memref<32x104xf32, #tpu.memory_space<hbm>>
    %dma_start3A_152 = arith.constant 896 : i32
    %dma_start3A_153 = tpu.memref_slice %arg5[%add3A_149, %dma_start3A_152] : memref<16384x1000xf32, #tpu.memory_space<hbm>> -> memref<32x104xf32, #tpu.memory_space<hbm>>
    tpu.enqueue_dma source(%arg9 : memref<32x104xf32, #tpu.memory_space<vmem>>) target(%dma_start3A_153 : memref<32x104xf32, #tpu.memory_space<hbm>>) target_semaphore(%arg17 : memref<!tpu.dma_semaphore, #tpu.memory_space<semaphore_mem>>)
    %dma_wait3A_154 = arith.constant 0 : i32
    %dma_wait3A_155 = arith.constant 0 : i32
    %dma_wait3A_156 = tpu.memref_slice %arg7[%dma_wait3A_154, %dma_wait3A_155] : memref<32x1024xf32, #tpu.memory_space<vmem>> -> memref<32x896xf32, #tpu.memory_space<vmem>>
    %dma_wait3A_157 = arith.constant 0 : i32
    %dma_wait3A_158 = tpu.memref_slice %arg5[%add3A_137, %dma_wait3A_157] : memref<16384x1000xf32, #tpu.memory_space<hbm>> -> memref<32x896xf32, #tpu.memory_space<hbm>>
    %dma_wait3A_159 = arith.constant 0 : i32
    %dma_wait3A_160 = tpu.memref_slice %arg5[%add3A_137, %dma_wait3A_159] : memref<16384x1000xf32, #tpu.memory_space<hbm>> -> memref<32x896xf32, #tpu.memory_space<hbm>>
    %dma_wait3A_161 = arith.constant 0 : i32
    %dma_wait3A_162 = arith.constant 0 : i32
    %dma_wait3A_163 = tpu.memref_slice %arg7[%dma_wait3A_161, %dma_wait3A_162] : memref<32x1024xf32, #tpu.memory_space<vmem>> -> memref<32x896xf32, #tpu.memory_space<vmem>>
    tpu.wait_dma2 semaphore(%arg15 : memref<!tpu.dma_semaphore, #tpu.memory_space<semaphore_mem>>) src(%dma_wait3A_163 : memref<32x896xf32, #tpu.memory_space<vmem>>) dst(%dma_wait3A_160 : memref<32x896xf32, #tpu.memory_space<hbm>>)
    %dma_wait3A_164 = arith.constant 896 : i32
    %dma_wait3A_165 = tpu.memref_slice %arg5[%add3A_149, %dma_wait3A_164] : memref<16384x1000xf32, #tpu.memory_space<hbm>> -> memref<32x104xf32, #tpu.memory_space<hbm>>
    %dma_wait3A_166 = arith.constant 896 : i32
    %dma_wait3A_167 = tpu.memref_slice %arg5[%add3A_149, %dma_wait3A_166] : memref<16384x1000xf32, #tpu.memory_space<hbm>> -> memref<32x104xf32, #tpu.memory_space<hbm>>
    tpu.wait_dma2 semaphore(%arg17 : memref<!tpu.dma_semaphore, #tpu.memory_space<semaphore_mem>>) src(%arg9 : memref<32x104xf32, #tpu.memory_space<vmem>>) dst(%dma_wait3A_167 : memref<32x104xf32, #tpu.memory_space<hbm>>)
    %dma_start3A_168 = arith.constant 128 : i32
    %dma_start3A_169 = tpu.memref_slice %arg6[%dma_start3A_168] : memref<512xi32, #tpu.memory_space<vmem>> -> memref<32xi32, #tpu.memory_space<vmem>>
    %dma_start3A_170 = arith.constant 0 : i32
    %dma_start3A_171 = arith.constant 0 : i32
    %dma_start3A_172 = tpu.memref_slice %arg2[%dma_start3A_170, %dma_start3A_171] : memref<100x1024xf32, #tpu.memory_space<hbm>> -> memref<100x1024xf32, #tpu.memory_space<hbm>>
    tpu.enqueue_indirect_dma source(%dma_start3A_172 : memref<100x1024xf32, #tpu.memory_space<hbm>>) target(%arg7 : memref<32x1024xf32, #tpu.memory_space<vmem>>) offsets(%dma_start3A_169 : memref<32xi32, #tpu.memory_space<vmem>>) semaphore(%arg11 : memref<!tpu.dma_semaphore, #tpu.memory_space<semaphore_mem>>)
    %add3A_173 = arith.constant 128 : i32
    %add3A_174 = arith.addi %mul3A_2, %add3A_173 : i32
    %dma_start3A_175 = arith.constant 0 : i32
    %dma_start3A_176 = tpu.memref_slice %arg4[%add3A_174, %dma_start3A_175] : memref<16384x104xf32, #tpu.memory_space<hbm>> -> memref<32x104xf32, #tpu.memory_space<hbm>>
    %dma_start3A_177 = arith.constant 0 : i32
    %dma_start3A_178 = tpu.memref_slice %arg4[%add3A_174, %dma_start3A_177] : memref<16384x104xf32, #tpu.memory_space<hbm>> -> memref<32x104xf32, #tpu.memory_space<hbm>>
    tpu.enqueue_dma source(%dma_start3A_178 : memref<32x104xf32, #tpu.memory_space<hbm>>) target(%arg9 : memref<32x104xf32, #tpu.memory_space<vmem>>) target_semaphore(%arg13 : memref<!tpu.dma_semaphore, #tpu.memory_space<semaphore_mem>>)
    %dma_wait3A_179 = arith.constant 96 : i32
    %dma_wait3A_180 = tpu.memref_slice %arg6[%dma_wait3A_179] : memref<512xi32, #tpu.memory_space<vmem>> -> memref<32xi32, #tpu.memory_space<vmem>>
    %dma_wait3A_181 = arith.constant 0 : i32
    %dma_wait3A_182 = arith.constant 0 : i32
    %dma_wait3A_183 = tpu.memref_slice %arg2[%dma_wait3A_181, %dma_wait3A_182] : memref<100x1024xf32, #tpu.memory_space<hbm>> -> memref<100x1024xf32, #tpu.memory_space<hbm>>
    tpu.wait_indirect_dma semaphore(%arg12 : memref<!tpu.dma_semaphore, #tpu.memory_space<semaphore_mem>>) src(%dma_wait3A_183 : memref<100x1024xf32, #tpu.memory_space<hbm>>) dst(%arg8 : memref<32x1024xf32, #tpu.memory_space<vmem>>)
    %dma_wait3A_184 = arith.constant 0 : i32
    %dma_wait3A_185 = tpu.memref_slice %arg4[%add3A_122, %dma_wait3A_184] : memref<16384x104xf32, #tpu.memory_space<hbm>> -> memref<32x104xf32, #tpu.memory_space<hbm>>
    %dma_wait3A_186 = arith.constant 0 : i32
    %dma_wait3A_187 = tpu.memref_slice %arg4[%add3A_122, %dma_wait3A_186] : memref<16384x104xf32, #tpu.memory_space<hbm>> -> memref<32x104xf32, #tpu.memory_space<hbm>>
    tpu.wait_dma2 semaphore(%arg14 : memref<!tpu.dma_semaphore, #tpu.memory_space<semaphore_mem>>) src(%dma_wait3A_187 : memref<32x104xf32, #tpu.memory_space<hbm>>) dst(%arg10 : memref<32x104xf32, #tpu.memory_space<vmem>>)
    %add3A_188 = arith.constant 96 : i32
    %add3A_189 = arith.addi %mul3A_2, %add3A_188 : i32
    %dma_start3A_190 = arith.constant 0 : i32
    %dma_start3A_191 = arith.constant 0 : i32
    %dma_start3A_192 = tpu.memref_slice %arg8[%dma_start3A_190, %dma_start3A_191] : memref<32x1024xf32, #tpu.memory_space<vmem>> -> memref<32x896xf32, #tpu.memory_space<vmem>>
    %dma_start3A_193 = arith.constant 0 : i32
    %dma_start3A_194 = tpu.memref_slice %arg5[%add3A_189, %dma_start3A_193] : memref<16384x1000xf32, #tpu.memory_space<hbm>> -> memref<32x896xf32, #tpu.memory_space<hbm>>
    %dma_start3A_195 = arith.constant 0 : i32
    %dma_start3A_196 = tpu.memref_slice %arg5[%add3A_189, %dma_start3A_195] : memref<16384x1000xf32, #tpu.memory_space<hbm>> -> memref<32x896xf32, #tpu.memory_space<hbm>>
    %dma_start3A_197 = arith.constant 0 : i32
    %dma_start3A_198 = arith.constant 0 : i32
    %dma_start3A_199 = tpu.memref_slice %arg8[%dma_start3A_197, %dma_start3A_198] : memref<32x1024xf32, #tpu.memory_space<vmem>> -> memref<32x896xf32, #tpu.memory_space<vmem>>
    tpu.enqueue_dma source(%dma_start3A_199 : memref<32x896xf32, #tpu.memory_space<vmem>>) target(%dma_start3A_196 : memref<32x896xf32, #tpu.memory_space<hbm>>) target_semaphore(%arg16 : memref<!tpu.dma_semaphore, #tpu.memory_space<semaphore_mem>>)
    %add3A_200 = arith.constant 96 : i32
    %add3A_201 = arith.addi %mul3A_2, %add3A_200 : i32
    %dma_start3A_202 = arith.constant 896 : i32
    %dma_start3A_203 = tpu.memref_slice %arg5[%add3A_201, %dma_start3A_202] : memref<16384x1000xf32, #tpu.memory_space<hbm>> -> memref<32x104xf32, #tpu.memory_space<hbm>>
    %dma_start3A_204 = arith.constant 896 : i32
    %dma_start3A_205 = tpu.memref_slice %arg5[%add3A_201, %dma_start3A_204] : memref<16384x1000xf32, #tpu.memory_space<hbm>> -> memref<32x104xf32, #tpu.memory_space<hbm>>
    tpu.enqueue_dma source(%arg10 : memref<32x104xf32, #tpu.memory_space<vmem>>) target(%dma_start3A_205 : memref<32x104xf32, #tpu.memory_space<hbm>>) target_semaphore(%arg18 : memref<!tpu.dma_semaphore, #tpu.memory_space<semaphore_mem>>)
    %dma_wait3A_206 = arith.constant 0 : i32
    %dma_wait3A_207 = arith.constant 0 : i32
    %dma_wait3A_208 = tpu.memref_slice %arg8[%dma_wait3A_206, %dma_wait3A_207] : memref<32x1024xf32, #tpu.memory_space<vmem>> -> memref<32x896xf32, #tpu.memory_space<vmem>>
    %dma_wait3A_209 = arith.constant 0 : i32
    %dma_wait3A_210 = tpu.memref_slice %arg5[%add3A_189, %dma_wait3A_209] : memref<16384x1000xf32, #tpu.memory_space<hbm>> -> memref<32x896xf32, #tpu.memory_space<hbm>>
    %dma_wait3A_211 = arith.constant 0 : i32
    %dma_wait3A_212 = tpu.memref_slice %arg5[%add3A_189, %dma_wait3A_211] : memref<16384x1000xf32, #tpu.memory_space<hbm>> -> memref<32x896xf32, #tpu.memory_space<hbm>>
    %dma_wait3A_213 = arith.constant 0 : i32
    %dma_wait3A_214 = arith.constant 0 : i32
    %dma_wait3A_215 = tpu.memref_slice %arg8[%dma_wait3A_213, %dma_wait3A_214] : memref<32x1024xf32, #tpu.memory_space<vmem>> -> memref<32x896xf32, #tpu.memory_space<vmem>>
    tpu.wait_dma2 semaphore(%arg16 : memref<!tpu.dma_semaphore, #tpu.memory_space<semaphore_mem>>) src(%dma_wait3A_215 : memref<32x896xf32, #tpu.memory_space<vmem>>) dst(%dma_wait3A_212 : memref<32x896xf32, #tpu.memory_space<hbm>>)
    %dma_wait3A_216 = arith.constant 896 : i32
    %dma_wait3A_217 = tpu.memref_slice %arg5[%add3A_201, %dma_wait3A_216] : memref<16384x1000xf32, #tpu.memory_space<hbm>> -> memref<32x104xf32, #tpu.memory_space<hbm>>
    %dma_wait3A_218 = arith.constant 896 : i32
    %dma_wait3A_219 = tpu.memref_slice %arg5[%add3A_201, %dma_wait3A_218] : memref<16384x1000xf32, #tpu.memory_space<hbm>> -> memref<32x104xf32, #tpu.memory_space<hbm>>
    tpu.wait_dma2 semaphore(%arg18 : memref<!tpu.dma_semaphore, #tpu.memory_space<semaphore_mem>>) src(%arg10 : memref<32x104xf32, #tpu.memory_space<vmem>>) dst(%dma_wait3A_219 : memref<32x104xf32, #tpu.memory_space<hbm>>)
    %dma_start3A_220 = arith.constant 160 : i32
    %dma_start3A_221 = tpu.memref_slice %arg6[%dma_start3A_220] : memref<512xi32, #tpu.memory_space<vmem>> -> memref<32xi32, #tpu.memory_space<vmem>>
    %dma_start3A_222 = arith.constant 0 : i32
    %dma_start3A_223 = arith.constant 0 : i32
    %dma_start3A_224 = tpu.memref_slice %arg2[%dma_start3A_222, %dma_start3A_223] : memref<100x1024xf32, #tpu.memory_space<hbm>> -> memref<100x1024xf32, #tpu.memory_space<hbm>>
    tpu.enqueue_indirect_dma source(%dma_start3A_224 : memref<100x1024xf32, #tpu.memory_space<hbm>>) target(%arg8 : memref<32x1024xf32, #tpu.memory_space<vmem>>) offsets(%dma_start3A_221 : memref<32xi32, #tpu.memory_space<vmem>>) semaphore(%arg12 : memref<!tpu.dma_semaphore, #tpu.memory_space<semaphore_mem>>)
    %add3A_225 = arith.constant 160 : i32
    %add3A_226 = arith.addi %mul3A_2, %add3A_225 : i32
    %dma_start3A_227 = arith.constant 0 : i32
    %dma_start3A_228 = tpu.memref_slice %arg4[%add3A_226, %dma_start3A_227] : memref<16384x104xf32, #tpu.memory_space<hbm>> -> memref<32x104xf32, #tpu.memory_space<hbm>>
    %dma_start3A_229 = arith.constant 0 : i32
    %dma_start3A_230 = tpu.memref_slice %arg4[%add3A_226, %dma_start3A_229] : memref<16384x104xf32, #tpu.memory_space<hbm>> -> memref<32x104xf32, #tpu.memory_space<hbm>>
    tpu.enqueue_dma source(%dma_start3A_230 : memref<32x104xf32, #tpu.memory_space<hbm>>) target(%arg10 : memref<32x104xf32, #tpu.memory_space<vmem>>) target_semaphore(%arg14 : memref<!tpu.dma_semaphore, #tpu.memory_space<semaphore_mem>>)
    %dma_wait3A_231 = arith.constant 128 : i32
    %dma_wait3A_232 = tpu.memref_slice %arg6[%dma_wait3A_231] : memref<512xi32, #tpu.memory_space<vmem>> -> memref<32xi32, #tpu.memory_space<vmem>>
    %dma_wait3A_233 = arith.constant 0 : i32
    %dma_wait3A_234 = arith.constant 0 : i32
    %dma_wait3A_235 = tpu.memref_slice %arg2[%dma_wait3A_233, %dma_wait3A_234] : memref<100x1024xf32, #tpu.memory_space<hbm>> -> memref<100x1024xf32, #tpu.memory_space<hbm>>
    tpu.wait_indirect_dma semaphore(%arg11 : memref<!tpu.dma_semaphore, #tpu.memory_space<semaphore_mem>>) src(%dma_wait3A_235 : memref<100x1024xf32, #tpu.memory_space<hbm>>) dst(%arg7 : memref<32x1024xf32, #tpu.memory_space<vmem>>)
    %dma_wait3A_236 = arith.constant 0 : i32
    %dma_wait3A_237 = tpu.memref_slice %arg4[%add3A_174, %dma_wait3A_236] : memref<16384x104xf32, #tpu.memory_space<hbm>> -> memref<32x104xf32, #tpu.memory_space<hbm>>
    %dma_wait3A_238 = arith.constant 0 : i32
    %dma_wait3A_239 = tpu.memref_slice %arg4[%add3A_174, %dma_wait3A_238] : memref<16384x104xf32, #tpu.memory_space<hbm>> -> memref<32x104xf32, #tpu.memory_space<hbm>>
    tpu.wait_dma2 semaphore(%arg13 : memref<!tpu.dma_semaphore, #tpu.memory_space<semaphore_mem>>) src(%dma_wait3A_239 : memref<32x104xf32, #tpu.memory_space<hbm>>) dst(%arg9 : memref<32x104xf32, #tpu.memory_space<vmem>>)
    %add3A_240 = arith.constant 128 : i32
    %add3A_241 = arith.addi %mul3A_2, %add3A_240 : i32
    %dma_start3A_242 = arith.constant 0 : i32
    %dma_start3A_243 = arith.constant 0 : i32
    %dma_start3A_244 = tpu.memref_slice %arg7[%dma_start3A_242, %dma_start3A_243] : memref<32x1024xf32, #tpu.memory_space<vmem>> -> memref<32x896xf32, #tpu.memory_space<vmem>>
    %dma_start3A_245 = arith.constant 0 : i32
    %dma_start3A_246 = tpu.memref_slice %arg5[%add3A_241, %dma_start3A_245] : memref<16384x1000xf32, #tpu.memory_space<hbm>> -> memref<32x896xf32, #tpu.memory_space<hbm>>
    %dma_start3A_247 = arith.constant 0 : i32
    %dma_start3A_248 = tpu.memref_slice %arg5[%add3A_241, %dma_start3A_247] : memref<16384x1000xf32, #tpu.memory_space<hbm>> -> memref<32x896xf32, #tpu.memory_space<hbm>>
    %dma_start3A_249 = arith.constant 0 : i32
    %dma_start3A_250 = arith.constant 0 : i32
    %dma_start3A_251 = tpu.memref_slice %arg7[%dma_start3A_249, %dma_start3A_250] : memref<32x1024xf32, #tpu.memory_space<vmem>> -> memref<32x896xf32, #tpu.memory_space<vmem>>
    tpu.enqueue_dma source(%dma_start3A_251 : memref<32x896xf32, #tpu.memory_space<vmem>>) target(%dma_start3A_248 : memref<32x896xf32, #tpu.memory_space<hbm>>) target_semaphore(%arg15 : memref<!tpu.dma_semaphore, #tpu.memory_space<semaphore_mem>>)
    %add3A_252 = arith.constant 128 : i32
    %add3A_253 = arith.addi %mul3A_2, %add3A_252 : i32
    %dma_start3A_254 = arith.constant 896 : i32
    %dma_start3A_255 = tpu.memref_slice %arg5[%add3A_253, %dma_start3A_254] : memref<16384x1000xf32, #tpu.memory_space<hbm>> -> memref<32x104xf32, #tpu.memory_space<hbm>>
    %dma_start3A_256 = arith.constant 896 : i32
    %dma_start3A_257 = tpu.memref_slice %arg5[%add3A_253, %dma_start3A_256] : memref<16384x1000xf32, #tpu.memory_space<hbm>> -> memref<32x104xf32, #tpu.memory_space<hbm>>
    tpu.enqueue_dma source(%arg9 : memref<32x104xf32, #tpu.memory_space<vmem>>) target(%dma_start3A_257 : memref<32x104xf32, #tpu.memory_space<hbm>>) target_semaphore(%arg17 : memref<!tpu.dma_semaphore, #tpu.memory_space<semaphore_mem>>)
    %dma_wait3A_258 = arith.constant 0 : i32
    %dma_wait3A_259 = arith.constant 0 : i32
    %dma_wait3A_260 = tpu.memref_slice %arg7[%dma_wait3A_258, %dma_wait3A_259] : memref<32x1024xf32, #tpu.memory_space<vmem>> -> memref<32x896xf32, #tpu.memory_space<vmem>>
    %dma_wait3A_261 = arith.constant 0 : i32
    %dma_wait3A_262 = tpu.memref_slice %arg5[%add3A_241, %dma_wait3A_261] : memref<16384x1000xf32, #tpu.memory_space<hbm>> -> memref<32x896xf32, #tpu.memory_space<hbm>>
    %dma_wait3A_263 = arith.constant 0 : i32
    %dma_wait3A_264 = tpu.memref_slice %arg5[%add3A_241, %dma_wait3A_263] : memref<16384x1000xf32, #tpu.memory_space<hbm>> -> memref<32x896xf32, #tpu.memory_space<hbm>>
    %dma_wait3A_265 = arith.constant 0 : i32
    %dma_wait3A_266 = arith.constant 0 : i32
    %dma_wait3A_267 = tpu.memref_slice %arg7[%dma_wait3A_265, %dma_wait3A_266] : memref<32x1024xf32, #tpu.memory_space<vmem>> -> memref<32x896xf32, #tpu.memory_space<vmem>>
    tpu.wait_dma2 semaphore(%arg15 : memref<!tpu.dma_semaphore, #tpu.memory_space<semaphore_mem>>) src(%dma_wait3A_267 : memref<32x896xf32, #tpu.memory_space<vmem>>) dst(%dma_wait3A_264 : memref<32x896xf32, #tpu.memory_space<hbm>>)
    %dma_wait3A_268 = arith.constant 896 : i32
    %dma_wait3A_269 = tpu.memref_slice %arg5[%add3A_253, %dma_wait3A_268] : memref<16384x1000xf32, #tpu.memory_space<hbm>> -> memref<32x104xf32, #tpu.memory_space<hbm>>
    %dma_wait3A_270 = arith.constant 896 : i32
    %dma_wait3A_271 = tpu.memref_slice %arg5[%add3A_253, %dma_wait3A_270] : memref<16384x1000xf32, #tpu.memory_space<hbm>> -> memref<32x104xf32, #tpu.memory_space<hbm>>
    tpu.wait_dma2 semaphore(%arg17 : memref<!tpu.dma_semaphore, #tpu.memory_space<semaphore_mem>>) src(%arg9 : memref<32x104xf32, #tpu.memory_space<vmem>>) dst(%dma_wait3A_271 : memref<32x104xf32, #tpu.memory_space<hbm>>)
    %dma_start3A_272 = arith.constant 192 : i32
    %dma_start3A_273 = tpu.memref_slice %arg6[%dma_start3A_272] : memref<512xi32, #tpu.memory_space<vmem>> -> memref<32xi32, #tpu.memory_space<vmem>>
    %dma_start3A_274 = arith.constant 0 : i32
    %dma_start3A_275 = arith.constant 0 : i32
    %dma_start3A_276 = tpu.memref_slice %arg2[%dma_start3A_274, %dma_start3A_275] : memref<100x1024xf32, #tpu.memory_space<hbm>> -> memref<100x1024xf32, #tpu.memory_space<hbm>>
    tpu.enqueue_indirect_dma source(%dma_start3A_276 : memref<100x1024xf32, #tpu.memory_space<hbm>>) target(%arg7 : memref<32x1024xf32, #tpu.memory_space<vmem>>) offsets(%dma_start3A_273 : memref<32xi32, #tpu.memory_space<vmem>>) semaphore(%arg11 : memref<!tpu.dma_semaphore, #tpu.memory_space<semaphore_mem>>)
    %add3A_277 = arith.constant 192 : i32
    %add3A_278 = arith.addi %mul3A_2, %add3A_277 : i32
    %dma_start3A_279 = arith.constant 0 : i32
    %dma_start3A_280 = tpu.memref_slice %arg4[%add3A_278, %dma_start3A_279] : memref<16384x104xf32, #tpu.memory_space<hbm>> -> memref<32x104xf32, #tpu.memory_space<hbm>>
    %dma_start3A_281 = arith.constant 0 : i32
    %dma_start3A_282 = tpu.memref_slice %arg4[%add3A_278, %dma_start3A_281] : memref<16384x104xf32, #tpu.memory_space<hbm>> -> memref<32x104xf32, #tpu.memory_space<hbm>>
    tpu.enqueue_dma source(%dma_start3A_282 : memref<32x104xf32, #tpu.memory_space<hbm>>) target(%arg9 : memref<32x104xf32, #tpu.memory_space<vmem>>) target_semaphore(%arg13 : memref<!tpu.dma_semaphore, #tpu.memory_space<semaphore_mem>>)
    %dma_wait3A_283 = arith.constant 160 : i32
    %dma_wait3A_284 = tpu.memref_slice %arg6[%dma_wait3A_283] : memref<512xi32, #tpu.memory_space<vmem>> -> memref<32xi32, #tpu.memory_space<vmem>>
    %dma_wait3A_285 = arith.constant 0 : i32
    %dma_wait3A_286 = arith.constant 0 : i32
    %dma_wait3A_287 = tpu.memref_slice %arg2[%dma_wait3A_285, %dma_wait3A_286] : memref<100x1024xf32, #tpu.memory_space<hbm>> -> memref<100x1024xf32, #tpu.memory_space<hbm>>
    tpu.wait_indirect_dma semaphore(%arg12 : memref<!tpu.dma_semaphore, #tpu.memory_space<semaphore_mem>>) src(%dma_wait3A_287 : memref<100x1024xf32, #tpu.memory_space<hbm>>) dst(%arg8 : memref<32x1024xf32, #tpu.memory_space<vmem>>)
    %dma_wait3A_288 = arith.constant 0 : i32
    %dma_wait3A_289 = tpu.memref_slice %arg4[%add3A_226, %dma_wait3A_288] : memref<16384x104xf32, #tpu.memory_space<hbm>> -> memref<32x104xf32, #tpu.memory_space<hbm>>
    %dma_wait3A_290 = arith.constant 0 : i32
    %dma_wait3A_291 = tpu.memref_slice %arg4[%add3A_226, %dma_wait3A_290] : memref<16384x104xf32, #tpu.memory_space<hbm>> -> memref<32x104xf32, #tpu.memory_space<hbm>>
    tpu.wait_dma2 semaphore(%arg14 : memref<!tpu.dma_semaphore, #tpu.memory_space<semaphore_mem>>) src(%dma_wait3A_291 : memref<32x104xf32, #tpu.memory_space<hbm>>) dst(%arg10 : memref<32x104xf32, #tpu.memory_space<vmem>>)
    %add3A_292 = arith.constant 160 : i32
    %add3A_293 = arith.addi %mul3A_2, %add3A_292 : i32
    %dma_start3A_294 = arith.constant 0 : i32
    %dma_start3A_295 = arith.constant 0 : i32
    %dma_start3A_296 = tpu.memref_slice %arg8[%dma_start3A_294, %dma_start3A_295] : memref<32x1024xf32, #tpu.memory_space<vmem>> -> memref<32x896xf32, #tpu.memory_space<vmem>>
    %dma_start3A_297 = arith.constant 0 : i32
    %dma_start3A_298 = tpu.memref_slice %arg5[%add3A_293, %dma_start3A_297] : memref<16384x1000xf32, #tpu.memory_space<hbm>> -> memref<32x896xf32, #tpu.memory_space<hbm>>
    %dma_start3A_299 = arith.constant 0 : i32
    %dma_start3A_300 = tpu.memref_slice %arg5[%add3A_293, %dma_start3A_299] : memref<16384x1000xf32, #tpu.memory_space<hbm>> -> memref<32x896xf32, #tpu.memory_space<hbm>>
    %dma_start3A_301 = arith.constant 0 : i32
    %dma_start3A_302 = arith.constant 0 : i32
    %dma_start3A_303 = tpu.memref_slice %arg8[%dma_start3A_301, %dma_start3A_302] : memref<32x1024xf32, #tpu.memory_space<vmem>> -> memref<32x896xf32, #tpu.memory_space<vmem>>
    tpu.enqueue_dma source(%dma_start3A_303 : memref<32x896xf32, #tpu.memory_space<vmem>>) target(%dma_start3A_300 : memref<32x896xf32, #tpu.memory_space<hbm>>) target_semaphore(%arg16 : memref<!tpu.dma_semaphore, #tpu.memory_space<semaphore_mem>>)
    %add3A_304 = arith.constant 160 : i32
    %add3A_305 = arith.addi %mul3A_2, %add3A_304 : i32
    %dma_start3A_306 = arith.constant 896 : i32
    %dma_start3A_307 = tpu.memref_slice %arg5[%add3A_305, %dma_start3A_306] : memref<16384x1000xf32, #tpu.memory_space<hbm>> -> memref<32x104xf32, #tpu.memory_space<hbm>>
    %dma_start3A_308 = arith.constant 896 : i32
    %dma_start3A_309 = tpu.memref_slice %arg5[%add3A_305, %dma_start3A_308] : memref<16384x1000xf32, #tpu.memory_space<hbm>> -> memref<32x104xf32, #tpu.memory_space<hbm>>
    tpu.enqueue_dma source(%arg10 : memref<32x104xf32, #tpu.memory_space<vmem>>) target(%dma_start3A_309 : memref<32x104xf32, #tpu.memory_space<hbm>>) target_semaphore(%arg18 : memref<!tpu.dma_semaphore, #tpu.memory_space<semaphore_mem>>)
    %dma_wait3A_310 = arith.constant 0 : i32
    %dma_wait3A_311 = arith.constant 0 : i32
    %dma_wait3A_312 = tpu.memref_slice %arg8[%dma_wait3A_310, %dma_wait3A_311] : memref<32x1024xf32, #tpu.memory_space<vmem>> -> memref<32x896xf32, #tpu.memory_space<vmem>>
    %dma_wait3A_313 = arith.constant 0 : i32
    %dma_wait3A_314 = tpu.memref_slice %arg5[%add3A_293, %dma_wait3A_313] : memref<16384x1000xf32, #tpu.memory_space<hbm>> -> memref<32x896xf32, #tpu.memory_space<hbm>>
    %dma_wait3A_315 = arith.constant 0 : i32
    %dma_wait3A_316 = tpu.memref_slice %arg5[%add3A_293, %dma_wait3A_315] : memref<16384x1000xf32, #tpu.memory_space<hbm>> -> memref<32x896xf32, #tpu.memory_space<hbm>>
    %dma_wait3A_317 = arith.constant 0 : i32
    %dma_wait3A_318 = arith.constant 0 : i32
    %dma_wait3A_319 = tpu.memref_slice %arg8[%dma_wait3A_317, %dma_wait3A_318] : memref<32x1024xf32, #tpu.memory_space<vmem>> -> memref<32x896xf32, #tpu.memory_space<vmem>>
    tpu.wait_dma2 semaphore(%arg16 : memref<!tpu.dma_semaphore, #tpu.memory_space<semaphore_mem>>) src(%dma_wait3A_319 : memref<32x896xf32, #tpu.memory_space<vmem>>) dst(%dma_wait3A_316 : memref<32x896xf32, #tpu.memory_space<hbm>>)
    %dma_wait3A_320 = arith.constant 896 : i32
    %dma_wait3A_321 = tpu.memref_slice %arg5[%add3A_305, %dma_wait3A_320] : memref<16384x1000xf32, #tpu.memory_space<hbm>> -> memref<32x104xf32, #tpu.memory_space<hbm>>
    %dma_wait3A_322 = arith.constant 896 : i32
    %dma_wait3A_323 = tpu.memref_slice %arg5[%add3A_305, %dma_wait3A_322] : memref<16384x1000xf32, #tpu.memory_space<hbm>> -> memref<32x104xf32, #tpu.memory_space<hbm>>
    tpu.wait_dma2 semaphore(%arg18 : memref<!tpu.dma_semaphore, #tpu.memory_space<semaphore_mem>>) src(%arg10 : memref<32x104xf32, #tpu.memory_space<vmem>>) dst(%dma_wait3A_323 : memref<32x104xf32, #tpu.memory_space<hbm>>)
    %dma_start3A_324 = arith.constant 224 : i32
    %dma_start3A_325 = tpu.memref_slice %arg6[%dma_start3A_324] : memref<512xi32, #tpu.memory_space<vmem>> -> memref<32xi32, #tpu.memory_space<vmem>>
    %dma_start3A_326 = arith.constant 0 : i32
    %dma_start3A_327 = arith.constant 0 : i32
    %dma_start3A_328 = tpu.memref_slice %arg2[%dma_start3A_326, %dma_start3A_327] : memref<100x1024xf32, #tpu.memory_space<hbm>> -> memref<100x1024xf32, #tpu.memory_space<hbm>>
    tpu.enqueue_indirect_dma source(%dma_start3A_328 : memref<100x1024xf32, #tpu.memory_space<hbm>>) target(%arg8 : memref<32x1024xf32, #tpu.memory_space<vmem>>) offsets(%dma_start3A_325 : memref<32xi32, #tpu.memory_space<vmem>>) semaphore(%arg12 : memref<!tpu.dma_semaphore, #tpu.memory_space<semaphore_mem>>)
    %add3A_329 = arith.constant 224 : i32
    %add3A_330 = arith.addi %mul3A_2, %add3A_329 : i32
    %dma_start3A_331 = arith.constant 0 : i32
    %dma_start3A_332 = tpu.memref_slice %arg4[%add3A_330, %dma_start3A_331] : memref<16384x104xf32, #tpu.memory_space<hbm>> -> memref<32x104xf32, #tpu.memory_space<hbm>>
    %dma_start3A_333 = arith.constant 0 : i32
    %dma_start3A_334 = tpu.memref_slice %arg4[%add3A_330, %dma_start3A_333] : memref<16384x104xf32, #tpu.memory_space<hbm>> -> memref<32x104xf32, #tpu.memory_space<hbm>>
    tpu.enqueue_dma source(%dma_start3A_334 : memref<32x104xf32, #tpu.memory_space<hbm>>) target(%arg10 : memref<32x104xf32, #tpu.memory_space<vmem>>) target_semaphore(%arg14 : memref<!tpu.dma_semaphore, #tpu.memory_space<semaphore_mem>>)
    %dma_wait3A_335 = arith.constant 192 : i32
    %dma_wait3A_336 = tpu.memref_slice %arg6[%dma_wait3A_335] : memref<512xi32, #tpu.memory_space<vmem>> -> memref<32xi32, #tpu.memory_space<vmem>>
    %dma_wait3A_337 = arith.constant 0 : i32
    %dma_wait3A_338 = arith.constant 0 : i32
    %dma_wait3A_339 = tpu.memref_slice %arg2[%dma_wait3A_337, %dma_wait3A_338] : memref<100x1024xf32, #tpu.memory_space<hbm>> -> memref<100x1024xf32, #tpu.memory_space<hbm>>
    tpu.wait_indirect_dma semaphore(%arg11 : memref<!tpu.dma_semaphore, #tpu.memory_space<semaphore_mem>>) src(%dma_wait3A_339 : memref<100x1024xf32, #tpu.memory_space<hbm>>) dst(%arg7 : memref<32x1024xf32, #tpu.memory_space<vmem>>)
    %dma_wait3A_340 = arith.constant 0 : i32
    %dma_wait3A_341 = tpu.memref_slice %arg4[%add3A_278, %dma_wait3A_340] : memref<16384x104xf32, #tpu.memory_space<hbm>> -> memref<32x104xf32, #tpu.memory_space<hbm>>
    %dma_wait3A_342 = arith.constant 0 : i32
    %dma_wait3A_343 = tpu.memref_slice %arg4[%add3A_278, %dma_wait3A_342] : memref<16384x104xf32, #tpu.memory_space<hbm>> -> memref<32x104xf32, #tpu.memory_space<hbm>>
    tpu.wait_dma2 semaphore(%arg13 : memref<!tpu.dma_semaphore, #tpu.memory_space<semaphore_mem>>) src(%dma_wait3A_343 : memref<32x104xf32, #tpu.memory_space<hbm>>) dst(%arg9 : memref<32x104xf32, #tpu.memory_space<vmem>>)
    %add3A_344 = arith.constant 192 : i32
    %add3A_345 = arith.addi %mul3A_2, %add3A_344 : i32
    %dma_start3A_346 = arith.constant 0 : i32
    %dma_start3A_347 = arith.constant 0 : i32
    %dma_start3A_348 = tpu.memref_slice %arg7[%dma_start3A_346, %dma_start3A_347] : memref<32x1024xf32, #tpu.memory_space<vmem>> -> memref<32x896xf32, #tpu.memory_space<vmem>>
    %dma_start3A_349 = arith.constant 0 : i32
    %dma_start3A_350 = tpu.memref_slice %arg5[%add3A_345, %dma_start3A_349] : memref<16384x1000xf32, #tpu.memory_space<hbm>> -> memref<32x896xf32, #tpu.memory_space<hbm>>
    %dma_start3A_351 = arith.constant 0 : i32
    %dma_start3A_352 = tpu.memref_slice %arg5[%add3A_345, %dma_start3A_351] : memref<16384x1000xf32, #tpu.memory_space<hbm>> -> memref<32x896xf32, #tpu.memory_space<hbm>>
    %dma_start3A_353 = arith.constant 0 : i32
    %dma_start3A_354 = arith.constant 0 : i32
    %dma_start3A_355 = tpu.memref_slice %arg7[%dma_start3A_353, %dma_start3A_354] : memref<32x1024xf32, #tpu.memory_space<vmem>> -> memref<32x896xf32, #tpu.memory_space<vmem>>
    tpu.enqueue_dma source(%dma_start3A_355 : memref<32x896xf32, #tpu.memory_space<vmem>>) target(%dma_start3A_352 : memref<32x896xf32, #tpu.memory_space<hbm>>) target_semaphore(%arg15 : memref<!tpu.dma_semaphore, #tpu.memory_space<semaphore_mem>>)
    %add3A_356 = arith.constant 192 : i32
    %add3A_357 = arith.addi %mul3A_2, %add3A_356 : i32
    %dma_start3A_358 = arith.constant 896 : i32
    %dma_start3A_359 = tpu.memref_slice %arg5[%add3A_357, %dma_start3A_358] : memref<16384x1000xf32, #tpu.memory_space<hbm>> -> memref<32x104xf32, #tpu.memory_space<hbm>>
    %dma_start3A_360 = arith.constant 896 : i32
    %dma_start3A_361 = tpu.memref_slice %arg5[%add3A_357, %dma_start3A_360] : memref<16384x1000xf32, #tpu.memory_space<hbm>> -> memref<32x104xf32, #tpu.memory_space<hbm>>
    tpu.enqueue_dma source(%arg9 : memref<32x104xf32, #tpu.memory_space<vmem>>) target(%dma_start3A_361 : memref<32x104xf32, #tpu.memory_space<hbm>>) target_semaphore(%arg17 : memref<!tpu.dma_semaphore, #tpu.memory_space<semaphore_mem>>)
    %dma_wait3A_362 = arith.constant 0 : i32
    %dma_wait3A_363 = arith.constant 0 : i32
    %dma_wait3A_364 = tpu.memref_slice %arg7[%dma_wait3A_362, %dma_wait3A_363] : memref<32x1024xf32, #tpu.memory_space<vmem>> -> memref<32x896xf32, #tpu.memory_space<vmem>>
    %dma_wait3A_365 = arith.constant 0 : i32
    %dma_wait3A_366 = tpu.memref_slice %arg5[%add3A_345, %dma_wait3A_365] : memref<16384x1000xf32, #tpu.memory_space<hbm>> -> memref<32x896xf32, #tpu.memory_space<hbm>>
    %dma_wait3A_367 = arith.constant 0 : i32
    %dma_wait3A_368 = tpu.memref_slice %arg5[%add3A_345, %dma_wait3A_367] : memref<16384x1000xf32, #tpu.memory_space<hbm>> -> memref<32x896xf32, #tpu.memory_space<hbm>>
    %dma_wait3A_369 = arith.constant 0 : i32
    %dma_wait3A_370 = arith.constant 0 : i32
    %dma_wait3A_371 = tpu.memref_slice %arg7[%dma_wait3A_369, %dma_wait3A_370] : memref<32x1024xf32, #tpu.memory_space<vmem>> -> memref<32x896xf32, #tpu.memory_space<vmem>>
    tpu.wait_dma2 semaphore(%arg15 : memref<!tpu.dma_semaphore, #tpu.memory_space<semaphore_mem>>) src(%dma_wait3A_371 : memref<32x896xf32, #tpu.memory_space<vmem>>) dst(%dma_wait3A_368 : memref<32x896xf32, #tpu.memory_space<hbm>>)
    %dma_wait3A_372 = arith.constant 896 : i32
    %dma_wait3A_373 = tpu.memref_slice %arg5[%add3A_357, %dma_wait3A_372] : memref<16384x1000xf32, #tpu.memory_space<hbm>> -> memref<32x104xf32, #tpu.memory_space<hbm>>
    %dma_wait3A_374 = arith.constant 896 : i32
    %dma_wait3A_375 = tpu.memref_slice %arg5[%add3A_357, %dma_wait3A_374] : memref<16384x1000xf32, #tpu.memory_space<hbm>> -> memref<32x104xf32, #tpu.memory_space<hbm>>
    tpu.wait_dma2 semaphore(%arg17 : memref<!tpu.dma_semaphore, #tpu.memory_space<semaphore_mem>>) src(%arg9 : memref<32x104xf32, #tpu.memory_space<vmem>>) dst(%dma_wait3A_375 : memref<32x104xf32, #tpu.memory_space<hbm>>)
    %dma_start3A_376 = arith.constant 256 : i32
    %dma_start3A_377 = tpu.memref_slice %arg6[%dma_start3A_376] : memref<512xi32, #tpu.memory_space<vmem>> -> memref<32xi32, #tpu.memory_space<vmem>>
    %dma_start3A_378 = arith.constant 0 : i32
    %dma_start3A_379 = arith.constant 0 : i32
    %dma_start3A_380 = tpu.memref_slice %arg2[%dma_start3A_378, %dma_start3A_379] : memref<100x1024xf32, #tpu.memory_space<hbm>> -> memref<100x1024xf32, #tpu.memory_space<hbm>>
    tpu.enqueue_indirect_dma source(%dma_start3A_380 : memref<100x1024xf32, #tpu.memory_space<hbm>>) target(%arg7 : memref<32x1024xf32, #tpu.memory_space<vmem>>) offsets(%dma_start3A_377 : memref<32xi32, #tpu.memory_space<vmem>>) semaphore(%arg11 : memref<!tpu.dma_semaphore, #tpu.memory_space<semaphore_mem>>)
    %add3A_381 = arith.constant 256 : i32
    %add3A_382 = arith.addi %mul3A_2, %add3A_381 : i32
    %dma_start3A_383 = arith.constant 0 : i32
    %dma_start3A_384 = tpu.memref_slice %arg4[%add3A_382, %dma_start3A_383] : memref<16384x104xf32, #tpu.memory_space<hbm>> -> memref<32x104xf32, #tpu.memory_space<hbm>>
    %dma_start3A_385 = arith.constant 0 : i32
    %dma_start3A_386 = tpu.memref_slice %arg4[%add3A_382, %dma_start3A_385] : memref<16384x104xf32, #tpu.memory_space<hbm>> -> memref<32x104xf32, #tpu.memory_space<hbm>>
    tpu.enqueue_dma source(%dma_start3A_386 : memref<32x104xf32, #tpu.memory_space<hbm>>) target(%arg9 : memref<32x104xf32, #tpu.memory_space<vmem>>) target_semaphore(%arg13 : memref<!tpu.dma_semaphore, #tpu.memory_space<semaphore_mem>>)
    %dma_wait3A_387 = arith.constant 224 : i32
    %dma_wait3A_388 = tpu.memref_slice %arg6[%dma_wait3A_387] : memref<512xi32, #tpu.memory_space<vmem>> -> memref<32xi32, #tpu.memory_space<vmem>>
    %dma_wait3A_389 = arith.constant 0 : i32
    %dma_wait3A_390 = arith.constant 0 : i32
    %dma_wait3A_391 = tpu.memref_slice %arg2[%dma_wait3A_389, %dma_wait3A_390] : memref<100x1024xf32, #tpu.memory_space<hbm>> -> memref<100x1024xf32, #tpu.memory_space<hbm>>
    tpu.wait_indirect_dma semaphore(%arg12 : memref<!tpu.dma_semaphore, #tpu.memory_space<semaphore_mem>>) src(%dma_wait3A_391 : memref<100x1024xf32, #tpu.memory_space<hbm>>) dst(%arg8 : memref<32x1024xf32, #tpu.memory_space<vmem>>)
    %dma_wait3A_392 = arith.constant 0 : i32
    %dma_wait3A_393 = tpu.memref_slice %arg4[%add3A_330, %dma_wait3A_392] : memref<16384x104xf32, #tpu.memory_space<hbm>> -> memref<32x104xf32, #tpu.memory_space<hbm>>
    %dma_wait3A_394 = arith.constant 0 : i32
    %dma_wait3A_395 = tpu.memref_slice %arg4[%add3A_330, %dma_wait3A_394] : memref<16384x104xf32, #tpu.memory_space<hbm>> -> memref<32x104xf32, #tpu.memory_space<hbm>>
    tpu.wait_dma2 semaphore(%arg14 : memref<!tpu.dma_semaphore, #tpu.memory_space<semaphore_mem>>) src(%dma_wait3A_395 : memref<32x104xf32, #tpu.memory_space<hbm>>) dst(%arg10 : memref<32x104xf32, #tpu.memory_space<vmem>>)
    %add3A_396 = arith.constant 224 : i32
    %add3A_397 = arith.addi %mul3A_2, %add3A_396 : i32
    %dma_start3A_398 = arith.constant 0 : i32
    %dma_start3A_399 = arith.constant 0 : i32
    %dma_start3A_400 = tpu.memref_slice %arg8[%dma_start3A_398, %dma_start3A_399] : memref<32x1024xf32, #tpu.memory_space<vmem>> -> memref<32x896xf32, #tpu.memory_space<vmem>>
    %dma_start3A_401 = arith.constant 0 : i32
    %dma_start3A_402 = tpu.memref_slice %arg5[%add3A_397, %dma_start3A_401] : memref<16384x1000xf32, #tpu.memory_space<hbm>> -> memref<32x896xf32, #tpu.memory_space<hbm>>
    %dma_start3A_403 = arith.constant 0 : i32
    %dma_start3A_404 = tpu.memref_slice %arg5[%add3A_397, %dma_start3A_403] : memref<16384x1000xf32, #tpu.memory_space<hbm>> -> memref<32x896xf32, #tpu.memory_space<hbm>>
    %dma_start3A_405 = arith.constant 0 : i32
    %dma_start3A_406 = arith.constant 0 : i32
    %dma_start3A_407 = tpu.memref_slice %arg8[%dma_start3A_405, %dma_start3A_406] : memref<32x1024xf32, #tpu.memory_space<vmem>> -> memref<32x896xf32, #tpu.memory_space<vmem>>
    tpu.enqueue_dma source(%dma_start3A_407 : memref<32x896xf32, #tpu.memory_space<vmem>>) target(%dma_start3A_404 : memref<32x896xf32, #tpu.memory_space<hbm>>) target_semaphore(%arg16 : memref<!tpu.dma_semaphore, #tpu.memory_space<semaphore_mem>>)
    %add3A_408 = arith.constant 224 : i32
    %add3A_409 = arith.addi %mul3A_2, %add3A_408 : i32
    %dma_start3A_410 = arith.constant 896 : i32
    %dma_start3A_411 = tpu.memref_slice %arg5[%add3A_409, %dma_start3A_410] : memref<16384x1000xf32, #tpu.memory_space<hbm>> -> memref<32x104xf32, #tpu.memory_space<hbm>>
    %dma_start3A_412 = arith.constant 896 : i32
    %dma_start3A_413 = tpu.memref_slice %arg5[%add3A_409, %dma_start3A_412] : memref<16384x1000xf32, #tpu.memory_space<hbm>> -> memref<32x104xf32, #tpu.memory_space<hbm>>
    tpu.enqueue_dma source(%arg10 : memref<32x104xf32, #tpu.memory_space<vmem>>) target(%dma_start3A_413 : memref<32x104xf32, #tpu.memory_space<hbm>>) target_semaphore(%arg18 : memref<!tpu.dma_semaphore, #tpu.memory_space<semaphore_mem>>)
    %dma_wait3A_414 = arith.constant 0 : i32
    %dma_wait3A_415 = arith.constant 0 : i32
    %dma_wait3A_416 = tpu.memref_slice %arg8[%dma_wait3A_414, %dma_wait3A_415] : memref<32x1024xf32, #tpu.memory_space<vmem>> -> memref<32x896xf32, #tpu.memory_space<vmem>>
    %dma_wait3A_417 = arith.constant 0 : i32
    %dma_wait3A_418 = tpu.memref_slice %arg5[%add3A_397, %dma_wait3A_417] : memref<16384x1000xf32, #tpu.memory_space<hbm>> -> memref<32x896xf32, #tpu.memory_space<hbm>>
    %dma_wait3A_419 = arith.constant 0 : i32
    %dma_wait3A_420 = tpu.memref_slice %arg5[%add3A_397, %dma_wait3A_419] : memref<16384x1000xf32, #tpu.memory_space<hbm>> -> memref<32x896xf32, #tpu.memory_space<hbm>>
    %dma_wait3A_421 = arith.constant 0 : i32
    %dma_wait3A_422 = arith.constant 0 : i32
    %dma_wait3A_423 = tpu.memref_slice %arg8[%dma_wait3A_421, %dma_wait3A_422] : memref<32x1024xf32, #tpu.memory_space<vmem>> -> memref<32x896xf32, #tpu.memory_space<vmem>>
    tpu.wait_dma2 semaphore(%arg16 : memref<!tpu.dma_semaphore, #tpu.memory_space<semaphore_mem>>) src(%dma_wait3A_423 : memref<32x896xf32, #tpu.memory_space<vmem>>) dst(%dma_wait3A_420 : memref<32x896xf32, #tpu.memory_space<hbm>>)
    %dma_wait3A_424 = arith.constant 896 : i32
    %dma_wait3A_425 = tpu.memref_slice %arg5[%add3A_409, %dma_wait3A_424] : memref<16384x1000xf32, #tpu.memory_space<hbm>> -> memref<32x104xf32, #tpu.memory_space<hbm>>
    %dma_wait3A_426 = arith.constant 896 : i32
    %dma_wait3A_427 = tpu.memref_slice %arg5[%add3A_409, %dma_wait3A_426] : memref<16384x1000xf32, #tpu.memory_space<hbm>> -> memref<32x104xf32, #tpu.memory_space<hbm>>
    tpu.wait_dma2 semaphore(%arg18 : memref<!tpu.dma_semaphore, #tpu.memory_space<semaphore_mem>>) src(%arg10 : memref<32x104xf32, #tpu.memory_space<vmem>>) dst(%dma_wait3A_427 : memref<32x104xf32, #tpu.memory_space<hbm>>)
    %dma_start3A_428 = arith.constant 288 : i32
    %dma_start3A_429 = tpu.memref_slice %arg6[%dma_start3A_428] : memref<512xi32, #tpu.memory_space<vmem>> -> memref<32xi32, #tpu.memory_space<vmem>>
    %dma_start3A_430 = arith.constant 0 : i32
    %dma_start3A_431 = arith.constant 0 : i32
    %dma_start3A_432 = tpu.memref_slice %arg2[%dma_start3A_430, %dma_start3A_431] : memref<100x1024xf32, #tpu.memory_space<hbm>> -> memref<100x1024xf32, #tpu.memory_space<hbm>>
    tpu.enqueue_indirect_dma source(%dma_start3A_432 : memref<100x1024xf32, #tpu.memory_space<hbm>>) target(%arg8 : memref<32x1024xf32, #tpu.memory_space<vmem>>) offsets(%dma_start3A_429 : memref<32xi32, #tpu.memory_space<vmem>>) semaphore(%arg12 : memref<!tpu.dma_semaphore, #tpu.memory_space<semaphore_mem>>)
    %add3A_433 = arith.constant 288 : i32
    %add3A_434 = arith.addi %mul3A_2, %add3A_433 : i32
    %dma_start3A_435 = arith.constant 0 : i32
    %dma_start3A_436 = tpu.memref_slice %arg4[%add3A_434, %dma_start3A_435] : memref<16384x104xf32, #tpu.memory_space<hbm>> -> memref<32x104xf32, #tpu.memory_space<hbm>>
    %dma_start3A_437 = arith.constant 0 : i32
    %dma_start3A_438 = tpu.memref_slice %arg4[%add3A_434, %dma_start3A_437] : memref<16384x104xf32, #tpu.memory_space<hbm>> -> memref<32x104xf32, #tpu.memory_space<hbm>>
    tpu.enqueue_dma source(%dma_start3A_438 : memref<32x104xf32, #tpu.memory_space<hbm>>) target(%arg10 : memref<32x104xf32, #tpu.memory_space<vmem>>) target_semaphore(%arg14 : memref<!tpu.dma_semaphore, #tpu.memory_space<semaphore_mem>>)
    %dma_wait3A_439 = arith.constant 256 : i32
    %dma_wait3A_440 = tpu.memref_slice %arg6[%dma_wait3A_439] : memref<512xi32, #tpu.memory_space<vmem>> -> memref<32xi32, #tpu.memory_space<vmem>>
    %dma_wait3A_441 = arith.constant 0 : i32
    %dma_wait3A_442 = arith.constant 0 : i32
    %dma_wait3A_443 = tpu.memref_slice %arg2[%dma_wait3A_441, %dma_wait3A_442] : memref<100x1024xf32, #tpu.memory_space<hbm>> -> memref<100x1024xf32, #tpu.memory_space<hbm>>
    tpu.wait_indirect_dma semaphore(%arg11 : memref<!tpu.dma_semaphore, #tpu.memory_space<semaphore_mem>>) src(%dma_wait3A_443 : memref<100x1024xf32, #tpu.memory_space<hbm>>) dst(%arg7 : memref<32x1024xf32, #tpu.memory_space<vmem>>)
    %dma_wait3A_444 = arith.constant 0 : i32
    %dma_wait3A_445 = tpu.memref_slice %arg4[%add3A_382, %dma_wait3A_444] : memref<16384x104xf32, #tpu.memory_space<hbm>> -> memref<32x104xf32, #tpu.memory_space<hbm>>
    %dma_wait3A_446 = arith.constant 0 : i32
    %dma_wait3A_447 = tpu.memref_slice %arg4[%add3A_382, %dma_wait3A_446] : memref<16384x104xf32, #tpu.memory_space<hbm>> -> memref<32x104xf32, #tpu.memory_space<hbm>>
    tpu.wait_dma2 semaphore(%arg13 : memref<!tpu.dma_semaphore, #tpu.memory_space<semaphore_mem>>) src(%dma_wait3A_447 : memref<32x104xf32, #tpu.memory_space<hbm>>) dst(%arg9 : memref<32x104xf32, #tpu.memory_space<vmem>>)
    %add3A_448 = arith.constant 256 : i32
    %add3A_449 = arith.addi %mul3A_2, %add3A_448 : i32
    %dma_start3A_450 = arith.constant 0 : i32
    %dma_start3A_451 = arith.constant 0 : i32
    %dma_start3A_452 = tpu.memref_slice %arg7[%dma_start3A_450, %dma_start3A_451] : memref<32x1024xf32, #tpu.memory_space<vmem>> -> memref<32x896xf32, #tpu.memory_space<vmem>>
    %dma_start3A_453 = arith.constant 0 : i32
    %dma_start3A_454 = tpu.memref_slice %arg5[%add3A_449, %dma_start3A_453] : memref<16384x1000xf32, #tpu.memory_space<hbm>> -> memref<32x896xf32, #tpu.memory_space<hbm>>
    %dma_start3A_455 = arith.constant 0 : i32
    %dma_start3A_456 = tpu.memref_slice %arg5[%add3A_449, %dma_start3A_455] : memref<16384x1000xf32, #tpu.memory_space<hbm>> -> memref<32x896xf32, #tpu.memory_space<hbm>>
    %dma_start3A_457 = arith.constant 0 : i32
    %dma_start3A_458 = arith.constant 0 : i32
    %dma_start3A_459 = tpu.memref_slice %arg7[%dma_start3A_457, %dma_start3A_458] : memref<32x1024xf32, #tpu.memory_space<vmem>> -> memref<32x896xf32, #tpu.memory_space<vmem>>
    tpu.enqueue_dma source(%dma_start3A_459 : memref<32x896xf32, #tpu.memory_space<vmem>>) target(%dma_start3A_456 : memref<32x896xf32, #tpu.memory_space<hbm>>) target_semaphore(%arg15 : memref<!tpu.dma_semaphore, #tpu.memory_space<semaphore_mem>>)
    %add3A_460 = arith.constant 256 : i32
    %add3A_461 = arith.addi %mul3A_2, %add3A_460 : i32
    %dma_start3A_462 = arith.constant 896 : i32
    %dma_start3A_463 = tpu.memref_slice %arg5[%add3A_461, %dma_start3A_462] : memref<16384x1000xf32, #tpu.memory_space<hbm>> -> memref<32x104xf32, #tpu.memory_space<hbm>>
    %dma_start3A_464 = arith.constant 896 : i32
    %dma_start3A_465 = tpu.memref_slice %arg5[%add3A_461, %dma_start3A_464] : memref<16384x1000xf32, #tpu.memory_space<hbm>> -> memref<32x104xf32, #tpu.memory_space<hbm>>
    tpu.enqueue_dma source(%arg9 : memref<32x104xf32, #tpu.memory_space<vmem>>) target(%dma_start3A_465 : memref<32x104xf32, #tpu.memory_space<hbm>>) target_semaphore(%arg17 : memref<!tpu.dma_semaphore, #tpu.memory_space<semaphore_mem>>)
    %dma_wait3A_466 = arith.constant 0 : i32
    %dma_wait3A_467 = arith.constant 0 : i32
    %dma_wait3A_468 = tpu.memref_slice %arg7[%dma_wait3A_466, %dma_wait3A_467] : memref<32x1024xf32, #tpu.memory_space<vmem>> -> memref<32x896xf32, #tpu.memory_space<vmem>>
    %dma_wait3A_469 = arith.constant 0 : i32
    %dma_wait3A_470 = tpu.memref_slice %arg5[%add3A_449, %dma_wait3A_469] : memref<16384x1000xf32, #tpu.memory_space<hbm>> -> memref<32x896xf32, #tpu.memory_space<hbm>>
    %dma_wait3A_471 = arith.constant 0 : i32
    %dma_wait3A_472 = tpu.memref_slice %arg5[%add3A_449, %dma_wait3A_471] : memref<16384x1000xf32, #tpu.memory_space<hbm>> -> memref<32x896xf32, #tpu.memory_space<hbm>>
    %dma_wait3A_473 = arith.constant 0 : i32
    %dma_wait3A_474 = arith.constant 0 : i32
    %dma_wait3A_475 = tpu.memref_slice %arg7[%dma_wait3A_473, %dma_wait3A_474] : memref<32x1024xf32, #tpu.memory_space<vmem>> -> memref<32x896xf32, #tpu.memory_space<vmem>>
    tpu.wait_dma2 semaphore(%arg15 : memref<!tpu.dma_semaphore, #tpu.memory_space<semaphore_mem>>) src(%dma_wait3A_475 : memref<32x896xf32, #tpu.memory_space<vmem>>) dst(%dma_wait3A_472 : memref<32x896xf32, #tpu.memory_space<hbm>>)
    %dma_wait3A_476 = arith.constant 896 : i32
    %dma_wait3A_477 = tpu.memref_slice %arg5[%add3A_461, %dma_wait3A_476] : memref<16384x1000xf32, #tpu.memory_space<hbm>> -> memref<32x104xf32, #tpu.memory_space<hbm>>
    %dma_wait3A_478 = arith.constant 896 : i32
    %dma_wait3A_479 = tpu.memref_slice %arg5[%add3A_461, %dma_wait3A_478] : memref<16384x1000xf32, #tpu.memory_space<hbm>> -> memref<32x104xf32, #tpu.memory_space<hbm>>
    tpu.wait_dma2 semaphore(%arg17 : memref<!tpu.dma_semaphore, #tpu.memory_space<semaphore_mem>>) src(%arg9 : memref<32x104xf32, #tpu.memory_space<vmem>>) dst(%dma_wait3A_479 : memref<32x104xf32, #tpu.memory_space<hbm>>)
    %dma_start3A_480 = arith.constant 320 : i32
    %dma_start3A_481 = tpu.memref_slice %arg6[%dma_start3A_480] : memref<512xi32, #tpu.memory_space<vmem>> -> memref<32xi32, #tpu.memory_space<vmem>>
    %dma_start3A_482 = arith.constant 0 : i32
    %dma_start3A_483 = arith.constant 0 : i32
    %dma_start3A_484 = tpu.memref_slice %arg2[%dma_start3A_482, %dma_start3A_483] : memref<100x1024xf32, #tpu.memory_space<hbm>> -> memref<100x1024xf32, #tpu.memory_space<hbm>>
    tpu.enqueue_indirect_dma source(%dma_start3A_484 : memref<100x1024xf32, #tpu.memory_space<hbm>>) target(%arg7 : memref<32x1024xf32, #tpu.memory_space<vmem>>) offsets(%dma_start3A_481 : memref<32xi32, #tpu.memory_space<vmem>>) semaphore(%arg11 : memref<!tpu.dma_semaphore, #tpu.memory_space<semaphore_mem>>)
    %add3A_485 = arith.constant 320 : i32
    %add3A_486 = arith.addi %mul3A_2, %add3A_485 : i32
    %dma_start3A_487 = arith.constant 0 : i32
    %dma_start3A_488 = tpu.memref_slice %arg4[%add3A_486, %dma_start3A_487] : memref<16384x104xf32, #tpu.memory_space<hbm>> -> memref<32x104xf32, #tpu.memory_space<hbm>>
    %dma_start3A_489 = arith.constant 0 : i32
    %dma_start3A_490 = tpu.memref_slice %arg4[%add3A_486, %dma_start3A_489] : memref<16384x104xf32, #tpu.memory_space<hbm>> -> memref<32x104xf32, #tpu.memory_space<hbm>>
    tpu.enqueue_dma source(%dma_start3A_490 : memref<32x104xf32, #tpu.memory_space<hbm>>) target(%arg9 : memref<32x104xf32, #tpu.memory_space<vmem>>) target_semaphore(%arg13 : memref<!tpu.dma_semaphore, #tpu.memory_space<semaphore_mem>>)
    %dma_wait3A_491 = arith.constant 288 : i32
    %dma_wait3A_492 = tpu.memref_slice %arg6[%dma_wait3A_491] : memref<512xi32, #tpu.memory_space<vmem>> -> memref<32xi32, #tpu.memory_space<vmem>>
    %dma_wait3A_493 = arith.constant 0 : i32
    %dma_wait3A_494 = arith.constant 0 : i32
    %dma_wait3A_495 = tpu.memref_slice %arg2[%dma_wait3A_493, %dma_wait3A_494] : memref<100x1024xf32, #tpu.memory_space<hbm>> -> memref<100x1024xf32, #tpu.memory_space<hbm>>
    tpu.wait_indirect_dma semaphore(%arg12 : memref<!tpu.dma_semaphore, #tpu.memory_space<semaphore_mem>>) src(%dma_wait3A_495 : memref<100x1024xf32, #tpu.memory_space<hbm>>) dst(%arg8 : memref<32x1024xf32, #tpu.memory_space<vmem>>)
    %dma_wait3A_496 = arith.constant 0 : i32
    %dma_wait3A_497 = tpu.memref_slice %arg4[%add3A_434, %dma_wait3A_496] : memref<16384x104xf32, #tpu.memory_space<hbm>> -> memref<32x104xf32, #tpu.memory_space<hbm>>
    %dma_wait3A_498 = arith.constant 0 : i32
    %dma_wait3A_499 = tpu.memref_slice %arg4[%add3A_434, %dma_wait3A_498] : memref<16384x104xf32, #tpu.memory_space<hbm>> -> memref<32x104xf32, #tpu.memory_space<hbm>>
    tpu.wait_dma2 semaphore(%arg14 : memref<!tpu.dma_semaphore, #tpu.memory_space<semaphore_mem>>) src(%dma_wait3A_499 : memref<32x104xf32, #tpu.memory_space<hbm>>) dst(%arg10 : memref<32x104xf32, #tpu.memory_space<vmem>>)
    %add3A_500 = arith.constant 288 : i32
    %add3A_501 = arith.addi %mul3A_2, %add3A_500 : i32
    %dma_start3A_502 = arith.constant 0 : i32
    %dma_start3A_503 = arith.constant 0 : i32
    %dma_start3A_504 = tpu.memref_slice %arg8[%dma_start3A_502, %dma_start3A_503] : memref<32x1024xf32, #tpu.memory_space<vmem>> -> memref<32x896xf32, #tpu.memory_space<vmem>>
    %dma_start3A_505 = arith.constant 0 : i32
    %dma_start3A_506 = tpu.memref_slice %arg5[%add3A_501, %dma_start3A_505] : memref<16384x1000xf32, #tpu.memory_space<hbm>> -> memref<32x896xf32, #tpu.memory_space<hbm>>
    %dma_start3A_507 = arith.constant 0 : i32
    %dma_start3A_508 = tpu.memref_slice %arg5[%add3A_501, %dma_start3A_507] : memref<16384x1000xf32, #tpu.memory_space<hbm>> -> memref<32x896xf32, #tpu.memory_space<hbm>>
    %dma_start3A_509 = arith.constant 0 : i32
    %dma_start3A_510 = arith.constant 0 : i32
    %dma_start3A_511 = tpu.memref_slice %arg8[%dma_start3A_509, %dma_start3A_510] : memref<32x1024xf32, #tpu.memory_space<vmem>> -> memref<32x896xf32, #tpu.memory_space<vmem>>
    tpu.enqueue_dma source(%dma_start3A_511 : memref<32x896xf32, #tpu.memory_space<vmem>>) target(%dma_start3A_508 : memref<32x896xf32, #tpu.memory_space<hbm>>) target_semaphore(%arg16 : memref<!tpu.dma_semaphore, #tpu.memory_space<semaphore_mem>>)
    %add3A_512 = arith.constant 288 : i32
    %add3A_513 = arith.addi %mul3A_2, %add3A_512 : i32
    %dma_start3A_514 = arith.constant 896 : i32
    %dma_start3A_515 = tpu.memref_slice %arg5[%add3A_513, %dma_start3A_514] : memref<16384x1000xf32, #tpu.memory_space<hbm>> -> memref<32x104xf32, #tpu.memory_space<hbm>>
    %dma_start3A_516 = arith.constant 896 : i32
    %dma_start3A_517 = tpu.memref_slice %arg5[%add3A_513, %dma_start3A_516] : memref<16384x1000xf32, #tpu.memory_space<hbm>> -> memref<32x104xf32, #tpu.memory_space<hbm>>
    tpu.enqueue_dma source(%arg10 : memref<32x104xf32, #tpu.memory_space<vmem>>) target(%dma_start3A_517 : memref<32x104xf32, #tpu.memory_space<hbm>>) target_semaphore(%arg18 : memref<!tpu.dma_semaphore, #tpu.memory_space<semaphore_mem>>)
    %dma_wait3A_518 = arith.constant 0 : i32
    %dma_wait3A_519 = arith.constant 0 : i32
    %dma_wait3A_520 = tpu.memref_slice %arg8[%dma_wait3A_518, %dma_wait3A_519] : memref<32x1024xf32, #tpu.memory_space<vmem>> -> memref<32x896xf32, #tpu.memory_space<vmem>>
    %dma_wait3A_521 = arith.constant 0 : i32
    %dma_wait3A_522 = tpu.memref_slice %arg5[%add3A_501, %dma_wait3A_521] : memref<16384x1000xf32, #tpu.memory_space<hbm>> -> memref<32x896xf32, #tpu.memory_space<hbm>>
    %dma_wait3A_523 = arith.constant 0 : i32
    %dma_wait3A_524 = tpu.memref_slice %arg5[%add3A_501, %dma_wait3A_523] : memref<16384x1000xf32, #tpu.memory_space<hbm>> -> memref<32x896xf32, #tpu.memory_space<hbm>>
    %dma_wait3A_525 = arith.constant 0 : i32
    %dma_wait3A_526 = arith.constant 0 : i32
    %dma_wait3A_527 = tpu.memref_slice %arg8[%dma_wait3A_525, %dma_wait3A_526] : memref<32x1024xf32, #tpu.memory_space<vmem>> -> memref<32x896xf32, #tpu.memory_space<vmem>>
    tpu.wait_dma2 semaphore(%arg16 : memref<!tpu.dma_semaphore, #tpu.memory_space<semaphore_mem>>) src(%dma_wait3A_527 : memref<32x896xf32, #tpu.memory_space<vmem>>) dst(%dma_wait3A_524 : memref<32x896xf32, #tpu.memory_space<hbm>>)
    %dma_wait3A_528 = arith.constant 896 : i32
    %dma_wait3A_529 = tpu.memref_slice %arg5[%add3A_513, %dma_wait3A_528] : memref<16384x1000xf32, #tpu.memory_space<hbm>> -> memref<32x104xf32, #tpu.memory_space<hbm>>
    %dma_wait3A_530 = arith.constant 896 : i32
    %dma_wait3A_531 = tpu.memref_slice %arg5[%add3A_513, %dma_wait3A_530] : memref<16384x1000xf32, #tpu.memory_space<hbm>> -> memref<32x104xf32, #tpu.memory_space<hbm>>
    tpu.wait_dma2 semaphore(%arg18 : memref<!tpu.dma_semaphore, #tpu.memory_space<semaphore_mem>>) src(%arg10 : memref<32x104xf32, #tpu.memory_space<vmem>>) dst(%dma_wait3A_531 : memref<32x104xf32, #tpu.memory_space<hbm>>)
    %dma_start3A_532 = arith.constant 352 : i32
    %dma_start3A_533 = tpu.memref_slice %arg6[%dma_start3A_532] : memref<512xi32, #tpu.memory_space<vmem>> -> memref<32xi32, #tpu.memory_space<vmem>>
    %dma_start3A_534 = arith.constant 0 : i32
    %dma_start3A_535 = arith.constant 0 : i32
    %dma_start3A_536 = tpu.memref_slice %arg2[%dma_start3A_534, %dma_start3A_535] : memref<100x1024xf32, #tpu.memory_space<hbm>> -> memref<100x1024xf32, #tpu.memory_space<hbm>>
    tpu.enqueue_indirect_dma source(%dma_start3A_536 : memref<100x1024xf32, #tpu.memory_space<hbm>>) target(%arg8 : memref<32x1024xf32, #tpu.memory_space<vmem>>) offsets(%dma_start3A_533 : memref<32xi32, #tpu.memory_space<vmem>>) semaphore(%arg12 : memref<!tpu.dma_semaphore, #tpu.memory_space<semaphore_mem>>)
    %add3A_537 = arith.constant 352 : i32
    %add3A_538 = arith.addi %mul3A_2, %add3A_537 : i32
    %dma_start3A_539 = arith.constant 0 : i32
    %dma_start3A_540 = tpu.memref_slice %arg4[%add3A_538, %dma_start3A_539] : memref<16384x104xf32, #tpu.memory_space<hbm>> -> memref<32x104xf32, #tpu.memory_space<hbm>>
    %dma_start3A_541 = arith.constant 0 : i32
    %dma_start3A_542 = tpu.memref_slice %arg4[%add3A_538, %dma_start3A_541] : memref<16384x104xf32, #tpu.memory_space<hbm>> -> memref<32x104xf32, #tpu.memory_space<hbm>>
    tpu.enqueue_dma source(%dma_start3A_542 : memref<32x104xf32, #tpu.memory_space<hbm>>) target(%arg10 : memref<32x104xf32, #tpu.memory_space<vmem>>) target_semaphore(%arg14 : memref<!tpu.dma_semaphore, #tpu.memory_space<semaphore_mem>>)
    %dma_wait3A_543 = arith.constant 320 : i32
    %dma_wait3A_544 = tpu.memref_slice %arg6[%dma_wait3A_543] : memref<512xi32, #tpu.memory_space<vmem>> -> memref<32xi32, #tpu.memory_space<vmem>>
    %dma_wait3A_545 = arith.constant 0 : i32
    %dma_wait3A_546 = arith.constant 0 : i32
    %dma_wait3A_547 = tpu.memref_slice %arg2[%dma_wait3A_545, %dma_wait3A_546] : memref<100x1024xf32, #tpu.memory_space<hbm>> -> memref<100x1024xf32, #tpu.memory_space<hbm>>
    tpu.wait_indirect_dma semaphore(%arg11 : memref<!tpu.dma_semaphore, #tpu.memory_space<semaphore_mem>>) src(%dma_wait3A_547 : memref<100x1024xf32, #tpu.memory_space<hbm>>) dst(%arg7 : memref<32x1024xf32, #tpu.memory_space<vmem>>)
    %dma_wait3A_548 = arith.constant 0 : i32
    %dma_wait3A_549 = tpu.memref_slice %arg4[%add3A_486, %dma_wait3A_548] : memref<16384x104xf32, #tpu.memory_space<hbm>> -> memref<32x104xf32, #tpu.memory_space<hbm>>
    %dma_wait3A_550 = arith.constant 0 : i32
    %dma_wait3A_551 = tpu.memref_slice %arg4[%add3A_486, %dma_wait3A_550] : memref<16384x104xf32, #tpu.memory_space<hbm>> -> memref<32x104xf32, #tpu.memory_space<hbm>>
    tpu.wait_dma2 semaphore(%arg13 : memref<!tpu.dma_semaphore, #tpu.memory_space<semaphore_mem>>) src(%dma_wait3A_551 : memref<32x104xf32, #tpu.memory_space<hbm>>) dst(%arg9 : memref<32x104xf32, #tpu.memory_space<vmem>>)
    %add3A_552 = arith.constant 320 : i32
    %add3A_553 = arith.addi %mul3A_2, %add3A_552 : i32
    %dma_start3A_554 = arith.constant 0 : i32
    %dma_start3A_555 = arith.constant 0 : i32
    %dma_start3A_556 = tpu.memref_slice %arg7[%dma_start3A_554, %dma_start3A_555] : memref<32x1024xf32, #tpu.memory_space<vmem>> -> memref<32x896xf32, #tpu.memory_space<vmem>>
    %dma_start3A_557 = arith.constant 0 : i32
    %dma_start3A_558 = tpu.memref_slice %arg5[%add3A_553, %dma_start3A_557] : memref<16384x1000xf32, #tpu.memory_space<hbm>> -> memref<32x896xf32, #tpu.memory_space<hbm>>
    %dma_start3A_559 = arith.constant 0 : i32
    %dma_start3A_560 = tpu.memref_slice %arg5[%add3A_553, %dma_start3A_559] : memref<16384x1000xf32, #tpu.memory_space<hbm>> -> memref<32x896xf32, #tpu.memory_space<hbm>>
    %dma_start3A_561 = arith.constant 0 : i32
    %dma_start3A_562 = arith.constant 0 : i32
    %dma_start3A_563 = tpu.memref_slice %arg7[%dma_start3A_561, %dma_start3A_562] : memref<32x1024xf32, #tpu.memory_space<vmem>> -> memref<32x896xf32, #tpu.memory_space<vmem>>
    tpu.enqueue_dma source(%dma_start3A_563 : memref<32x896xf32, #tpu.memory_space<vmem>>) target(%dma_start3A_560 : memref<32x896xf32, #tpu.memory_space<hbm>>) target_semaphore(%arg15 : memref<!tpu.dma_semaphore, #tpu.memory_space<semaphore_mem>>)
    %add3A_564 = arith.constant 320 : i32
    %add3A_565 = arith.addi %mul3A_2, %add3A_564 : i32
    %dma_start3A_566 = arith.constant 896 : i32
    %dma_start3A_567 = tpu.memref_slice %arg5[%add3A_565, %dma_start3A_566] : memref<16384x1000xf32, #tpu.memory_space<hbm>> -> memref<32x104xf32, #tpu.memory_space<hbm>>
    %dma_start3A_568 = arith.constant 896 : i32
    %dma_start3A_569 = tpu.memref_slice %arg5[%add3A_565, %dma_start3A_568] : memref<16384x1000xf32, #tpu.memory_space<hbm>> -> memref<32x104xf32, #tpu.memory_space<hbm>>
    tpu.enqueue_dma source(%arg9 : memref<32x104xf32, #tpu.memory_space<vmem>>) target(%dma_start3A_569 : memref<32x104xf32, #tpu.memory_space<hbm>>) target_semaphore(%arg17 : memref<!tpu.dma_semaphore, #tpu.memory_space<semaphore_mem>>)
    %dma_wait3A_570 = arith.constant 0 : i32
    %dma_wait3A_571 = arith.constant 0 : i32
    %dma_wait3A_572 = tpu.memref_slice %arg7[%dma_wait3A_570, %dma_wait3A_571] : memref<32x1024xf32, #tpu.memory_space<vmem>> -> memref<32x896xf32, #tpu.memory_space<vmem>>
    %dma_wait3A_573 = arith.constant 0 : i32
    %dma_wait3A_574 = tpu.memref_slice %arg5[%add3A_553, %dma_wait3A_573] : memref<16384x1000xf32, #tpu.memory_space<hbm>> -> memref<32x896xf32, #tpu.memory_space<hbm>>
    %dma_wait3A_575 = arith.constant 0 : i32
    %dma_wait3A_576 = tpu.memref_slice %arg5[%add3A_553, %dma_wait3A_575] : memref<16384x1000xf32, #tpu.memory_space<hbm>> -> memref<32x896xf32, #tpu.memory_space<hbm>>
    %dma_wait3A_577 = arith.constant 0 : i32
    %dma_wait3A_578 = arith.constant 0 : i32
    %dma_wait3A_579 = tpu.memref_slice %arg7[%dma_wait3A_577, %dma_wait3A_578] : memref<32x1024xf32, #tpu.memory_space<vmem>> -> memref<32x896xf32, #tpu.memory_space<vmem>>
    tpu.wait_dma2 semaphore(%arg15 : memref<!tpu.dma_semaphore, #tpu.memory_space<semaphore_mem>>) src(%dma_wait3A_579 : memref<32x896xf32, #tpu.memory_space<vmem>>) dst(%dma_wait3A_576 : memref<32x896xf32, #tpu.memory_space<hbm>>)
    %dma_wait3A_580 = arith.constant 896 : i32
    %dma_wait3A_581 = tpu.memref_slice %arg5[%add3A_565, %dma_wait3A_580] : memref<16384x1000xf32, #tpu.memory_space<hbm>> -> memref<32x104xf32, #tpu.memory_space<hbm>>
    %dma_wait3A_582 = arith.constant 896 : i32
    %dma_wait3A_583 = tpu.memref_slice %arg5[%add3A_565, %dma_wait3A_582] : memref<16384x1000xf32, #tpu.memory_space<hbm>> -> memref<32x104xf32, #tpu.memory_space<hbm>>
    tpu.wait_dma2 semaphore(%arg17 : memref<!tpu.dma_semaphore, #tpu.memory_space<semaphore_mem>>) src(%arg9 : memref<32x104xf32, #tpu.memory_space<vmem>>) dst(%dma_wait3A_583 : memref<32x104xf32, #tpu.memory_space<hbm>>)
    %dma_start3A_584 = arith.constant 384 : i32
    %dma_start3A_585 = tpu.memref_slice %arg6[%dma_start3A_584] : memref<512xi32, #tpu.memory_space<vmem>> -> memref<32xi32, #tpu.memory_space<vmem>>
    %dma_start3A_586 = arith.constant 0 : i32
    %dma_start3A_587 = arith.constant 0 : i32
    %dma_start3A_588 = tpu.memref_slice %arg2[%dma_start3A_586, %dma_start3A_587] : memref<100x1024xf32, #tpu.memory_space<hbm>> -> memref<100x1024xf32, #tpu.memory_space<hbm>>
    tpu.enqueue_indirect_dma source(%dma_start3A_588 : memref<100x1024xf32, #tpu.memory_space<hbm>>) target(%arg7 : memref<32x1024xf32, #tpu.memory_space<vmem>>) offsets(%dma_start3A_585 : memref<32xi32, #tpu.memory_space<vmem>>) semaphore(%arg11 : memref<!tpu.dma_semaphore, #tpu.memory_space<semaphore_mem>>)
    %add3A_589 = arith.constant 384 : i32
    %add3A_590 = arith.addi %mul3A_2, %add3A_589 : i32
    %dma_start3A_591 = arith.constant 0 : i32
    %dma_start3A_592 = tpu.memref_slice %arg4[%add3A_590, %dma_start3A_591] : memref<16384x104xf32, #tpu.memory_space<hbm>> -> memref<32x104xf32, #tpu.memory_space<hbm>>
    %dma_start3A_593 = arith.constant 0 : i32
    %dma_start3A_594 = tpu.memref_slice %arg4[%add3A_590, %dma_start3A_593] : memref<16384x104xf32, #tpu.memory_space<hbm>> -> memref<32x104xf32, #tpu.memory_space<hbm>>
    tpu.enqueue_dma source(%dma_start3A_594 : memref<32x104xf32, #tpu.memory_space<hbm>>) target(%arg9 : memref<32x104xf32, #tpu.memory_space<vmem>>) target_semaphore(%arg13 : memref<!tpu.dma_semaphore, #tpu.memory_space<semaphore_mem>>)
    %dma_wait3A_595 = arith.constant 352 : i32
    %dma_wait3A_596 = tpu.memref_slice %arg6[%dma_wait3A_595] : memref<512xi32, #tpu.memory_space<vmem>> -> memref<32xi32, #tpu.memory_space<vmem>>
    %dma_wait3A_597 = arith.constant 0 : i32
    %dma_wait3A_598 = arith.constant 0 : i32
    %dma_wait3A_599 = tpu.memref_slice %arg2[%dma_wait3A_597, %dma_wait3A_598] : memref<100x1024xf32, #tpu.memory_space<hbm>> -> memref<100x1024xf32, #tpu.memory_space<hbm>>
    tpu.wait_indirect_dma semaphore(%arg12 : memref<!tpu.dma_semaphore, #tpu.memory_space<semaphore_mem>>) src(%dma_wait3A_599 : memref<100x1024xf32, #tpu.memory_space<hbm>>) dst(%arg8 : memref<32x1024xf32, #tpu.memory_space<vmem>>)
    %dma_wait3A_600 = arith.constant 0 : i32
    %dma_wait3A_601 = tpu.memref_slice %arg4[%add3A_538, %dma_wait3A_600] : memref<16384x104xf32, #tpu.memory_space<hbm>> -> memref<32x104xf32, #tpu.memory_space<hbm>>
    %dma_wait3A_602 = arith.constant 0 : i32
    %dma_wait3A_603 = tpu.memref_slice %arg4[%add3A_538, %dma_wait3A_602] : memref<16384x104xf32, #tpu.memory_space<hbm>> -> memref<32x104xf32, #tpu.memory_space<hbm>>
    tpu.wait_dma2 semaphore(%arg14 : memref<!tpu.dma_semaphore, #tpu.memory_space<semaphore_mem>>) src(%dma_wait3A_603 : memref<32x104xf32, #tpu.memory_space<hbm>>) dst(%arg10 : memref<32x104xf32, #tpu.memory_space<vmem>>)
    %add3A_604 = arith.constant 352 : i32
    %add3A_605 = arith.addi %mul3A_2, %add3A_604 : i32
    %dma_start3A_606 = arith.constant 0 : i32
    %dma_start3A_607 = arith.constant 0 : i32
    %dma_start3A_608 = tpu.memref_slice %arg8[%dma_start3A_606, %dma_start3A_607] : memref<32x1024xf32, #tpu.memory_space<vmem>> -> memref<32x896xf32, #tpu.memory_space<vmem>>
    %dma_start3A_609 = arith.constant 0 : i32
    %dma_start3A_610 = tpu.memref_slice %arg5[%add3A_605, %dma_start3A_609] : memref<16384x1000xf32, #tpu.memory_space<hbm>> -> memref<32x896xf32, #tpu.memory_space<hbm>>
    %dma_start3A_611 = arith.constant 0 : i32
    %dma_start3A_612 = tpu.memref_slice %arg5[%add3A_605, %dma_start3A_611] : memref<16384x1000xf32, #tpu.memory_space<hbm>> -> memref<32x896xf32, #tpu.memory_space<hbm>>
    %dma_start3A_613 = arith.constant 0 : i32
    %dma_start3A_614 = arith.constant 0 : i32
    %dma_start3A_615 = tpu.memref_slice %arg8[%dma_start3A_613, %dma_start3A_614] : memref<32x1024xf32, #tpu.memory_space<vmem>> -> memref<32x896xf32, #tpu.memory_space<vmem>>
    tpu.enqueue_dma source(%dma_start3A_615 : memref<32x896xf32, #tpu.memory_space<vmem>>) target(%dma_start3A_612 : memref<32x896xf32, #tpu.memory_space<hbm>>) target_semaphore(%arg16 : memref<!tpu.dma_semaphore, #tpu.memory_space<semaphore_mem>>)
    %add3A_616 = arith.constant 352 : i32
    %add3A_617 = arith.addi %mul3A_2, %add3A_616 : i32
    %dma_start3A_618 = arith.constant 896 : i32
    %dma_start3A_619 = tpu.memref_slice %arg5[%add3A_617, %dma_start3A_618] : memref<16384x1000xf32, #tpu.memory_space<hbm>> -> memref<32x104xf32, #tpu.memory_space<hbm>>
    %dma_start3A_620 = arith.constant 896 : i32
    %dma_start3A_621 = tpu.memref_slice %arg5[%add3A_617, %dma_start3A_620] : memref<16384x1000xf32, #tpu.memory_space<hbm>> -> memref<32x104xf32, #tpu.memory_space<hbm>>
    tpu.enqueue_dma source(%arg10 : memref<32x104xf32, #tpu.memory_space<vmem>>) target(%dma_start3A_621 : memref<32x104xf32, #tpu.memory_space<hbm>>) target_semaphore(%arg18 : memref<!tpu.dma_semaphore, #tpu.memory_space<semaphore_mem>>)
    %dma_wait3A_622 = arith.constant 0 : i32
    %dma_wait3A_623 = arith.constant 0 : i32
    %dma_wait3A_624 = tpu.memref_slice %arg8[%dma_wait3A_622, %dma_wait3A_623] : memref<32x1024xf32, #tpu.memory_space<vmem>> -> memref<32x896xf32, #tpu.memory_space<vmem>>
    %dma_wait3A_625 = arith.constant 0 : i32
    %dma_wait3A_626 = tpu.memref_slice %arg5[%add3A_605, %dma_wait3A_625] : memref<16384x1000xf32, #tpu.memory_space<hbm>> -> memref<32x896xf32, #tpu.memory_space<hbm>>
    %dma_wait3A_627 = arith.constant 0 : i32
    %dma_wait3A_628 = tpu.memref_slice %arg5[%add3A_605, %dma_wait3A_627] : memref<16384x1000xf32, #tpu.memory_space<hbm>> -> memref<32x896xf32, #tpu.memory_space<hbm>>
    %dma_wait3A_629 = arith.constant 0 : i32
    %dma_wait3A_630 = arith.constant 0 : i32
    %dma_wait3A_631 = tpu.memref_slice %arg8[%dma_wait3A_629, %dma_wait3A_630] : memref<32x1024xf32, #tpu.memory_space<vmem>> -> memref<32x896xf32, #tpu.memory_space<vmem>>
    tpu.wait_dma2 semaphore(%arg16 : memref<!tpu.dma_semaphore, #tpu.memory_space<semaphore_mem>>) src(%dma_wait3A_631 : memref<32x896xf32, #tpu.memory_space<vmem>>) dst(%dma_wait3A_628 : memref<32x896xf32, #tpu.memory_space<hbm>>)
    %dma_wait3A_632 = arith.constant 896 : i32
    %dma_wait3A_633 = tpu.memref_slice %arg5[%add3A_617, %dma_wait3A_632] : memref<16384x1000xf32, #tpu.memory_space<hbm>> -> memref<32x104xf32, #tpu.memory_space<hbm>>
    %dma_wait3A_634 = arith.constant 896 : i32
    %dma_wait3A_635 = tpu.memref_slice %arg5[%add3A_617, %dma_wait3A_634] : memref<16384x1000xf32, #tpu.memory_space<hbm>> -> memref<32x104xf32, #tpu.memory_space<hbm>>
    tpu.wait_dma2 semaphore(%arg18 : memref<!tpu.dma_semaphore, #tpu.memory_space<semaphore_mem>>) src(%arg10 : memref<32x104xf32, #tpu.memory_space<vmem>>) dst(%dma_wait3A_635 : memref<32x104xf32, #tpu.memory_space<hbm>>)
    %dma_start3A_636 = arith.constant 416 : i32
    %dma_start3A_637 = tpu.memref_slice %arg6[%dma_start3A_636] : memref<512xi32, #tpu.memory_space<vmem>> -> memref<32xi32, #tpu.memory_space<vmem>>
    %dma_start3A_638 = arith.constant 0 : i32
    %dma_start3A_639 = arith.constant 0 : i32
    %dma_start3A_640 = tpu.memref_slice %arg2[%dma_start3A_638, %dma_start3A_639] : memref<100x1024xf32, #tpu.memory_space<hbm>> -> memref<100x1024xf32, #tpu.memory_space<hbm>>
    tpu.enqueue_indirect_dma source(%dma_start3A_640 : memref<100x1024xf32, #tpu.memory_space<hbm>>) target(%arg8 : memref<32x1024xf32, #tpu.memory_space<vmem>>) offsets(%dma_start3A_637 : memref<32xi32, #tpu.memory_space<vmem>>) semaphore(%arg12 : memref<!tpu.dma_semaphore, #tpu.memory_space<semaphore_mem>>)
    %add3A_641 = arith.constant 416 : i32
    %add3A_642 = arith.addi %mul3A_2, %add3A_641 : i32
    %dma_start3A_643 = arith.constant 0 : i32
    %dma_start3A_644 = tpu.memref_slice %arg4[%add3A_642, %dma_start3A_643] : memref<16384x104xf32, #tpu.memory_space<hbm>> -> memref<32x104xf32, #tpu.memory_space<hbm>>
    %dma_start3A_645 = arith.constant 0 : i32
    %dma_start3A_646 = tpu.memref_slice %arg4[%add3A_642, %dma_start3A_645] : memref<16384x104xf32, #tpu.memory_space<hbm>> -> memref<32x104xf32, #tpu.memory_space<hbm>>
    tpu.enqueue_dma source(%dma_start3A_646 : memref<32x104xf32, #tpu.memory_space<hbm>>) target(%arg10 : memref<32x104xf32, #tpu.memory_space<vmem>>) target_semaphore(%arg14 : memref<!tpu.dma_semaphore, #tpu.memory_space<semaphore_mem>>)
    %dma_wait3A_647 = arith.constant 384 : i32
    %dma_wait3A_648 = tpu.memref_slice %arg6[%dma_wait3A_647] : memref<512xi32, #tpu.memory_space<vmem>> -> memref<32xi32, #tpu.memory_space<vmem>>
    %dma_wait3A_649 = arith.constant 0 : i32
    %dma_wait3A_650 = arith.constant 0 : i32
    %dma_wait3A_651 = tpu.memref_slice %arg2[%dma_wait3A_649, %dma_wait3A_650] : memref<100x1024xf32, #tpu.memory_space<hbm>> -> memref<100x1024xf32, #tpu.memory_space<hbm>>
    tpu.wait_indirect_dma semaphore(%arg11 : memref<!tpu.dma_semaphore, #tpu.memory_space<semaphore_mem>>) src(%dma_wait3A_651 : memref<100x1024xf32, #tpu.memory_space<hbm>>) dst(%arg7 : memref<32x1024xf32, #tpu.memory_space<vmem>>)
    %dma_wait3A_652 = arith.constant 0 : i32
    %dma_wait3A_653 = tpu.memref_slice %arg4[%add3A_590, %dma_wait3A_652] : memref<16384x104xf32, #tpu.memory_space<hbm>> -> memref<32x104xf32, #tpu.memory_space<hbm>>
    %dma_wait3A_654 = arith.constant 0 : i32
    %dma_wait3A_655 = tpu.memref_slice %arg4[%add3A_590, %dma_wait3A_654] : memref<16384x104xf32, #tpu.memory_space<hbm>> -> memref<32x104xf32, #tpu.memory_space<hbm>>
    tpu.wait_dma2 semaphore(%arg13 : memref<!tpu.dma_semaphore, #tpu.memory_space<semaphore_mem>>) src(%dma_wait3A_655 : memref<32x104xf32, #tpu.memory_space<hbm>>) dst(%arg9 : memref<32x104xf32, #tpu.memory_space<vmem>>)
    %add3A_656 = arith.constant 384 : i32
    %add3A_657 = arith.addi %mul3A_2, %add3A_656 : i32
    %dma_start3A_658 = arith.constant 0 : i32
    %dma_start3A_659 = arith.constant 0 : i32
    %dma_start3A_660 = tpu.memref_slice %arg7[%dma_start3A_658, %dma_start3A_659] : memref<32x1024xf32, #tpu.memory_space<vmem>> -> memref<32x896xf32, #tpu.memory_space<vmem>>
    %dma_start3A_661 = arith.constant 0 : i32
    %dma_start3A_662 = tpu.memref_slice %arg5[%add3A_657, %dma_start3A_661] : memref<16384x1000xf32, #tpu.memory_space<hbm>> -> memref<32x896xf32, #tpu.memory_space<hbm>>
    %dma_start3A_663 = arith.constant 0 : i32
    %dma_start3A_664 = tpu.memref_slice %arg5[%add3A_657, %dma_start3A_663] : memref<16384x1000xf32, #tpu.memory_space<hbm>> -> memref<32x896xf32, #tpu.memory_space<hbm>>
    %dma_start3A_665 = arith.constant 0 : i32
    %dma_start3A_666 = arith.constant 0 : i32
    %dma_start3A_667 = tpu.memref_slice %arg7[%dma_start3A_665, %dma_start3A_666] : memref<32x1024xf32, #tpu.memory_space<vmem>> -> memref<32x896xf32, #tpu.memory_space<vmem>>
    tpu.enqueue_dma source(%dma_start3A_667 : memref<32x896xf32, #tpu.memory_space<vmem>>) target(%dma_start3A_664 : memref<32x896xf32, #tpu.memory_space<hbm>>) target_semaphore(%arg15 : memref<!tpu.dma_semaphore, #tpu.memory_space<semaphore_mem>>)
    %add3A_668 = arith.constant 384 : i32
    %add3A_669 = arith.addi %mul3A_2, %add3A_668 : i32
    %dma_start3A_670 = arith.constant 896 : i32
    %dma_start3A_671 = tpu.memref_slice %arg5[%add3A_669, %dma_start3A_670] : memref<16384x1000xf32, #tpu.memory_space<hbm>> -> memref<32x104xf32, #tpu.memory_space<hbm>>
    %dma_start3A_672 = arith.constant 896 : i32
    %dma_start3A_673 = tpu.memref_slice %arg5[%add3A_669, %dma_start3A_672] : memref<16384x1000xf32, #tpu.memory_space<hbm>> -> memref<32x104xf32, #tpu.memory_space<hbm>>
    tpu.enqueue_dma source(%arg9 : memref<32x104xf32, #tpu.memory_space<vmem>>) target(%dma_start3A_673 : memref<32x104xf32, #tpu.memory_space<hbm>>) target_semaphore(%arg17 : memref<!tpu.dma_semaphore, #tpu.memory_space<semaphore_mem>>)
    %dma_wait3A_674 = arith.constant 0 : i32
    %dma_wait3A_675 = arith.constant 0 : i32
    %dma_wait3A_676 = tpu.memref_slice %arg7[%dma_wait3A_674, %dma_wait3A_675] : memref<32x1024xf32, #tpu.memory_space<vmem>> -> memref<32x896xf32, #tpu.memory_space<vmem>>
    %dma_wait3A_677 = arith.constant 0 : i32
    %dma_wait3A_678 = tpu.memref_slice %arg5[%add3A_657, %dma_wait3A_677] : memref<16384x1000xf32, #tpu.memory_space<hbm>> -> memref<32x896xf32, #tpu.memory_space<hbm>>
    %dma_wait3A_679 = arith.constant 0 : i32
    %dma_wait3A_680 = tpu.memref_slice %arg5[%add3A_657, %dma_wait3A_679] : memref<16384x1000xf32, #tpu.memory_space<hbm>> -> memref<32x896xf32, #tpu.memory_space<hbm>>
    %dma_wait3A_681 = arith.constant 0 : i32
    %dma_wait3A_682 = arith.constant 0 : i32
    %dma_wait3A_683 = tpu.memref_slice %arg7[%dma_wait3A_681, %dma_wait3A_682] : memref<32x1024xf32, #tpu.memory_space<vmem>> -> memref<32x896xf32, #tpu.memory_space<vmem>>
    tpu.wait_dma2 semaphore(%arg15 : memref<!tpu.dma_semaphore, #tpu.memory_space<semaphore_mem>>) src(%dma_wait3A_683 : memref<32x896xf32, #tpu.memory_space<vmem>>) dst(%dma_wait3A_680 : memref<32x896xf32, #tpu.memory_space<hbm>>)
    %dma_wait3A_684 = arith.constant 896 : i32
    %dma_wait3A_685 = tpu.memref_slice %arg5[%add3A_669, %dma_wait3A_684] : memref<16384x1000xf32, #tpu.memory_space<hbm>> -> memref<32x104xf32, #tpu.memory_space<hbm>>
    %dma_wait3A_686 = arith.constant 896 : i32
    %dma_wait3A_687 = tpu.memref_slice %arg5[%add3A_669, %dma_wait3A_686] : memref<16384x1000xf32, #tpu.memory_space<hbm>> -> memref<32x104xf32, #tpu.memory_space<hbm>>
    tpu.wait_dma2 semaphore(%arg17 : memref<!tpu.dma_semaphore, #tpu.memory_space<semaphore_mem>>) src(%arg9 : memref<32x104xf32, #tpu.memory_space<vmem>>) dst(%dma_wait3A_687 : memref<32x104xf32, #tpu.memory_space<hbm>>)
    %dma_start3A_688 = arith.constant 448 : i32
    %dma_start3A_689 = tpu.memref_slice %arg6[%dma_start3A_688] : memref<512xi32, #tpu.memory_space<vmem>> -> memref<32xi32, #tpu.memory_space<vmem>>
    %dma_start3A_690 = arith.constant 0 : i32
    %dma_start3A_691 = arith.constant 0 : i32
    %dma_start3A_692 = tpu.memref_slice %arg2[%dma_start3A_690, %dma_start3A_691] : memref<100x1024xf32, #tpu.memory_space<hbm>> -> memref<100x1024xf32, #tpu.memory_space<hbm>>
    tpu.enqueue_indirect_dma source(%dma_start3A_692 : memref<100x1024xf32, #tpu.memory_space<hbm>>) target(%arg7 : memref<32x1024xf32, #tpu.memory_space<vmem>>) offsets(%dma_start3A_689 : memref<32xi32, #tpu.memory_space<vmem>>) semaphore(%arg11 : memref<!tpu.dma_semaphore, #tpu.memory_space<semaphore_mem>>)
    %add3A_693 = arith.constant 448 : i32
    %add3A_694 = arith.addi %mul3A_2, %add3A_693 : i32
    %dma_start3A_695 = arith.constant 0 : i32
    %dma_start3A_696 = tpu.memref_slice %arg4[%add3A_694, %dma_start3A_695] : memref<16384x104xf32, #tpu.memory_space<hbm>> -> memref<32x104xf32, #tpu.memory_space<hbm>>
    %dma_start3A_697 = arith.constant 0 : i32
    %dma_start3A_698 = tpu.memref_slice %arg4[%add3A_694, %dma_start3A_697] : memref<16384x104xf32, #tpu.memory_space<hbm>> -> memref<32x104xf32, #tpu.memory_space<hbm>>
    tpu.enqueue_dma source(%dma_start3A_698 : memref<32x104xf32, #tpu.memory_space<hbm>>) target(%arg9 : memref<32x104xf32, #tpu.memory_space<vmem>>) target_semaphore(%arg13 : memref<!tpu.dma_semaphore, #tpu.memory_space<semaphore_mem>>)
    %dma_wait3A_699 = arith.constant 416 : i32
    %dma_wait3A_700 = tpu.memref_slice %arg6[%dma_wait3A_699] : memref<512xi32, #tpu.memory_space<vmem>> -> memref<32xi32, #tpu.memory_space<vmem>>
    %dma_wait3A_701 = arith.constant 0 : i32
    %dma_wait3A_702 = arith.constant 0 : i32
    %dma_wait3A_703 = tpu.memref_slice %arg2[%dma_wait3A_701, %dma_wait3A_702] : memref<100x1024xf32, #tpu.memory_space<hbm>> -> memref<100x1024xf32, #tpu.memory_space<hbm>>
    tpu.wait_indirect_dma semaphore(%arg12 : memref<!tpu.dma_semaphore, #tpu.memory_space<semaphore_mem>>) src(%dma_wait3A_703 : memref<100x1024xf32, #tpu.memory_space<hbm>>) dst(%arg8 : memref<32x1024xf32, #tpu.memory_space<vmem>>)
    %dma_wait3A_704 = arith.constant 0 : i32
    %dma_wait3A_705 = tpu.memref_slice %arg4[%add3A_642, %dma_wait3A_704] : memref<16384x104xf32, #tpu.memory_space<hbm>> -> memref<32x104xf32, #tpu.memory_space<hbm>>
    %dma_wait3A_706 = arith.constant 0 : i32
    %dma_wait3A_707 = tpu.memref_slice %arg4[%add3A_642, %dma_wait3A_706] : memref<16384x104xf32, #tpu.memory_space<hbm>> -> memref<32x104xf32, #tpu.memory_space<hbm>>
    tpu.wait_dma2 semaphore(%arg14 : memref<!tpu.dma_semaphore, #tpu.memory_space<semaphore_mem>>) src(%dma_wait3A_707 : memref<32x104xf32, #tpu.memory_space<hbm>>) dst(%arg10 : memref<32x104xf32, #tpu.memory_space<vmem>>)
    %add3A_708 = arith.constant 416 : i32
    %add3A_709 = arith.addi %mul3A_2, %add3A_708 : i32
    %dma_start3A_710 = arith.constant 0 : i32
    %dma_start3A_711 = arith.constant 0 : i32
    %dma_start3A_712 = tpu.memref_slice %arg8[%dma_start3A_710, %dma_start3A_711] : memref<32x1024xf32, #tpu.memory_space<vmem>> -> memref<32x896xf32, #tpu.memory_space<vmem>>
    %dma_start3A_713 = arith.constant 0 : i32
    %dma_start3A_714 = tpu.memref_slice %arg5[%add3A_709, %dma_start3A_713] : memref<16384x1000xf32, #tpu.memory_space<hbm>> -> memref<32x896xf32, #tpu.memory_space<hbm>>
    %dma_start3A_715 = arith.constant 0 : i32
    %dma_start3A_716 = tpu.memref_slice %arg5[%add3A_709, %dma_start3A_715] : memref<16384x1000xf32, #tpu.memory_space<hbm>> -> memref<32x896xf32, #tpu.memory_space<hbm>>
    %dma_start3A_717 = arith.constant 0 : i32
    %dma_start3A_718 = arith.constant 0 : i32
    %dma_start3A_719 = tpu.memref_slice %arg8[%dma_start3A_717, %dma_start3A_718] : memref<32x1024xf32, #tpu.memory_space<vmem>> -> memref<32x896xf32, #tpu.memory_space<vmem>>
    tpu.enqueue_dma source(%dma_start3A_719 : memref<32x896xf32, #tpu.memory_space<vmem>>) target(%dma_start3A_716 : memref<32x896xf32, #tpu.memory_space<hbm>>) target_semaphore(%arg16 : memref<!tpu.dma_semaphore, #tpu.memory_space<semaphore_mem>>)
    %add3A_720 = arith.constant 416 : i32
    %add3A_721 = arith.addi %mul3A_2, %add3A_720 : i32
    %dma_start3A_722 = arith.constant 896 : i32
    %dma_start3A_723 = tpu.memref_slice %arg5[%add3A_721, %dma_start3A_722] : memref<16384x1000xf32, #tpu.memory_space<hbm>> -> memref<32x104xf32, #tpu.memory_space<hbm>>
    %dma_start3A_724 = arith.constant 896 : i32
    %dma_start3A_725 = tpu.memref_slice %arg5[%add3A_721, %dma_start3A_724] : memref<16384x1000xf32, #tpu.memory_space<hbm>> -> memref<32x104xf32, #tpu.memory_space<hbm>>
    tpu.enqueue_dma source(%arg10 : memref<32x104xf32, #tpu.memory_space<vmem>>) target(%dma_start3A_725 : memref<32x104xf32, #tpu.memory_space<hbm>>) target_semaphore(%arg18 : memref<!tpu.dma_semaphore, #tpu.memory_space<semaphore_mem>>)
    %dma_wait3A_726 = arith.constant 0 : i32
    %dma_wait3A_727 = arith.constant 0 : i32
    %dma_wait3A_728 = tpu.memref_slice %arg8[%dma_wait3A_726, %dma_wait3A_727] : memref<32x1024xf32, #tpu.memory_space<vmem>> -> memref<32x896xf32, #tpu.memory_space<vmem>>
    %dma_wait3A_729 = arith.constant 0 : i32
    %dma_wait3A_730 = tpu.memref_slice %arg5[%add3A_709, %dma_wait3A_729] : memref<16384x1000xf32, #tpu.memory_space<hbm>> -> memref<32x896xf32, #tpu.memory_space<hbm>>
    %dma_wait3A_731 = arith.constant 0 : i32
    %dma_wait3A_732 = tpu.memref_slice %arg5[%add3A_709, %dma_wait3A_731] : memref<16384x1000xf32, #tpu.memory_space<hbm>> -> memref<32x896xf32, #tpu.memory_space<hbm>>
    %dma_wait3A_733 = arith.constant 0 : i32
    %dma_wait3A_734 = arith.constant 0 : i32
    %dma_wait3A_735 = tpu.memref_slice %arg8[%dma_wait3A_733, %dma_wait3A_734] : memref<32x1024xf32, #tpu.memory_space<vmem>> -> memref<32x896xf32, #tpu.memory_space<vmem>>
    tpu.wait_dma2 semaphore(%arg16 : memref<!tpu.dma_semaphore, #tpu.memory_space<semaphore_mem>>) src(%dma_wait3A_735 : memref<32x896xf32, #tpu.memory_space<vmem>>) dst(%dma_wait3A_732 : memref<32x896xf32, #tpu.memory_space<hbm>>)
    %dma_wait3A_736 = arith.constant 896 : i32
    %dma_wait3A_737 = tpu.memref_slice %arg5[%add3A_721, %dma_wait3A_736] : memref<16384x1000xf32, #tpu.memory_space<hbm>> -> memref<32x104xf32, #tpu.memory_space<hbm>>
    %dma_wait3A_738 = arith.constant 896 : i32
    %dma_wait3A_739 = tpu.memref_slice %arg5[%add3A_721, %dma_wait3A_738] : memref<16384x1000xf32, #tpu.memory_space<hbm>> -> memref<32x104xf32, #tpu.memory_space<hbm>>
    tpu.wait_dma2 semaphore(%arg18 : memref<!tpu.dma_semaphore, #tpu.memory_space<semaphore_mem>>) src(%arg10 : memref<32x104xf32, #tpu.memory_space<vmem>>) dst(%dma_wait3A_739 : memref<32x104xf32, #tpu.memory_space<hbm>>)
    %dma_start3A_740 = arith.constant 480 : i32
    %dma_start3A_741 = tpu.memref_slice %arg6[%dma_start3A_740] : memref<512xi32, #tpu.memory_space<vmem>> -> memref<32xi32, #tpu.memory_space<vmem>>
    %dma_start3A_742 = arith.constant 0 : i32
    %dma_start3A_743 = arith.constant 0 : i32
    %dma_start3A_744 = tpu.memref_slice %arg2[%dma_start3A_742, %dma_start3A_743] : memref<100x1024xf32, #tpu.memory_space<hbm>> -> memref<100x1024xf32, #tpu.memory_space<hbm>>
    tpu.enqueue_indirect_dma source(%dma_start3A_744 : memref<100x1024xf32, #tpu.memory_space<hbm>>) target(%arg8 : memref<32x1024xf32, #tpu.memory_space<vmem>>) offsets(%dma_start3A_741 : memref<32xi32, #tpu.memory_space<vmem>>) semaphore(%arg12 : memref<!tpu.dma_semaphore, #tpu.memory_space<semaphore_mem>>)
    %add3A_745 = arith.constant 480 : i32
    %add3A_746 = arith.addi %mul3A_2, %add3A_745 : i32
    %dma_start3A_747 = arith.constant 0 : i32
    %dma_start3A_748 = tpu.memref_slice %arg4[%add3A_746, %dma_start3A_747] : memref<16384x104xf32, #tpu.memory_space<hbm>> -> memref<32x104xf32, #tpu.memory_space<hbm>>
    %dma_start3A_749 = arith.constant 0 : i32
    %dma_start3A_750 = tpu.memref_slice %arg4[%add3A_746, %dma_start3A_749] : memref<16384x104xf32, #tpu.memory_space<hbm>> -> memref<32x104xf32, #tpu.memory_space<hbm>>
    tpu.enqueue_dma source(%dma_start3A_750 : memref<32x104xf32, #tpu.memory_space<hbm>>) target(%arg10 : memref<32x104xf32, #tpu.memory_space<vmem>>) target_semaphore(%arg14 : memref<!tpu.dma_semaphore, #tpu.memory_space<semaphore_mem>>)
    %dma_wait3A_751 = arith.constant 448 : i32
    %dma_wait3A_752 = tpu.memref_slice %arg6[%dma_wait3A_751] : memref<512xi32, #tpu.memory_space<vmem>> -> memref<32xi32, #tpu.memory_space<vmem>>
    %dma_wait3A_753 = arith.constant 0 : i32
    %dma_wait3A_754 = arith.constant 0 : i32
    %dma_wait3A_755 = tpu.memref_slice %arg2[%dma_wait3A_753, %dma_wait3A_754] : memref<100x1024xf32, #tpu.memory_space<hbm>> -> memref<100x1024xf32, #tpu.memory_space<hbm>>
    tpu.wait_indirect_dma semaphore(%arg11 : memref<!tpu.dma_semaphore, #tpu.memory_space<semaphore_mem>>) src(%dma_wait3A_755 : memref<100x1024xf32, #tpu.memory_space<hbm>>) dst(%arg7 : memref<32x1024xf32, #tpu.memory_space<vmem>>)
    %dma_wait3A_756 = arith.constant 0 : i32
    %dma_wait3A_757 = tpu.memref_slice %arg4[%add3A_694, %dma_wait3A_756] : memref<16384x104xf32, #tpu.memory_space<hbm>> -> memref<32x104xf32, #tpu.memory_space<hbm>>
    %dma_wait3A_758 = arith.constant 0 : i32
    %dma_wait3A_759 = tpu.memref_slice %arg4[%add3A_694, %dma_wait3A_758] : memref<16384x104xf32, #tpu.memory_space<hbm>> -> memref<32x104xf32, #tpu.memory_space<hbm>>
    tpu.wait_dma2 semaphore(%arg13 : memref<!tpu.dma_semaphore, #tpu.memory_space<semaphore_mem>>) src(%dma_wait3A_759 : memref<32x104xf32, #tpu.memory_space<hbm>>) dst(%arg9 : memref<32x104xf32, #tpu.memory_space<vmem>>)
    %add3A_760 = arith.constant 448 : i32
    %add3A_761 = arith.addi %mul3A_2, %add3A_760 : i32
    %dma_start3A_762 = arith.constant 0 : i32
    %dma_start3A_763 = arith.constant 0 : i32
    %dma_start3A_764 = tpu.memref_slice %arg7[%dma_start3A_762, %dma_start3A_763] : memref<32x1024xf32, #tpu.memory_space<vmem>> -> memref<32x896xf32, #tpu.memory_space<vmem>>
    %dma_start3A_765 = arith.constant 0 : i32
    %dma_start3A_766 = tpu.memref_slice %arg5[%add3A_761, %dma_start3A_765] : memref<16384x1000xf32, #tpu.memory_space<hbm>> -> memref<32x896xf32, #tpu.memory_space<hbm>>
    %dma_start3A_767 = arith.constant 0 : i32
    %dma_start3A_768 = tpu.memref_slice %arg5[%add3A_761, %dma_start3A_767] : memref<16384x1000xf32, #tpu.memory_space<hbm>> -> memref<32x896xf32, #tpu.memory_space<hbm>>
    %dma_start3A_769 = arith.constant 0 : i32
    %dma_start3A_770 = arith.constant 0 : i32
    %dma_start3A_771 = tpu.memref_slice %arg7[%dma_start3A_769, %dma_start3A_770] : memref<32x1024xf32, #tpu.memory_space<vmem>> -> memref<32x896xf32, #tpu.memory_space<vmem>>
    tpu.enqueue_dma source(%dma_start3A_771 : memref<32x896xf32, #tpu.memory_space<vmem>>) target(%dma_start3A_768 : memref<32x896xf32, #tpu.memory_space<hbm>>) target_semaphore(%arg15 : memref<!tpu.dma_semaphore, #tpu.memory_space<semaphore_mem>>)
    %add3A_772 = arith.constant 448 : i32
    %add3A_773 = arith.addi %mul3A_2, %add3A_772 : i32
    %dma_start3A_774 = arith.constant 896 : i32
    %dma_start3A_775 = tpu.memref_slice %arg5[%add3A_773, %dma_start3A_774] : memref<16384x1000xf32, #tpu.memory_space<hbm>> -> memref<32x104xf32, #tpu.memory_space<hbm>>
    %dma_start3A_776 = arith.constant 896 : i32
    %dma_start3A_777 = tpu.memref_slice %arg5[%add3A_773, %dma_start3A_776] : memref<16384x1000xf32, #tpu.memory_space<hbm>> -> memref<32x104xf32, #tpu.memory_space<hbm>>
    tpu.enqueue_dma source(%arg9 : memref<32x104xf32, #tpu.memory_space<vmem>>) target(%dma_start3A_777 : memref<32x104xf32, #tpu.memory_space<hbm>>) target_semaphore(%arg17 : memref<!tpu.dma_semaphore, #tpu.memory_space<semaphore_mem>>)
    %dma_wait3A_778 = arith.constant 480 : i32
    %dma_wait3A_779 = tpu.memref_slice %arg6[%dma_wait3A_778] : memref<512xi32, #tpu.memory_space<vmem>> -> memref<32xi32, #tpu.memory_space<vmem>>
    %dma_wait3A_780 = arith.constant 0 : i32
    %dma_wait3A_781 = arith.constant 0 : i32
    %dma_wait3A_782 = tpu.memref_slice %arg2[%dma_wait3A_780, %dma_wait3A_781] : memref<100x1024xf32, #tpu.memory_space<hbm>> -> memref<100x1024xf32, #tpu.memory_space<hbm>>
    tpu.wait_indirect_dma semaphore(%arg12 : memref<!tpu.dma_semaphore, #tpu.memory_space<semaphore_mem>>) src(%dma_wait3A_782 : memref<100x1024xf32, #tpu.memory_space<hbm>>) dst(%arg8 : memref<32x1024xf32, #tpu.memory_space<vmem>>)
    %dma_wait3A_783 = arith.constant 0 : i32
    %dma_wait3A_784 = tpu.memref_slice %arg4[%add3A_746, %dma_wait3A_783] : memref<16384x104xf32, #tpu.memory_space<hbm>> -> memref<32x104xf32, #tpu.memory_space<hbm>>
    %dma_wait3A_785 = arith.constant 0 : i32
    %dma_wait3A_786 = tpu.memref_slice %arg4[%add3A_746, %dma_wait3A_785] : memref<16384x104xf32, #tpu.memory_space<hbm>> -> memref<32x104xf32, #tpu.memory_space<hbm>>
    tpu.wait_dma2 semaphore(%arg14 : memref<!tpu.dma_semaphore, #tpu.memory_space<semaphore_mem>>) src(%dma_wait3A_786 : memref<32x104xf32, #tpu.memory_space<hbm>>) dst(%arg10 : memref<32x104xf32, #tpu.memory_space<vmem>>)
    %add3A_787 = arith.constant 480 : i32
    %add3A_788 = arith.addi %mul3A_2, %add3A_787 : i32
    %dma_start3A_789 = arith.constant 0 : i32
    %dma_start3A_790 = arith.constant 0 : i32
    %dma_start3A_791 = tpu.memref_slice %arg8[%dma_start3A_789, %dma_start3A_790] : memref<32x1024xf32, #tpu.memory_space<vmem>> -> memref<32x896xf32, #tpu.memory_space<vmem>>
    %dma_start3A_792 = arith.constant 0 : i32
    %dma_start3A_793 = tpu.memref_slice %arg5[%add3A_788, %dma_start3A_792] : memref<16384x1000xf32, #tpu.memory_space<hbm>> -> memref<32x896xf32, #tpu.memory_space<hbm>>
    %dma_start3A_794 = arith.constant 0 : i32
    %dma_start3A_795 = tpu.memref_slice %arg5[%add3A_788, %dma_start3A_794] : memref<16384x1000xf32, #tpu.memory_space<hbm>> -> memref<32x896xf32, #tpu.memory_space<hbm>>
    %dma_start3A_796 = arith.constant 0 : i32
    %dma_start3A_797 = arith.constant 0 : i32
    %dma_start3A_798 = tpu.memref_slice %arg8[%dma_start3A_796, %dma_start3A_797] : memref<32x1024xf32, #tpu.memory_space<vmem>> -> memref<32x896xf32, #tpu.memory_space<vmem>>
    tpu.enqueue_dma source(%dma_start3A_798 : memref<32x896xf32, #tpu.memory_space<vmem>>) target(%dma_start3A_795 : memref<32x896xf32, #tpu.memory_space<hbm>>) target_semaphore(%arg16 : memref<!tpu.dma_semaphore, #tpu.memory_space<semaphore_mem>>)
    %add3A_799 = arith.constant 480 : i32
    %add3A_800 = arith.addi %mul3A_2, %add3A_799 : i32
    %dma_start3A_801 = arith.constant 896 : i32
    %dma_start3A_802 = tpu.memref_slice %arg5[%add3A_800, %dma_start3A_801] : memref<16384x1000xf32, #tpu.memory_space<hbm>> -> memref<32x104xf32, #tpu.memory_space<hbm>>
    %dma_start3A_803 = arith.constant 896 : i32
    %dma_start3A_804 = tpu.memref_slice %arg5[%add3A_800, %dma_start3A_803] : memref<16384x1000xf32, #tpu.memory_space<hbm>> -> memref<32x104xf32, #tpu.memory_space<hbm>>
    tpu.enqueue_dma source(%arg10 : memref<32x104xf32, #tpu.memory_space<vmem>>) target(%dma_start3A_804 : memref<32x104xf32, #tpu.memory_space<hbm>>) target_semaphore(%arg18 : memref<!tpu.dma_semaphore, #tpu.memory_space<semaphore_mem>>)
    %dma_wait3A_805 = arith.constant 0 : i32
    %dma_wait3A_806 = arith.constant 0 : i32
    %dma_wait3A_807 = tpu.memref_slice %arg7[%dma_wait3A_805, %dma_wait3A_806] : memref<32x1024xf32, #tpu.memory_space<vmem>> -> memref<32x896xf32, #tpu.memory_space<vmem>>
    %dma_wait3A_808 = arith.constant 0 : i32
    %dma_wait3A_809 = tpu.memref_slice %arg5[%add3A_761, %dma_wait3A_808] : memref<16384x1000xf32, #tpu.memory_space<hbm>> -> memref<32x896xf32, #tpu.memory_space<hbm>>
    %dma_wait3A_810 = arith.constant 0 : i32
    %dma_wait3A_811 = tpu.memref_slice %arg5[%add3A_761, %dma_wait3A_810] : memref<16384x1000xf32, #tpu.memory_space<hbm>> -> memref<32x896xf32, #tpu.memory_space<hbm>>
    %dma_wait3A_812 = arith.constant 0 : i32
    %dma_wait3A_813 = arith.constant 0 : i32
    %dma_wait3A_814 = tpu.memref_slice %arg7[%dma_wait3A_812, %dma_wait3A_813] : memref<32x1024xf32, #tpu.memory_space<vmem>> -> memref<32x896xf32, #tpu.memory_space<vmem>>
    tpu.wait_dma2 semaphore(%arg15 : memref<!tpu.dma_semaphore, #tpu.memory_space<semaphore_mem>>) src(%dma_wait3A_814 : memref<32x896xf32, #tpu.memory_space<vmem>>) dst(%dma_wait3A_811 : memref<32x896xf32, #tpu.memory_space<hbm>>)
    %dma_wait3A_815 = arith.constant 896 : i32
    %dma_wait3A_816 = tpu.memref_slice %arg5[%add3A_773, %dma_wait3A_815] : memref<16384x1000xf32, #tpu.memory_space<hbm>> -> memref<32x104xf32, #tpu.memory_space<hbm>>
    %dma_wait3A_817 = arith.constant 896 : i32
    %dma_wait3A_818 = tpu.memref_slice %arg5[%add3A_773, %dma_wait3A_817] : memref<16384x1000xf32, #tpu.memory_space<hbm>> -> memref<32x104xf32, #tpu.memory_space<hbm>>
    tpu.wait_dma2 semaphore(%arg17 : memref<!tpu.dma_semaphore, #tpu.memory_space<semaphore_mem>>) src(%arg9 : memref<32x104xf32, #tpu.memory_space<vmem>>) dst(%dma_wait3A_818 : memref<32x104xf32, #tpu.memory_space<hbm>>)
    %dma_wait3A_819 = arith.constant 0 : i32
    %dma_wait3A_820 = arith.constant 0 : i32
    %dma_wait3A_821 = tpu.memref_slice %arg8[%dma_wait3A_819, %dma_wait3A_820] : memref<32x1024xf32, #tpu.memory_space<vmem>> -> memref<32x896xf32, #tpu.memory_space<vmem>>
    %dma_wait3A_822 = arith.constant 0 : i32
    %dma_wait3A_823 = tpu.memref_slice %arg5[%add3A_788, %dma_wait3A_822] : memref<16384x1000xf32, #tpu.memory_space<hbm>> -> memref<32x896xf32, #tpu.memory_space<hbm>>
    %dma_wait3A_824 = arith.constant 0 : i32
    %dma_wait3A_825 = tpu.memref_slice %arg5[%add3A_788, %dma_wait3A_824] : memref<16384x1000xf32, #tpu.memory_space<hbm>> -> memref<32x896xf32, #tpu.memory_space<hbm>>
    %dma_wait3A_826 = arith.constant 0 : i32
    %dma_wait3A_827 = arith.constant 0 : i32
    %dma_wait3A_828 = tpu.memref_slice %arg8[%dma_wait3A_826, %dma_wait3A_827] : memref<32x1024xf32, #tpu.memory_space<vmem>> -> memref<32x896xf32, #tpu.memory_space<vmem>>
    tpu.wait_dma2 semaphore(%arg16 : memref<!tpu.dma_semaphore, #tpu.memory_space<semaphore_mem>>) src(%dma_wait3A_828 : memref<32x896xf32, #tpu.memory_space<vmem>>) dst(%dma_wait3A_825 : memref<32x896xf32, #tpu.memory_space<hbm>>)
    %dma_wait3A_829 = arith.constant 896 : i32
    %dma_wait3A_830 = tpu.memref_slice %arg5[%add3A_800, %dma_wait3A_829] : memref<16384x1000xf32, #tpu.memory_space<hbm>> -> memref<32x104xf32, #tpu.memory_space<hbm>>
    %dma_wait3A_831 = arith.constant 896 : i32
    %dma_wait3A_832 = tpu.memref_slice %arg5[%add3A_800, %dma_wait3A_831] : memref<16384x1000xf32, #tpu.memory_space<hbm>> -> memref<32x104xf32, #tpu.memory_space<hbm>>
    tpu.wait_dma2 semaphore(%arg18 : memref<!tpu.dma_semaphore, #tpu.memory_space<semaphore_mem>>) src(%arg10 : memref<32x104xf32, #tpu.memory_space<vmem>>) dst(%dma_wait3A_832 : memref<32x104xf32, #tpu.memory_space<hbm>>)
    return
  }
}

module attributes {stable_mosaic.version = 14 : i64} {
  func.func @_softmax_pad_body(%arg0: memref<100x1000xf32, #tpu.memory_space<vmem>>, %arg1: memref<100x1024xf32, #tpu.memory_space<vmem>>) attributes {dimension_semantics = [], scalar_prefetch = 0 : i64, scratch_operands = 0 : i64, tpu.core_type = #tpu.core_type<tc>} {
    %get3A = arith.constant 0 : index
    %get3A_0 = arith.constant 0 : index
    %get3A_1 = vector.load %arg0[%get3A, %get3A_0] : memref<100x1000xf32, #tpu.memory_space<vmem>>, vector<100x1000xf32>
    %reduce_max3A = arith.constant dense<0xFF800000> : vector<100xf32>
    %reduce_max3A_2 = vector.multi_reduction <maximumf>, %get3A_1, %reduce_max3A [1] : vector<100x1000xf32> to vector<100xf32>
    %broadcast_in_dim3A = vector.shape_cast %reduce_max3A_2 : vector<100xf32> to vector<100x1xf32>
    %sub3A = vector.broadcast %broadcast_in_dim3A : vector<100x1xf32> to vector<100x1000xf32>
    %sub3A_3 = arith.subf %get3A_1, %sub3A : vector<100x1000xf32>
    %exp3A = math.exp %sub3A_3 : vector<100x1000xf32>
    %reduce_sum3A = arith.constant dense<0.000000e+00> : vector<100xf32>
    %reduce_sum3A_4 = vector.multi_reduction <add>, %exp3A, %reduce_sum3A [1] : vector<100x1000xf32> to vector<100xf32>
    %broadcast_in_dim3A_5 = vector.shape_cast %reduce_sum3A_4 : vector<100xf32> to vector<100x1xf32>
    %div3A = vector.broadcast %broadcast_in_dim3A_5 : vector<100x1xf32> to vector<100x1000xf32>
    %div3A_6 = arith.divf %exp3A, %div3A : vector<100x1000xf32>
    %swap3A = arith.constant 0 : index
    %swap3A_7 = arith.constant 0 : index
    %swap3A_8 = vector.load %arg1[%swap3A, %swap3A_7] : memref<100x1024xf32, #tpu.memory_space<vmem>>, vector<100x1000xf32>
    tpu.vector_store %arg1[%swap3A, %swap3A_7], %div3A_6 {strides = array<i32>} : memref<100x1024xf32, #tpu.memory_space<vmem>>, vector<100x1000xf32>,
    %broadcast_in_dim3A_9 = arith.constant 0.000000e+00 : f32
    %broadcast_in_dim3A_10 = vector.broadcast %broadcast_in_dim3A_9 : f32 to vector<100x24xf32>
    %swap3A_11 = arith.constant 0 : index
    %swap3A_12 = arith.constant 1000 : index
    %swap3A_13 = vector.load %arg1[%swap3A_11, %swap3A_12] : memref<100x1024xf32, #tpu.memory_space<vmem>>, vector<100x24xf32>
    tpu.vector_store %arg1[%swap3A_11, %swap3A_12], %broadcast_in_dim3A_10 {strides = array<i32>} : memref<100x1024xf32, #tpu.memory_space<vmem>>, vector<100x24xf32>,
    return
  }
}

module attributes {stable_mosaic.version = 14 : i64} {
  func.func @_tail_body(%arg0: i32, %arg1: memref<1x1x1024xi32, #tpu.memory_space<vmem>>, %arg2: memref<100x1024xf32, #tpu.memory_space<vmem>>, %arg3: memref<1024x104xf32, #tpu.memory_space<vmem>>) attributes {dimension_semantics = [#tpu.dimension_semantics<arbitrary>], iteration_bounds = array<i64: 16>, scalar_prefetch = 0 : i64, scratch_operands = 0 : i64, tpu.core_type = #tpu.core_type<tc>, window_params = [{transform_indices = @transform_0, window_bounds = array<i64: 1, 1, 1024>}, {pipeline_mode = #tpu.pipeline_mode<synchronous>, transform_indices = @transform_1, window_bounds = array<i64: 100, 1024>}, {transform_indices = @transform_2, window_bounds = array<i64: 1024, 104>}]} {
    %get3A = arith.constant 0 : index
    %get3A_0 = arith.constant 0 : index
    %get3A_1 = arith.constant 0 : index
    %get3A_2 = vector.load %arg1[%get3A, %get3A_0, %get3A_1] : memref<1x1x1024xi32, #tpu.memory_space<vmem>>, vector<1x1x1024xi32>
    %get3A_3 = vector.shape_cast %get3A_2 : vector<1x1x1024xi32> to vector<1024xi32>
    %broadcast_in_dim3A = vector.shape_cast %get3A_3 : vector<1024xi32> to vector<1024x1xi32>
    %iota3A = tpu.iota {dimensions = array<i32: 1>} : vector<1x100xi32>
    %eq3A = vector.broadcast %broadcast_in_dim3A : vector<1024x1xi32> to vector<1024x100xi32>
    %eq3A_4 = vector.broadcast %iota3A : vector<1x100xi32> to vector<1024x100xi32>
    %eq3A_5 = arith.cmpi eq, %eq3A, %eq3A_4 : vector<1024x100xi32>
    %get3A_6 = arith.constant 0 : index
    %get3A_7 = arith.constant 896 : index
    %get3A_8 = vector.load %arg2[%get3A_6, %get3A_7] : memref<100x1024xf32, #tpu.memory_space<vmem>>, vector<100x104xf32>
    %convert_element_type3A = arith.extui %eq3A_5 : vector<1024x100xi1> to vector<1024x100xi32>
    %convert_element_type3A_9 = arith.sitofp %convert_element_type3A : vector<1024x100xi32> to vector<1024x100xf32>
    %dot_general3A = arith.constant dense<0.000000e+00> : vector<1024x104xf32>
    %dot_general3A_10 = tpu.matmul %convert_element_type3A_9, %get3A_8, %dot_general3A {dimension_numbers = #tpu.dot_dimension_numbers<[1], [0], [0], [1], [0, 0, 1, 1], [], []>, transpose_lhs_hint = false} : vector<1024x100xf32>, vector<100x104xf32>, vector<1024x104xf32> -> vector<1024x104xf32>
    %swap3A = arith.constant 0 : index
    %swap3A_11 = arith.constant 0 : index
    %swap3A_12 = vector.load %arg3[%swap3A, %swap3A_11] : memref<1024x104xf32, #tpu.memory_space<vmem>>, vector<1024x104xf32>
    tpu.vector_store %arg3[%swap3A, %swap3A_11], %dot_general3A_10 {strides = array<i32>} : memref<1024x104xf32, #tpu.memory_space<vmem>>, vector<1024x104xf32>,
    return
  }
  func.func @transform_0(%arg0: i32) -> (i32, i32, i32) {
    %c0_i32 = arith.constant 0 : i32
    %c0_i32_0 = arith.constant 0 : i32
    %c0_i32_1 = arith.constant 0 : i32
    return %arg0, %c0_i32, %c0_i32_0 : i32, i32, i32
  }
  func.func @transform_1(%arg0: i32) -> (i32, i32) {
    %c0_i32 = arith.constant 0 : i32
    %c0_i32_0 = arith.constant 0 : i32
    %c0_i32_1 = arith.constant 0 : i32
    return %c0_i32, %c0_i32_0 : i32, i32
  }
  func.func @transform_2(%arg0: i32) -> (i32, i32) {
    %c0_i32 = arith.constant 0 : i32
    %c0_i32_0 = arith.constant 0 : i32
    return %arg0, %c0_i32 : i32, i32
  }
}

</mosaic_0001>

<sc_bundles>
// kernel: kernel.5.cloned.1.call-start
scs
__scs_entry_jumppad:
0x0: {  	(pc) =	sbr.rel $0x88, $3  }
0x1: {  	(tag) =	ssettag $0x0;
	lr =	simm.s32 $0x1  }
0x2: {  	[smem:$0x3F9F] =	sst lr;
	_ =	strace $0xD0000000  }
0x3: {  	_ = 	snop  }
0x4: {  	_ = 	snop  }
0x5: {  	_ = 	snop  }
0x6: {  	_ = 	snop  }
0x7: {  	_ = 	snop  }
__scs_overlays_trampoline_lowered:
0x8: {  	[smem:$0x3FAE] =	sst s0  }
0x9: {  	[smem:$0x3FAF] =	sst s1  }
0xa: {  	[smem:$0x3FB0] =	sst s2  }
0xb: {  	[smem:$0x3FB1] =	sst s3  }
0xc: {  	[smem:$0x3FB2] =	sst s4  }
0xd: {  	[smem:$0x3FB3] =	sst s5  }
0xe: {  	[smem:$0x3FB4] =	sst s6  }
0xf: {  	[smem:$0x3FB5] =	sst s7  }
0x10: {  	[smem:$0x3FB6] =	sst s8  }
0x11: {  	[smem:$0x3FB7] =	sst s9;
	s0 =	simm.s32 @!p0 $0x0  }
0x12: {  	s1 =	sld [smem:$0x3F9D];
	s0 =	simm.s32 @p0 $0x1  }
0x13: {  	[smem:$0x3FB8] =	sst s0;
	s0 =	simm.s32 @!p1 $0x0  }
0x14: {  	s2 =	sld [smem:$0x3F9C];
	s0 =	simm.s32 @p1 $0x1  }
0x15: {  	[smem:$0x3FB9] =	sst s0;
	s0 =	simm.s32 @!p2 $0x0  }
0x16: {  	s3 =	sld [smem:$0x3FDB];
	s0 =	simm.s32 @p2 $0x1  }
0x17: {  	s4 =	simm.s32 $0x1BF5;
	[smem:$0x3FBB] =	sst s0  }
0x18: {  	s0 =	sld [smem:$0x3F9E];
	_ =	swait.ge [sflag:s4], $0x0  }
0x19: {  	s7 =	sld [smem:$0x3F9F]  }
0x1a: {  	s8 =	sadd.s32 $0xFFFFE003, lr  }
0x1b: {  	s9 =	sadd.s32 $0xFFFFFEF7, lr;
	s5 =	simm.s32 $0xFFFFFFFF;
	p2 =	slt.u32 s8, $0xFFFFF086  }
0x1c: {  	p1 =	slt.u32 s9, $0xF7A;
	s5 =	simm.s32 @!p2 $0x0  }
0x1d: {  	s5 =	simm.s32 @p1 $0x1;
	p0 =	seq.s32 s7, s2  }
0x1e: {  	s7 =	smul.u32 @!p0 $0xF7A, s2;
	p2 =	seq.s32 @!p0 s5, $0x0  }
0x1f: {  	s9 =	smul.u32 $0xF7A, s1;
	s8 =	simm.s32 @!p0 $0x1BF5;
	p2 =	por !p2, p0  }
0x20: {  	[sflag:s8] =	ssyncset.s32 @!p0 $0xFFFFF086;
	s6 =	sadd.s32 @!p0 s3, s7;
	s7 =	simm.s32 @!p0 $0x108  }
0x21: {  	s3 =	sadd.s32 s3, s9;
	s6 =	sadd.s32 @!p0 $0x88, s6;
	s7 =	simm.s32 @p2 $0x1082  }
0x22: {  	[simem:s7], [sflag:s8] =	dma.local @!p0 [hbm:s6], $0xF7A  }
0x23: {  	s9 =	sor.u32 $0xD0000000, s2;
	s6 =	simm.s32 $0x108;
	_ =	swait.ge @!p0 [sflag:s8], $0x0  }
0x24: {  	s3 =	sadd.s32 $0x88, s3;
	s6 =	simm.s32 @!p1 $0x1082;
	[sflag:s4] =	ssyncset.s32 $0xFFFFF086  }
0x25: {  	[simem:s6], [sflag:s4] =	dma.local [hbm:s3], $0xF7A  }
0x26: {  	[smem:$0x3F9F] =	sst s1;
	(tag) =	ssettag s2;
	_ =	strace s9  }
0x27: {  	s1 =	sld [smem:$0x3FAF]  }
0x28: {  	s2 =	sld [smem:$0x3FB0]  }
0x29: {  	s4 =	sld [smem:$0x3FB2]  }
0x2a: {  	p0 =	seq.s32 s5, $0x0;
	s5 =	sld [smem:$0x3FB3]  }
0x2b: {  	s6 =	sld [smem:$0x3FB4]  }
0x2c: {  	s7 =	sld [smem:$0x3FB5]  }
0x2d: {  	s3 =	simm.s32 $0x108;
	s8 =	sld [smem:$0x3FB6]  }
0x2e: {  	s3 =	simm.s32 @!p0 $0x1082;
	s9 =	sld [smem:$0x3FB7]  }
0x2f: {  	lr =	sadd.s32 s0, s3;
	s0 =	sld [smem:$0x3FAE]  }
0x30: {  	s3 =	sld [smem:$0x3FB1]  }
0x31: {  	[smem:$0x3FBA] =	sst s10  }
0x32: {  	s10 =	sld [smem:$0x3FB8];
	_ =	sdelay $0x3  }
0x33: {  	p0 =	seq.s32 s10, $0x1;
	s10 =	sld [smem:$0x3FBA];
	_ =	sdelay $0x3  }
0x34: {  	[smem:$0x3FBA] =	sst s10  }
0x35: {  	s10 =	sld [smem:$0x3FB9];
	_ =	sdelay $0x3  }
0x36: {  	p1 =	seq.s32 s10, $0x1;
	s10 =	sld [smem:$0x3FBA];
	_ =	sdelay $0x3  }
0x37: {  	[smem:$0x3FBA] =	sst s10  }
0x38: {  	s10 =	sld [smem:$0x3FBB]  }
0x39: {  	_ = 	snop;
	(pc) =	sbr.ind lr, $3  }
0x3a: {  	_ = 	snop  }
0x3b: {  	_ = 	snop  }
0x3c: {  	p2 =	seq.s32 s10, $0x1;
	s10 =	sld [smem:$0x3FBA]  }
0x3d: {  	_ =	shalt  }
0x3e: {  	_ =	shalt  }
0x3f: {  	_ =	shalt  }
0x40: {  	_ =	shalt  }
0x41: {  	_ =	shalt  }
0x42: {  	_ =	shalt  }
0x43: {  	_ =	shalt  }
0x44: {  	_ =	shalt  }
0x45: {  	_ =	shalt  }
0x46: {  	_ =	shalt  }
0x47: {  	_ =	shalt  }
0x48: {  	_ =	shalt  }
0x49: {  	_ =	shalt  }
0x4a: {  	_ =	shalt  }
0x4b: {  	_ =	shalt  }
0x4c: {  	_ =	shalt  }
0x4d: {  	_ =	shalt  }
0x4e: {  	_ =	shalt  }
0x4f: {  	_ =	shalt  }
0x50: {  	_ =	shalt  }
0x51: {  	_ =	shalt  }
0x52: {  	_ =	shalt  }
0x53: {  	_ =	shalt  }
0x54: {  	_ =	shalt  }
0x55: {  	_ =	shalt  }
0x56: {  	_ =	shalt  }
0x57: {  	_ =	shalt  }
0x58: {  	_ =	shalt  }
0x59: {  	_ =	shalt  }
0x5a: {  	_ =	shalt  }
0x5b: {  	_ =	shalt  }
0x5c: {  	_ =	shalt  }
0x5d: {  	_ =	shalt  }
0x5e: {  	_ =	shalt  }
0x5f: {  	_ =	shalt  }
0x60: {  	_ =	shalt  }
0x61: {  	_ =	shalt  }
0x62: {  	_ =	shalt  }
0x63: {  	_ =	shalt  }
0x64: {  	_ =	shalt  }
0x65: {  	_ =	shalt  }
0x66: {  	_ =	shalt  }
0x67: {  	_ =	shalt  }
0x68: {  	_ =	shalt  }
0x69: {  	_ =	shalt  }
0x6a: {  	_ =	shalt  }
0x6b: {  	_ =	shalt  }
0x6c: {  	_ =	shalt  }
0x6d: {  	_ =	shalt  }
0x6e: {  	_ =	shalt  }
0x6f: {  	_ =	shalt  }
0x70: {  	_ =	shalt  }
0x71: {  	_ =	shalt  }
0x72: {  	_ =	shalt  }
0x73: {  	_ =	shalt  }
0x74: {  	_ =	shalt  }
0x75: {  	_ =	shalt  }
0x76: {  	_ =	shalt  }
0x77: {  	_ =	shalt  }
0x78: {  	_ =	shalt  }
0x79: {  	_ =	shalt  }
0x7a: {  	_ =	shalt  }
0x7b: {  	_ =	shalt  }
0x7c: {  	_ =	shalt  }
0x7d: {  	_ =	shalt  }
0x7e: {  	_ =	shalt  }
0x7f: {  	_ =	shalt  }
0x80: {  	_ =	shalt  }
0x81: {  	_ =	shalt  }
0x82: {  	_ =	shalt  }
0x83: {  	_ =	shalt  }
0x84: {  	_ =	shalt  }
0x85: {  	_ =	shalt  }
0x86: {  	_ =	shalt  }
0x87: {  	_ =	shalt  }
.Lfunc_end0:
.L_simem_size_0:
called_computation_lowered:
.L_overlay_start_0:
0x88: {  	s2 =	sld [smem:$0x3FD9]  }
0x89: {  	s3 =	sld [smem:$0x3FFE];
	_ =	sdelay $0x1  }
0x8a: {  	s1 =	srdreg.scid  }
0x8b: {  	s0 =	sand.u32 $0x1, s1  }
0x8c: {  	s17 =	sshll.u32 s0, $0xA;
	s2 =	sadd.s32 s3, s2  }
0x8d: {  	s2 =	sadd.s32 s2, s17  }
0x8e: {  	[smem:$0x3FC6] =	sst s2  }
0x8f: {  	_ = 	snop  }
0x90: {  	s2 =	sld [smem:$0x3FC9]  }
0x91: {  	s18 =	sld [smem:$0x3FD0];
	(tm) =	ssettm $0x1  }
0x92: {  	s4 =	sld [smem:$0x3FFB];
	_ =	sdelay $0x3  }
0x93: {  	_ =	strace s4  }
0x94: {  	s4 =	sld [smem:$0x3FFC];
	_ =	sdelay $0x3  }
0x95: {  	_ =	strace s4  }
0x96: {  	s4 =	sld [smem:$0x3FFD];
	_ =	sdelay $0x3  }
0x97: {  	_ =	strace s4  }
0x98: {  	_ =	strace $0x8FFFFFFF  }
0x99: {  	s19 =	sld [smem:$0x3FDB];
	_ =	sdelay $0x1  }
0x9a: {  	s5 =	simm.s32 $_scs_section_size  }
0x9b: {  	s6 =	simm.s32 $_size__tile_overlayer_lowered;
	s7 =	simm.s32 $_tile_overlayer_lowered  }
0x9c: {  	s22 =	simm.s32 $0x1BFF;
	s21 =	sshll.u32 s7, $0x1;
	s4 =	sadd.s32 s5, s19  }
0x9d: {  	s8 =	simm.s32 $0x0;
	s20 =	sshll.u32 s6, $0x1;
	s6 =	sadd.s32 s21, s4  }
0x9e: {  	[timem:s8], [sflag:s22] =	dma.local [hbm:s6], s20  }
0x9f: {  	_ =	swait.ge [sflag:s22], s20  }
0xa0: {  	s5 =	ssub.s32 $0x0, s20;
	[sflag:s22] =	ssyncset.done $0x0  }
0xa1: {  	[sflag:s22] =	ssyncadd.s32 s5;
	_ =	sdelay $0x1  }
0xa2: {  	s23 =	simm.s32 $0x1B8B  }
0xa3: {  	_ =	swait.ge [sflag:s23], $0x1  }
0xa4: {  	[sflag:s23] =	ssyncset.done $0x0  }
0xa5: {  	s25 =	simm.s32 $0x1B8E;
	s24 =	sld [smem:$0x3FFE];
	[sflag:s23] =	ssyncadd.s32 $0xFFFFFFFF  }
0xa6: {  	s26 =	simm.s32 $execute0_lowered;
	[smem:$0x3FD2] =	sst s25  }
0xa7: {  	s6 =	sshll.u32 s26, $0x1;
	_ =	strace $0x80000046;
	[dreg:$0x1] =	wrdreg $0xFFFFFFFF  }
0xa8: {  	s28 =	simm.s32 $_size_execute0_lowered;
	s4 =	sadd.s32 s4, s6;
	[dreg:$0x0] =	wrdreg $0x0  }
0xa9: {  	s6 =	sshll.u32 s28, $0x1;
	[dreg:$0x2] =	wrdreg s4  }
0xaa: {  	[dreg:$0x3] =	wrdreg s6  }
0xab: {  	[dreg:$0x4] =	wrdreg $0xC0  }
0xac: {  	_ =	task [dreg:s8], $0x5FFFF  }
0xad: {  	[dreg:$0x1] =	wrdreg $0xFFFFFFFF  }
0xae: {  	[dreg:$0x0] =	wrdreg $0x60  }
0xaf: {  	[dreg:$0x2] =	wrdreg s24  }
0xb0: {  	[dreg:$0x3] =	wrdreg s2  }
0xb1: {  	[dreg:$0x4] =	wrdreg s18  }
0xb2: {  	[dreg:$0x5] =	wrdreg $0x9  }
0xb3: {  	_ =	task.clear_ibuf [dreg:s8], $0x6FFFF;
	_ =	strace $0x90000046  }
0xb4: {  	s29 =	simm.s32 $0x9;
	_ =	strace $0x80000048  }
0xb5: {  	_ =	swait.ge [sflag:s29], $0x1  }
0xb6: {  	[sflag:s29] =	ssyncadd.s32 $0xFFFFFFFF  }
0xb7: {  	_ =	strace $0x90000048  }
0xb8: {  	_ =	sfence  }
0xb9: {  	s30 =	sld [smem:$0x0];
	_ =	sdelay $0x2  }
0xba: {  	s31 =	sshll.u32 s1, $0xD;
	s1 =	sshrl.u32 s1, $0x2  }
0xbb: {  	s3 =	sand.u32 $0x4000, s31;
	s1 =	sadd.s32 s1, s30  }
0xbc: {  	s0 =	sor.u32 s3, s0;
	s1 =	sshll.u32 s1, $0x11  }
0xbd: {  	s0 =	sor.u32 s1, s0  }
0xbe: {  	s0 =	sadd.s32 $0x8F2B, s0  }
0xbf: {  	[sflag:s0] =	ssyncadd.remote.s32 $0x1  }
0xc0: {  	_ =	sfence.sel $0xFFFF  }
0xc1: {  	[dreg:$0x0] =	wrdreg $0xFFFFFFFF;
	(pc) =	sbr.abs _section_cstart, $3  }
0xc2: {  	[dreg:$0x1] =	wrdreg $0xFFFFFFFF  }
0xc3: {  	_ =	task.clear_ibuf [dreg:s8], $0x2FFFF;
	_ =	strace $0x9FFFFFFF  }
0xc4: {  	(tm) =	ssettm $0x7FFFFFFF  }
0xc5: {  	_ =	shalt  }
tec
execute0_lowered:
.L_overlay_start_1:
0x0: {  	(tag) =	ssettag $0x1  }
0x1: {  	s1 =	srdreg.scid  }
0x2: {  	s0 =	rddreg [dreg:$0x0];
	s2 =	stileid.u32;
	s5 =	sand.u32 $0x1, s1  }
0x3: {  	s3 =	rddreg [dreg:$0x1];
	s13 =	sshll.u32 s2, $0xA;
	s6 =	sshll.u32 s5, $0x9  }
0x4: {  	s4 =	rddreg [dreg:$0x2];
	s2 =	simm.s32 $0x0;
	s1 =	sor.u32 s6, s13  }
0x5: {  	[smem:$0x7FF] =	sst s2;
	s6 =	sshrl.u32 s1, $0x3;
	s7 =	sshll.u32 s1, $0x4  }
0x6: {  	_ =	strace $0x80000047;
	s3 =	sadd.s32 s3, s6;
	s14 =	sadd.s32 s4, s7  }
0x7: {  	s8 =	sor.u32 $0x4, s6;
	s7 =	sshll.u32 s1, $0x7;
	s1 =	sadd.s32 $0x4380, s0  }
0x8: {  	s9 =	sor.u32 $0x8, s6;
	s10 =	sor.u32 $0xC, s6;
	s21 =	sor.u32 $0x10, s6  }
0x9: {  	s12 =	sor.u32 $0x14, s6;
	s26 =	sor.u32 $0x18, s6;
	[dreg:$0x4] =	wrdreg s3  }
0xa: {  	[dreg:$0x5] =	wrdreg s14;
	s15 =	sshll.u32 s8, $0x7;
	s16 =	sadd.s32 s7, s1  }
0xb: {  	s17 =	sshll.u32 s9, $0x7;
	s8 =	sshll.u32 s8, $0xA;
	s11 =	sshll.u32 s10, $0x7  }
0xc: {  	s9 =	sshll.u32 s9, $0xA;
	s22 =	sshll.u32 s21, $0x7;
	s10 =	sshll.u32 s10, $0xA  }
0xd: {  	s13 =	sshll.u32 s12, $0x7;
	s3 =	sadd.s32 s4, s15;
	[dreg:$0x7] =	wrdreg s16  }
0xe: {  	s29 =	sshll.u32 s26, $0x7;
	s18 =	sadd.s32 s8, s1;
	[dreg:$0x6] =	wrdreg s3  }
0xf: {  	s12 =	sshll.u32 s12, $0xA;
	s19 =	sadd.s32 s4, s11;
	[dreg:$0x9] =	wrdreg s18  }
0x10: {  	s14 =	sor.u32 $0x1C, s6;
	s20 =	sadd.s32 s9, s1;
	[dreg:$0xa] =	wrdreg s19  }
0x11: {  	s23 =	sadd.s32 s10, s1;
	s24 =	sadd.s32 s4, s13;
	[dreg:$0xb] =	wrdreg s20  }
0x12: {  	s11 =	sshll.u32 s21, $0xA;
	s31 =	sadd.s32 s12, s1;
	[dreg:$0xd] =	wrdreg s23  }
0x13: {  	s15 =	sshll.u32 s14, $0x7;
	s13 =	sshll.u32 s26, $0xA;
	[dreg:$0xe] =	wrdreg s24  }
0x14: {  	s14 =	sshll.u32 s14, $0xA;
	s3 =	sadd.s32 s4, s17;
	[dreg:$0x11] =	wrdreg s31  }
0x15: {  	s25 =	sadd.s32 s11, s1;
	s16 =	sadd.s32 s4, s15;
	[dreg:$0x8] =	wrdreg s3  }
0x16: {  	s17 =	sadd.s32 s13, s1;
	s18 =	sor.u32 $0x20, s6;
	[dreg:$0xf] =	wrdreg s25  }
0x17: {  	s20 =	sadd.s32 s14, s1;
	s23 =	sor.u32 $0x28, s6;
	[dreg:$0x12] =	wrdreg s16  }
0x18: {  	s31 =	sor.u32 $0x30, s6;
	s3 =	sadd.s32 s4, s22;
	[dreg:$0x13] =	wrdreg s17  }
0x19: {  	s19 =	sshll.u32 s18, $0x7;
	s16 =	sor.u32 $0x24, s6;
	[dreg:$0x15] =	wrdreg s20  }
0x1a: {  	s15 =	sshll.u32 s18, $0xA;
	s24 =	sshll.u32 s23, $0x7;
	s18 =	sor.u32 $0x2C, s6  }
0x1b: {  	s20 =	sor.u32 $0x34, s6;
	[dreg:$0xc] =	wrdreg s3;
	s3 =	sadd.s32 s4, s29  }
0x1c: {  	s17 =	sshll.u32 s16, $0x7;
	s22 =	sadd.s32 s15, s1;
	[dreg:$0x10] =	wrdreg s3  }
0x1d: {  	s16 =	sshll.u32 s16, $0xA;
	s3 =	sadd.s32 s4, s19;
	[dreg:$0x17] =	wrdreg s22  }
0x1e: {  	s21 =	sadd.s32 s4, s17;
	s25 =	sadd.s32 s16, s1;
	[dreg:$0x14] =	wrdreg s3  }
0x1f: {  	s19 =	sshll.u32 s18, $0x7;
	s17 =	sshll.u32 s23, $0xA;
	[dreg:$0x16] =	wrdreg s21  }
0x20: {  	s18 =	sshll.u32 s18, $0xA;
	s3 =	sadd.s32 s4, s24;
	[dreg:$0x19] =	wrdreg s25  }
0x21: {  	s26 =	sadd.s32 s4, s19;
	s29 =	sadd.s32 s17, s1;
	[dreg:$0x18] =	wrdreg s3  }
0x22: {  	s21 =	sshll.u32 s31, $0x7;
	s22 =	sadd.s32 s18, s1;
	[dreg:$0x1a] =	wrdreg s26  }
0x23: {  	s19 =	sshll.u32 s31, $0xA;
	[dreg:$0x1b] =	wrdreg s29;
	s3 =	sadd.s32 s4, s21  }
0x24: {  	s21 =	sshll.u32 s20, $0x7;
	[dreg:$0x1d] =	wrdreg s22;
	s24 =	sadd.s32 s19, s1  }
0x25: {  	s22 =	sor.u32 $0x38, s6;
	s20 =	sshll.u32 s20, $0xA;
	[dreg:$0x1c] =	wrdreg s3  }
0x26: {  	s23 =	sadd.s32 s4, s21;
	[dreg:$0x1f] =	wrdreg s24;
	s25 =	sshll.u32 s22, $0x7  }
0x27: {  	s26 =	sadd.s32 s20, s1;
	s24 =	sor.u32 $0x3C, s6;
	[dreg:$0x1e] =	wrdreg s23  }
0x28: {  	s21 =	sadd.s32 s4, s25;
	[smem:$0x7EA] =	sst s26;
	s6 =	sshll.u32 s24, $0x7  }
0x29: {  	s31 =	sshll.u32 s22, $0xA;
	[smem:$0x7E9] =	sst s21;
	s4 =	sadd.s32 s4, s6  }
0x2a: {  	s23 =	sadd.s32 $0x4000, s0;
	s6 =	sadd.s32 s31, s1;
	[smem:$0x7EB] =	sst s4  }
0x2b: {  	s7 =	sadd.s32 s23, s7;
	[smem:$0x7EC] =	sst s6  }
0x2c: {  	s8 =	sadd.s32 s23, s8;
	[smem:$0x7ED] =	sst s7  }
0x2d: {  	s9 =	sadd.s32 s23, s9;
	[smem:$0x7EE] =	sst s8  }
0x2e: {  	s10 =	sadd.s32 s23, s10;
	[smem:$0x7EF] =	sst s9  }
0x2f: {  	s11 =	sadd.s32 s23, s11;
	[smem:$0x7F0] =	sst s10  }
0x30: {  	s30 =	simm.s32 $0x1;
	s12 =	sadd.s32 s23, s12;
	[smem:$0x7F1] =	sst s11  }
0x31: {  	s28 =	simm.s32 $0x8;
	s13 =	sadd.s32 s23, s13;
	[smem:$0x7F2] =	sst s12  }
0x32: {  	s5 =	ssub.s32 $0x2, s5;
	s14 =	sadd.s32 s23, s14;
	[smem:$0x7F3] =	sst s13  }
0x33: {  	s29 =	sshrl.u32 s5, $0x1;
	s15 =	sadd.s32 s23, s15;
	[smem:$0x7F4] =	sst s14  }
0x34: {  	s3 =	sadd.s32 $0xC00, s0;
	s16 =	sadd.s32 s23, s16;
	[smem:$0x7F5] =	sst s15  }
0x35: {  	s22 =	ssub.s32 s5, s29;
	s17 =	sadd.s32 s23, s17;
	[smem:$0x7F6] =	sst s16  }
0x36: {  	s5 =	sadd.s32 $0xE00, s0;
	s18 =	sadd.s32 s23, s18;
	[smem:$0x7F7] =	sst s17  }
0x37: {  	s26 =	sshll.u32 s24, $0xA;
	s25 =	sadd.s32 s23, s19;
	[smem:$0x7F8] =	sst s18  }
0x38: {  	s29 =	sadd.s32 s23, s20;
	s31 =	sadd.s32 s23, s31;
	[smem:$0x7F9] =	sst s25  }
0x39: {  	s1 =	sadd.s32 s26, s1;
	s20 =	simm.s32 $0x2;
	[smem:$0x7FA] =	sst s29  }
0x3a: {  	s21 =	simm.s32 $0x4;
	s4 =	sadd.s32 $0xD00, s0;
	[smem:$0x7FB] =	sst s31  }
0x3b: {  	v2 =	vlaneseq.u32;
	s6 =	sadd.s32 $0xF00, s0;
	s0 =	sadd.s32 s23, s26;
	[smem:$0x7FD] =	sst s1  }
0x3c: {  	vm0 =	vmmov $0xffff;
	v1 =	vshrl.u32 v2, $0x3;
	s12 =	simm.s32 $0x3;
	s17 =	simm.s32 $0x5;
	s18 =	simm.s32 $0x7  }
0x3d: {  	v0 =	vand.u32 $0x7, v2;
	v2 =	vor.u32 $0x8, v2;
	v1 =	vmul.u32 $0x8, v1;
	[smem:$0x7FC] =	sst s0;
	s0 =	smax.u32 s22, $0x1;
	s22 =	simm.s32 $0x6  }
.LBB2_1:
0x3e: {  	[smem:$0x7E8] =	sst s0  }
0x3f: {  	s29 =	rddreg [dreg:$0x4];
	s19 =	simm.s32 $0x9  }
0x40: {  	[tilespmem:s2], [sflag:$0x9] =	stream.linear.gather [hbm4b:s29+s2], $0x200, $0x38;
	[tilespmem:$0x12200] =	vst v63  }
0x41: {  	_ =	swait.ge [sflag:s19], $0x200  }
0x42: {  	[sflag:s19] =	ssyncset.done $0x0  }
0x43: {  	[sflag:s19] =	ssyncadd.s32 $0xFFFFFE00  }
0x44: {  	v3 =	vld [tilespmem:$0x0];
	_ =	sdelay $0x4  }
0x45: {  	v4 =	vshll.u32 v3, $0x3  }
0x46: {  	v3 =	vand.u32 $0x7, v3;
	v4 =	vand.u32 $0xFFFFFFC0, v4  }
0x47: {  	v3 =	vor.u32 v3, v4  }
0x48: {  	v4 =	vperm.xlane v3, v0;
	_ =	sdelay $0x1  }
0x49: {  	v4 =	vadd.s32 v1, v4;
	_ =	sdelay $0x3  }
0x4a: {  	s23 =	simm.s32 $0x200  }
0x4b: {  	[tilespmem:s23], [sflag:$0x1] =	stream.indirect_vreg.gather [hbm4b:s3+s2], $0x80, v4, vm0, $0xb8;
	[tilespmem:$0x12200] =	vst v63  }
0x4c: {  	s24 =	simm.s32 $0xA00;
	v3 =	vperm.xlane v3, v2  }
0x4d: {  	[tilespmem:s24], [sflag:$0x1] =	stream.indirect_vreg.gather [hbm4b:s4+s2], $0x80, v4, vm0, $0xb8;
	[tilespmem:$0x12200] =	vst v63  }
0x4e: {  	s25 =	simm.s32 $0x1200;
	v3 =	vadd.s32 v1, v3  }
0x4f: {  	[tilespmem:s25], [sflag:$0x1] =	stream.indirect_vreg.gather [hbm4b:s5+s2], $0x80, v4, vm0, $0xb8;
	[tilespmem:$0x12200] =	vst v63  }
0x50: {  	s26 =	simm.s32 $0x1A00  }
0x51: {  	[tilespmem:s26], [sflag:$0x1] =	stream.indirect_vreg.gather [hbm4b:s6+s2], $0x80, v4, vm0, $0xb8;
	[tilespmem:$0x12200] =	vst v63  }
0x52: {  	s29 =	simm.s32 $0x2200  }
0x53: {  	[tilespmem:s29], [sflag:$0x1] =	stream.indirect_vreg.gather [hbm4b:s3+s2], $0x80, v3, vm0, $0xb8;
	[tilespmem:$0x12200] =	vst v63  }
0x54: {  	s31 =	simm.s32 $0x2A00  }
0x55: {  	[tilespmem:s31], [sflag:$0x1] =	stream.indirect_vreg.gather [hbm4b:s4+s2], $0x80, v3, vm0, $0xb8;
	[tilespmem:$0x12200] =	vst v63  }
0x56: {  	s1 =	simm.s32 $0x3200  }
0x57: {  	[tilespmem:s1], [sflag:$0x1] =	stream.indirect_vreg.gather [hbm4b:s5+s2], $0x80, v3, vm0, $0xb8;
	[tilespmem:$0x12200] =	vst v63  }
0x58: {  	s7 =	simm.s32 $0x3A00  }
0x59: {  	[tilespmem:s7], [sflag:$0x1] =	stream.indirect_vreg.gather [hbm4b:s6+s2], $0x80, v3, vm0, $0xb8;
	[tilespmem:$0x12200] =	vst v63  }
0x5a: {  	v3 =	vld [tilespmem:$0x10];
	_ =	sdelay $0x4  }
0x5b: {  	v33 =	vshll.u32 v3, $0x3  }
0x5c: {  	v3 =	vand.u32 $0x7, v3;
	v4 =	vand.u32 $0xFFFFFFC0, v33  }
0x5d: {  	v3 =	vor.u32 v3, v4  }
0x5e: {  	v4 =	vperm.xlane v3, v0;
	_ =	sdelay $0x1  }
0x5f: {  	v4 =	vadd.s32 v1, v4;
	_ =	sdelay $0x3  }
0x60: {  	s9 =	simm.s32 $0x4200  }
0x61: {  	[tilespmem:s9], [sflag:$0x1] =	stream.indirect_vreg.gather [hbm4b:s3+s2], $0x80, v4, vm0, $0xb8;
	[tilespmem:$0x12200] =	vst v63  }
0x62: {  	s10 =	simm.s32 $0x4A00;
	v3 =	vperm.xlane v3, v2  }
0x63: {  	[tilespmem:s10], [sflag:$0x1] =	stream.indirect_vreg.gather [hbm4b:s4+s2], $0x80, v4, vm0, $0xb8;
	[tilespmem:$0x12200] =	vst v63  }
0x64: {  	s13 =	simm.s32 $0x5200;
	v3 =	vadd.s32 v1, v3  }
0x65: {  	[tilespmem:s13], [sflag:$0x1] =	stream.indirect_vreg.gather [hbm4b:s5+s2], $0x80, v4, vm0, $0xb8;
	[tilespmem:$0x12200] =	vst v63  }
0x66: {  	s14 =	simm.s32 $0x5A00  }
0x67: {  	[tilespmem:s14], [sflag:$0x1] =	stream.indirect_vreg.gather [hbm4b:s6+s2], $0x80, v4, vm0, $0xb8;
	[tilespmem:$0x12200] =	vst v63  }
0x68: {  	s19 =	simm.s32 $0x6200  }
0x69: {  	[tilespmem:s19], [sflag:$0x1] =	stream.indirect_vreg.gather [hbm4b:s3+s2], $0x80, v3, vm0, $0xb8;
	[tilespmem:$0x12200] =	vst v63  }
0x6a: {  	s23 =	simm.s32 $0x6A00  }
0x6b: {  	[tilespmem:s23], [sflag:$0x1] =	stream.indirect_vreg.gather [hbm4b:s4+s2], $0x80, v3, vm0, $0xb8;
	[tilespmem:$0x12200] =	vst v63  }
0x6c: {  	s24 =	simm.s32 $0x7200  }
0x6d: {  	[tilespmem:s24], [sflag:$0x1] =	stream.indirect_vreg.gather [hbm4b:s5+s2], $0x80, v3, vm0, $0xb8;
	[tilespmem:$0x12200] =	vst v63  }
0x6e: {  	s26 =	simm.s32 $0x7A00  }
0x6f: {  	[tilespmem:s26], [sflag:$0x1] =	stream.indirect_vreg.gather [hbm4b:s6+s2], $0x80, v3, vm0, $0xb8;
	[tilespmem:$0x12200] =	vst v63  }
0x70: {  	s25 =	rddreg [dreg:$0x5];
	s31 =	simm.s32 $0x10200  }
0x71: {  	[tilespmem:s31], [sflag:$0x3] =	stream.linear.gather [hbm4b:s25+s2], $0x1000, $0x38;
	[tilespmem:$0x12200] =	vst v63  }
0x72: {  	v3 =	vld [tilespmem:$0x20];
	_ =	sdelay $0x4  }
0x73: {  	v34 =	vshll.u32 v3, $0x3  }
0x74: {  	v3 =	vand.u32 $0x7, v3;
	v4 =	vand.u32 $0xFFFFFFC0, v34  }
0x75: {  	v3 =	vor.u32 v3, v4  }
0x76: {  	v4 =	vperm.xlane v3, v0;
	_ =	sdelay $0x1  }
0x77: {  	v4 =	vadd.s32 v1, v4;
	_ =	sdelay $0x3  }
0x78: {  	s7 =	simm.s32 $0x8200  }
0x79: {  	[tilespmem:s7], [sflag:$0x2] =	stream.indirect_vreg.gather [hbm4b:s3+s2], $0x80, v4, vm0, $0xb8;
	[tilespmem:$0x12200] =	vst v63  }
0x7a: {  	s10 =	simm.s32 $0x8A00;
	v3 =	vperm.xlane v3, v2  }
0x7b: {  	[tilespmem:s10], [sflag:$0x2] =	stream.indirect_vreg.gather [hbm4b:s4+s2], $0x80, v4, vm0, $0xb8;
	[tilespmem:$0x12200] =	vst v63  }
0x7c: {  	s13 =	simm.s32 $0x9200;
	v3 =	vadd.s32 v1, v3  }
0x7d: {  	[tilespmem:s13], [sflag:$0x2] =	stream.indirect_vreg.gather [hbm4b:s5+s2], $0x80, v4, vm0, $0xb8;
	[tilespmem:$0x12200] =	vst v63  }
0x7e: {  	s19 =	simm.s32 $0x9A00  }
0x7f: {  	[tilespmem:s19], [sflag:$0x2] =	stream.indirect_vreg.gather [hbm4b:s6+s2], $0x80, v4, vm0, $0xb8;
	[tilespmem:$0x12200] =	vst v63  }
0x80: {  	s23 =	simm.s32 $0xA200  }
0x81: {  	[tilespmem:s23], [sflag:$0x2] =	stream.indirect_vreg.gather [hbm4b:s3+s2], $0x80, v3, vm0, $0xb8;
	[tilespmem:$0x12200] =	vst v63  }
0x82: {  	s24 =	simm.s32 $0xAA00  }
0x83: {  	[tilespmem:s24], [sflag:$0x2] =	stream.indirect_vreg.gather [hbm4b:s4+s2], $0x80, v3, vm0, $0xb8;
	[tilespmem:$0x12200] =	vst v63  }
0x84: {  	s25 =	simm.s32 $0xB200  }
0x85: {  	[tilespmem:s25], [sflag:$0x2] =	stream.indirect_vreg.gather [hbm4b:s5+s2], $0x80, v3, vm0, $0xb8;
	[tilespmem:$0x12200] =	vst v63  }
0x86: {  	s26 =	simm.s32 $0xBA00  }
0x87: {  	[tilespmem:s26], [sflag:$0x2] =	stream.indirect_vreg.gather [hbm4b:s6+s2], $0x80, v3, vm0, $0xb8;
	[tilespmem:$0x12200] =	vst v63  }
0x88: {  	v3 =	vld [tilespmem:$0x30];
	_ =	sdelay $0x4  }
0x89: {  	v35 =	vshll.u32 v3, $0x3  }
0x8a: {  	v3 =	vand.u32 $0x7, v3;
	v4 =	vand.u32 $0xFFFFFFC0, v35  }
0x8b: {  	v3 =	vor.u32 v3, v4  }
0x8c: {  	v4 =	vperm.xlane v3, v0;
	_ =	sdelay $0x1  }
0x8d: {  	v4 =	vadd.s32 v1, v4;
	_ =	sdelay $0x3  }
0x8e: {  	s29 =	simm.s32 $0xC200  }
0x8f: {  	[tilespmem:s29], [sflag:$0x2] =	stream.indirect_vreg.gather [hbm4b:s3+s2], $0x80, v4, vm0, $0xb8;
	[tilespmem:$0x12200] =	vst v63  }
0x90: {  	s31 =	simm.s32 $0xCA00;
	v3 =	vperm.xlane v3, v2  }
0x91: {  	[tilespmem:s31], [sflag:$0x2] =	stream.indirect_vreg.gather [hbm4b:s4+s2], $0x80, v4, vm0, $0xb8;
	[tilespmem:$0x12200] =	vst v63  }
0x92: {  	s0 =	simm.s32 $0xD200;
	v3 =	vadd.s32 v1, v3  }
0x93: {  	[tilespmem:s0], [sflag:$0x2] =	stream.indirect_vreg.gather [hbm4b:s5+s2], $0x80, v4, vm0, $0xb8;
	[tilespmem:$0x12200] =	vst v63  }
0x94: {  	s7 =	simm.s32 $0xDA00  }
0x95: {  	[tilespmem:s7], [sflag:$0x2] =	stream.indirect_vreg.gather [hbm4b:s6+s2], $0x80, v4, vm0, $0xb8;
	[tilespmem:$0x12200] =	vst v63  }
0x96: {  	s10 =	simm.s32 $0xE200  }
0x97: {  	[tilespmem:s10], [sflag:$0x2] =	stream.indirect_vreg.gather [hbm4b:s3+s2], $0x80, v3, vm0, $0xb8;
	[tilespmem:$0x12200] =	vst v63  }
0x98: {  	s13 =	simm.s32 $0xEA00  }
0x99: {  	[tilespmem:s13], [sflag:$0x2] =	stream.indirect_vreg.gather [hbm4b:s4+s2], $0x80, v3, vm0, $0xb8;
	[tilespmem:$0x12200] =	vst v63  }
0x9a: {  	s19 =	simm.s32 $0xF200  }
0x9b: {  	[tilespmem:s19], [sflag:$0x2] =	stream.indirect_vreg.gather [hbm4b:s5+s2], $0x80, v3, vm0, $0xb8;
	[tilespmem:$0x12200] =	vst v63  }
0x9c: {  	s31 =	simm.s32 $0xFA00  }
0x9d: {  	[tilespmem:s31], [sflag:$0x2] =	stream.indirect_vreg.gather [hbm4b:s6+s2], $0x80, v3, vm0, $0xb8;
	[tilespmem:$0x12200] =	vst v63  }
0x9e: {  	s23 =	rddreg [dreg:$0x6];
	s24 =	simm.s32 $0x11200  }
0x9f: {  	[tilespmem:s24], [sflag:$0x4] =	stream.linear.gather [hbm4b:s23+s2], $0x1000, $0x38;
	[tilespmem:$0x12200] =	vst v63  }
0xa0: {  	_ =	swait.ge [sflag:s30], $0x8000  }
0xa1: {  	[sflag:s30] =	ssyncset.done $0x0  }
0xa2: {  	[sflag:s30] =	ssyncadd.s32 $0xFFFF8000  }
0xa3: {  	_ =	swait.ge [sflag:s12], $0x1000  }
0xa4: {  	s26 =	sld [smem:$0x7ED]  }
0xa5: {  	[sflag:s12] =	ssyncset.done $0x0  }
0xa6: {  	s0 =	simm.s32 $0x200;
	[sflag:s12] =	ssyncadd.s32 $0xFFFFF000  }
0xa7: {  	[hbm4b:s26+s2] =	stream.linear.scatter [tilespmem:s0], [sflag:$0x5], $0x1C00, $0x38;
	[tilespmem:$0x12200] =	vst v63  }
0xa8: {  	s7 =	simm.s32 $0x2200;
	s13 =	sadd.s32 $0x400, s26  }
0xa9: {  	[hbm4b:s13+s2] =	stream.linear.scatter [tilespmem:s7], [sflag:$0x5], $0x1C00, $0x38;
	[tilespmem:$0x12200] =	vst v63  }
0xaa: {  	s1 =	simm.s32 $0x4200;
	s19 =	sadd.s32 $0x800, s26  }
0xab: {  	[hbm4b:s19+s2] =	stream.linear.scatter [tilespmem:s1], [sflag:$0x5], $0x1C00, $0x38;
	[tilespmem:$0x12200] =	vst v63  }
0xac: {  	s9 =	simm.s32 $0x6200;
	s14 =	simm.s32 $0x10200;
	s23 =	sadd.s32 $0xC00, s26  }
0xad: {  	[hbm4b:s23+s2] =	stream.linear.scatter [tilespmem:s9], [sflag:$0x5], $0x1C00, $0x38;
	[tilespmem:$0x12200] =	vst v63  }
0xae: {  	s29 =	simm.s32 $0x2000;
	s24 =	rddreg [dreg:$0x7];
	s26 =	simm.s32 $0x400  }
0xaf: {  	[hbm4b:s24+s26] =	stream.strided.scatter [tilespmem:s14], [sflag:$0x7], $0x1000, s29, s26, $0x38;
	[tilespmem:$0x12200] =	vst v63  }
0xb0: {  	_ =	swait.ge [sflag:s17], $0x7000  }
0xb1: {  	[sflag:s17] =	ssyncset.done $0x0  }
0xb2: {  	[sflag:s17] =	ssyncadd.s32 $0xFFFF9000  }
0xb3: {  	_ =	swait.ge [sflag:s18], $0x1000  }
0xb4: {  	[sflag:s18] =	ssyncset.done $0x0  }
0xb5: {  	[sflag:s18] =	ssyncadd.s32 $0xFFFFF000  }
0xb6: {  	v3 =	vld [tilespmem:$0x40];
	_ =	sdelay $0x4  }
0xb7: {  	v36 =	vshll.u32 v3, $0x3  }
0xb8: {  	v3 =	vand.u32 $0x7, v3;
	v4 =	vand.u32 $0xFFFFFFC0, v36  }
0xb9: {  	v3 =	vor.u32 v3, v4  }
0xba: {  	v4 =	vperm.xlane v3, v0;
	_ =	sdelay $0x1  }
0xbb: {  	v4 =	vadd.s32 v1, v4;
	_ =	sdelay $0x4  }
0xbc: {  	[tilespmem:s0], [sflag:$0x1] =	stream.indirect_vreg.gather [hbm4b:s3+s2], $0x80, v4, vm0, $0xb8;
	[tilespmem:$0x12200] =	vst v63  }
0xbd: {  	s8 =	simm.s32 $0xA00;
	v3 =	vperm.xlane v3, v2  }
0xbe: {  	[tilespmem:s8], [sflag:$0x1] =	stream.indirect_vreg.gather [hbm4b:s4+s2], $0x80, v4, vm0, $0xb8;
	[tilespmem:$0x12200] =	vst v63  }
0xbf: {  	s19 =	simm.s32 $0x1200;
	v3 =	vadd.s32 v1, v3  }
0xc0: {  	[tilespmem:s19], [sflag:$0x1] =	stream.indirect_vreg.gather [hbm4b:s5+s2], $0x80, v4, vm0, $0xb8;
	[tilespmem:$0x12200] =	vst v63  }
0xc1: {  	s14 =	simm.s32 $0x1A00  }
0xc2: {  	[tilespmem:s14], [sflag:$0x1] =	stream.indirect_vreg.gather [hbm4b:s6+s2], $0x80, v4, vm0, $0xb8;
	[tilespmem:$0x12200] =	vst v63  }
0xc3: {  	_ = 	snop  }
0xc4: {  	[tilespmem:s7], [sflag:$0x1] =	stream.indirect_vreg.gather [hbm4b:s3+s2], $0x80, v3, vm0, $0xb8;
	[tilespmem:$0x12200] =	vst v63  }
0xc5: {  	s11 =	simm.s32 $0x2A00  }
0xc6: {  	[tilespmem:s11], [sflag:$0x1] =	stream.indirect_vreg.gather [hbm4b:s4+s2], $0x80, v3, vm0, $0xb8;
	[tilespmem:$0x12200] =	vst v63  }
0xc7: {  	s15 =	simm.s32 $0x3200  }
0xc8: {  	[tilespmem:s15], [sflag:$0x1] =	stream.indirect_vreg.gather [hbm4b:s5+s2], $0x80, v3, vm0, $0xb8;
	[tilespmem:$0x12200] =	vst v63  }
0xc9: {  	s11 =	simm.s32 $0x3A00  }
0xca: {  	[tilespmem:s11], [sflag:$0x1] =	stream.indirect_vreg.gather [hbm4b:s6+s2], $0x80, v3, vm0, $0xb8;
	[tilespmem:$0x12200] =	vst v63  }
0xcb: {  	v3 =	vld [tilespmem:$0x50];
	_ =	sdelay $0x4  }
0xcc: {  	v37 =	vshll.u32 v3, $0x3  }
0xcd: {  	v3 =	vand.u32 $0x7, v3;
	v4 =	vand.u32 $0xFFFFFFC0, v37  }
0xce: {  	v3 =	vor.u32 v3, v4  }
0xcf: {  	v4 =	vperm.xlane v3, v0;
	_ =	sdelay $0x1  }
0xd0: {  	v4 =	vadd.s32 v1, v4;
	_ =	sdelay $0x3  }
0xd1: {  	s10 =	simm.s32 $0x4200  }
0xd2: {  	[tilespmem:s10], [sflag:$0x1] =	stream.indirect_vreg.gather [hbm4b:s3+s2], $0x80, v4, vm0, $0xb8;
	[tilespmem:$0x12200] =	vst v63  }
0xd3: {  	s15 =	simm.s32 $0x4A00;
	v3 =	vperm.xlane v3, v2  }
0xd4: {  	[tilespmem:s15], [sflag:$0x1] =	stream.indirect_vreg.gather [hbm4b:s4+s2], $0x80, v4, vm0, $0xb8;
	[tilespmem:$0x12200] =	vst v63  }
0xd5: {  	s16 =	simm.s32 $0x5200;
	v3 =	vadd.s32 v1, v3  }
0xd6: {  	[tilespmem:s16], [sflag:$0x1] =	stream.indirect_vreg.gather [hbm4b:s5+s2], $0x80, v4, vm0, $0xb8;
	[tilespmem:$0x12200] =	vst v63  }
0xd7: {  	s10 =	simm.s32 $0x5A00  }
0xd8: {  	[tilespmem:s10], [sflag:$0x1] =	stream.indirect_vreg.gather [hbm4b:s6+s2], $0x80, v4, vm0, $0xb8;
	[tilespmem:$0x12200] =	vst v63  }
0xd9: {  	s13 =	simm.s32 $0x6200  }
0xda: {  	[tilespmem:s13], [sflag:$0x1] =	stream.indirect_vreg.gather [hbm4b:s3+s2], $0x80, v3, vm0, $0xb8;
	[tilespmem:$0x12200] =	vst v63  }
0xdb: {  	s16 =	simm.s32 $0x6A00  }
0xdc: {  	[tilespmem:s16], [sflag:$0x1] =	stream.indirect_vreg.gather [hbm4b:s4+s2], $0x80, v3, vm0, $0xb8;
	[tilespmem:$0x12200] =	vst v63  }
0xdd: {  	s23 =	simm.s32 $0x7200  }
0xde: {  	[tilespmem:s23], [sflag:$0x1] =	stream.indirect_vreg.gather [hbm4b:s5+s2], $0x80, v3, vm0, $0xb8;
	[tilespmem:$0x12200] =	vst v63  }
0xdf: {  	s13 =	simm.s32 $0x7A00  }
0xe0: {  	[tilespmem:s13], [sflag:$0x1] =	stream.indirect_vreg.gather [hbm4b:s6+s2], $0x80, v3, vm0, $0xb8;
	[tilespmem:$0x12200] =	vst v63  }
0xe1: {  	s1 =	simm.s32 $0x10200;
	s8 =	rddreg [dreg:$0x8]  }
0xe2: {  	[tilespmem:s1], [sflag:$0x3] =	stream.linear.gather [hbm4b:s8+s2], $0x1000, $0x38;
	[tilespmem:$0x12200] =	vst v63  }
0xe3: {  	_ =	swait.ge [sflag:s20], $0x8000  }
0xe4: {  	[sflag:s20] =	ssyncset.done $0x0  }
0xe5: {  	[sflag:s20] =	ssyncadd.s32 $0xFFFF8000  }
0xe6: {  	_ =	swait.ge [sflag:s21], $0x1000  }
0xe7: {  	s9 =	sld [smem:$0x7EE]  }
0xe8: {  	[sflag:s21] =	ssyncset.done $0x0  }
0xe9: {  	s0 =	simm.s32 $0x8200;
	[sflag:s21] =	ssyncadd.s32 $0xFFFFF000  }
0xea: {  	[hbm4b:s9+s2] =	stream.linear.scatter [tilespmem:s0], [sflag:$0x6], $0x1C00, $0x38;
	[tilespmem:$0x12200] =	vst v63  }
0xeb: {  	s1 =	simm.s32 $0xA200;
	s7 =	sadd.s32 $0x400, s9  }
0xec: {  	[hbm4b:s7+s2] =	stream.linear.scatter [tilespmem:s1], [sflag:$0x6], $0x1C00, $0x38;
	[tilespmem:$0x12200] =	vst v63  }
0xed: {  	s8 =	sadd.s32 $0x800, s9;
	s7 =	simm.s32 $0xC200  }
0xee: {  	[hbm4b:s8+s2] =	stream.linear.scatter [tilespmem:s7], [sflag:$0x6], $0x1C00, $0x38;
	[tilespmem:$0x12200] =	vst v63  }
0xef: {  	s26 =	simm.s32 $0x400;
	s9 =	sadd.s32 $0xC00, s9;
	s8 =	simm.s32 $0xE200  }
0xf0: {  	[hbm4b:s9+s2] =	stream.linear.scatter [tilespmem:s8], [sflag:$0x6], $0x1C00, $0x38;
	[tilespmem:$0x12200] =	vst v63  }
0xf1: {  	s24 =	simm.s32 $0x2000;
	s31 =	rddreg [dreg:$0x9];
	s9 =	simm.s32 $0x11200  }
0xf2: {  	[hbm4b:s31+s26] =	stream.strided.scatter [tilespmem:s9], [sflag:$0x8], $0x1000, s24, s26, $0x38;
	[tilespmem:$0x12200] =	vst v63  }
0xf3: {  	_ =	swait.ge [sflag:s22], $0x7000  }
0xf4: {  	[sflag:s22] =	ssyncset.done $0x0  }
0xf5: {  	[sflag:s22] =	ssyncadd.s32 $0xFFFF9000  }
0xf6: {  	_ =	swait.ge [sflag:s28], $0x1000  }
0xf7: {  	[sflag:s28] =	ssyncset.done $0x0  }
0xf8: {  	[sflag:s28] =	ssyncadd.s32 $0xFFFFF000  }
0xf9: {  	v3 =	vld [tilespmem:$0x60];
	_ =	sdelay $0x4  }
0xfa: {  	v38 =	vshll.u32 v3, $0x3  }
0xfb: {  	v3 =	vand.u32 $0x7, v3;
	v4 =	vand.u32 $0xFFFFFFC0, v38  }
0xfc: {  	v3 =	vor.u32 v3, v4  }
0xfd: {  	v4 =	vperm.xlane v3, v0;
	_ =	sdelay $0x1  }
0xfe: {  	v4 =	vadd.s32 v1, v4;
	_ =	sdelay $0x4  }
0xff: {  	[tilespmem:s0], [sflag:$0x2] =	stream.indirect_vreg.gather [hbm4b:s3+s2], $0x80, v4, vm0, $0xb8;
	[tilespmem:$0x12200] =	vst v63  }
0x100: {  	s31 =	simm.s32 $0x8A00;
	v3 =	vperm.xlane v3, v2  }
0x101: {  	[tilespmem:s31], [sflag:$0x2] =	stream.indirect_vreg.gather [hbm4b:s4+s2], $0x80, v4, vm0, $0xb8;
	[tilespmem:$0x12200] =	vst v63  }
0x102: {  	s29 =	simm.s32 $0x9200;
	v3 =	vadd.s32 v1, v3  }
0x103: {  	[tilespmem:s29], [sflag:$0x2] =	stream.indirect_vreg.gather [hbm4b:s5+s2], $0x80, v4, vm0, $0xb8;
	[tilespmem:$0x12200] =	vst v63  }
0x104: {  	s31 =	simm.s32 $0x9A00  }
0x105: {  	[tilespmem:s31], [sflag:$0x2] =	stream.indirect_vreg.gather [hbm4b:s6+s2], $0x80, v4, vm0, $0xb8;
	[tilespmem:$0x12200] =	vst v63  }
0x106: {  	_ = 	snop  }
0x107: {  	[tilespmem:s1], [sflag:$0x2] =	stream.indirect_vreg.gather [hbm4b:s3+s2], $0x80, v3, vm0, $0xb8;
	[tilespmem:$0x12200] =	vst v63  }
0x108: {  	s29 =	simm.s32 $0xAA00  }
0x109: {  	[tilespmem:s29], [sflag:$0x2] =	stream.indirect_vreg.gather [hbm4b:s4+s2], $0x80, v3, vm0, $0xb8;
	[tilespmem:$0x12200] =	vst v63  }
0x10a: {  	s31 =	simm.s32 $0xB200  }
0x10b: {  	[tilespmem:s31], [sflag:$0x2] =	stream.indirect_vreg.gather [hbm4b:s5+s2], $0x80, v3, vm0, $0xb8;
	[tilespmem:$0x12200] =	vst v63  }
0x10c: {  	s1 =	simm.s32 $0xBA00  }
0x10d: {  	[tilespmem:s1], [sflag:$0x2] =	stream.indirect_vreg.gather [hbm4b:s6+s2], $0x80, v3, vm0, $0xb8;
	[tilespmem:$0x12200] =	vst v63  }
0x10e: {  	v3 =	vld [tilespmem:$0x70];
	_ =	sdelay $0x4  }
0x10f: {  	v39 =	vshll.u32 v3, $0x3  }
0x110: {  	v3 =	vand.u32 $0x7, v3;
	v4 =	vand.u32 $0xFFFFFFC0, v39  }
0x111: {  	v3 =	vor.u32 v3, v4  }
0x112: {  	v4 =	vperm.xlane v3, v0;
	_ =	sdelay $0x1  }
0x113: {  	v4 =	vadd.s32 v1, v4;
	_ =	sdelay $0x4  }
0x114: {  	[tilespmem:s7], [sflag:$0x2] =	stream.indirect_vreg.gather [hbm4b:s3+s2], $0x80, v4, vm0, $0xb8;
	[tilespmem:$0x12200] =	vst v63  }
0x115: {  	v3 =	vperm.xlane v3, v2;
	s7 =	simm.s32 $0xCA00  }
0x116: {  	[tilespmem:s7], [sflag:$0x2] =	stream.indirect_vreg.gather [hbm4b:s4+s2], $0x80, v4, vm0, $0xb8;
	[tilespmem:$0x12200] =	vst v63  }
0x117: {  	s25 =	simm.s32 $0xD200;
	v3 =	vadd.s32 v1, v3  }
0x118: {  	[tilespmem:s25], [sflag:$0x2] =	stream.indirect_vreg.gather [hbm4b:s5+s2], $0x80, v4, vm0, $0xb8;
	[tilespmem:$0x12200] =	vst v63  }
0x119: {  	s29 =	simm.s32 $0xDA00  }
0x11a: {  	[tilespmem:s29], [sflag:$0x2] =	stream.indirect_vreg.gather [hbm4b:s6+s2], $0x80, v4, vm0, $0xb8;
	[tilespmem:$0x12200] =	vst v63  }
0x11b: {  	_ = 	snop  }
0x11c: {  	[tilespmem:s8], [sflag:$0x2] =	stream.indirect_vreg.gather [hbm4b:s3+s2], $0x80, v3, vm0, $0xb8;
	[tilespmem:$0x12200] =	vst v63  }
0x11d: {  	s31 =	simm.s32 $0xEA00  }
0x11e: {  	[tilespmem:s31], [sflag:$0x2] =	stream.indirect_vreg.gather [hbm4b:s4+s2], $0x80, v3, vm0, $0xb8;
	[tilespmem:$0x12200] =	vst v63  }
0x11f: {  	s1 =	simm.s32 $0xF200  }
0x120: {  	[tilespmem:s1], [sflag:$0x2] =	stream.indirect_vreg.gather [hbm4b:s5+s2], $0x80, v3, vm0, $0xb8;
	[tilespmem:$0x12200] =	vst v63  }
0x121: {  	s8 =	simm.s32 $0xFA00  }
0x122: {  	[tilespmem:s8], [sflag:$0x2] =	stream.indirect_vreg.gather [hbm4b:s6+s2], $0x80, v3, vm0, $0xb8;
	[tilespmem:$0x12200] =	vst v63  }
0x123: {  	s7 =	rddreg [dreg:$0xa]  }
0x124: {  	[tilespmem:s9], [sflag:$0x4] =	stream.linear.gather [hbm4b:s7+s2], $0x1000, $0x38;
	[tilespmem:$0x12200] =	vst v63  }
0x125: {  	_ =	swait.ge [sflag:s30], $0x8000  }
0x126: {  	[sflag:s30] =	ssyncset.done $0x0  }
0x127: {  	[sflag:s30] =	ssyncadd.s32 $0xFFFF8000  }
0x128: {  	_ =	swait.ge [sflag:s12], $0x1000  }
0x129: {  	s25 =	sld [smem:$0x7EF]  }
0x12a: {  	[sflag:s12] =	ssyncset.done $0x0  }
0x12b: {  	s0 =	simm.s32 $0x200;
	[sflag:s12] =	ssyncadd.s32 $0xFFFFF000  }
0x12c: {  	[hbm4b:s25+s2] =	stream.linear.scatter [tilespmem:s0], [sflag:$0x5], $0x1C00, $0x38;
	[tilespmem:$0x12200] =	vst v63  }
0x12d: {  	s1 =	simm.s32 $0x2200;
	s7 =	sadd.s32 $0x400, s25  }
0x12e: {  	[hbm4b:s7+s2] =	stream.linear.scatter [tilespmem:s1], [sflag:$0x5], $0x1C00, $0x38;
	[tilespmem:$0x12200] =	vst v63  }
0x12f: {  	s8 =	sadd.s32 $0x800, s25;
	s7 =	simm.s32 $0x4200  }
0x130: {  	[hbm4b:s8+s2] =	stream.linear.scatter [tilespmem:s7], [sflag:$0x5], $0x1C00, $0x38;
	[tilespmem:$0x12200] =	vst v63  }
0x131: {  	s26 =	simm.s32 $0x400;
	s9 =	sadd.s32 $0xC00, s25;
	s8 =	simm.s32 $0x6200  }
0x132: {  	[hbm4b:s9+s2] =	stream.linear.scatter [tilespmem:s8], [sflag:$0x5], $0x1C00, $0x38;
	[tilespmem:$0x12200] =	vst v63  }
0x133: {  	s24 =	simm.s32 $0x2000;
	s25 =	rddreg [dreg:$0xb];
	s9 =	simm.s32 $0x10200  }
0x134: {  	[hbm4b:s25+s26] =	stream.strided.scatter [tilespmem:s9], [sflag:$0x7], $0x1000, s24, s26, $0x38;
	[tilespmem:$0x12200] =	vst v63  }
0x135: {  	_ =	swait.ge [sflag:s17], $0x7000  }
0x136: {  	[sflag:s17] =	ssyncset.done $0x0  }
0x137: {  	[sflag:s17] =	ssyncadd.s32 $0xFFFF9000  }
0x138: {  	_ =	swait.ge [sflag:s18], $0x1000  }
0x139: {  	[sflag:s18] =	ssyncset.done $0x0  }
0x13a: {  	[sflag:s18] =	ssyncadd.s32 $0xFFFFF000  }
0x13b: {  	v3 =	vld [tilespmem:$0x80];
	_ =	sdelay $0x4  }
0x13c: {  	v40 =	vshll.u32 v3, $0x3  }
0x13d: {  	v3 =	vand.u32 $0x7, v3;
	v4 =	vand.u32 $0xFFFFFFC0, v40  }
0x13e: {  	v3 =	vor.u32 v3, v4  }
0x13f: {  	v4 =	vperm.xlane v3, v0;
	_ =	sdelay $0x1  }
0x140: {  	v4 =	vadd.s32 v1, v4;
	_ =	sdelay $0x4  }
0x141: {  	[tilespmem:s0], [sflag:$0x1] =	stream.indirect_vreg.gather [hbm4b:s3+s2], $0x80, v4, vm0, $0xb8;
	[tilespmem:$0x12200] =	vst v63  }
0x142: {  	s31 =	simm.s32 $0xA00;
	v3 =	vperm.xlane v3, v2  }
0x143: {  	[tilespmem:s31], [sflag:$0x1] =	stream.indirect_vreg.gather [hbm4b:s4+s2], $0x80, v4, vm0, $0xb8;
	[tilespmem:$0x12200] =	vst v63  }
0x144: {  	v3 =	vadd.s32 v1, v3  }
0x145: {  	[tilespmem:s19], [sflag:$0x1] =	stream.indirect_vreg.gather [hbm4b:s5+s2], $0x80, v4, vm0, $0xb8;
	[tilespmem:$0x12200] =	vst v63  }
0x146: {  	_ = 	snop  }
0x147: {  	[tilespmem:s14], [sflag:$0x1] =	stream.indirect_vreg.gather [hbm4b:s6+s2], $0x80, v4, vm0, $0xb8;
	[tilespmem:$0x12200] =	vst v63  }
0x148: {  	_ = 	snop  }
0x149: {  	[tilespmem:s1], [sflag:$0x1] =	stream.indirect_vreg.gather [hbm4b:s3+s2], $0x80, v3, vm0, $0xb8;
	[tilespmem:$0x12200] =	vst v63  }
0x14a: {  	s14 =	simm.s32 $0x2A00  }
0x14b: {  	[tilespmem:s14], [sflag:$0x1] =	stream.indirect_vreg.gather [hbm4b:s4+s2], $0x80, v3, vm0, $0xb8;
	[tilespmem:$0x12200] =	vst v63  }
0x14c: {  	s19 =	simm.s32 $0x3200  }
0x14d: {  	[tilespmem:s19], [sflag:$0x1] =	stream.indirect_vreg.gather [hbm4b:s5+s2], $0x80, v3, vm0, $0xb8;
	[tilespmem:$0x12200] =	vst v63  }
0x14e: {  	_ = 	snop  }
0x14f: {  	[tilespmem:s11], [sflag:$0x1] =	stream.indirect_vreg.gather [hbm4b:s6+s2], $0x80, v3, vm0, $0xb8;
	[tilespmem:$0x12200] =	vst v63  }
0x150: {  	v3 =	vld [tilespmem:$0x90];
	_ =	sdelay $0x4  }
0x151: {  	v41 =	vshll.u32 v3, $0x3  }
0x152: {  	v3 =	vand.u32 $0x7, v3;
	v4 =	vand.u32 $0xFFFFFFC0, v41  }
0x153: {  	v3 =	vor.u32 v3, v4  }
0x154: {  	v4 =	vperm.xlane v3, v0;
	_ =	sdelay $0x1  }
0x155: {  	v4 =	vadd.s32 v1, v4;
	_ =	sdelay $0x4  }
0x156: {  	[tilespmem:s7], [sflag:$0x1] =	stream.indirect_vreg.gather [hbm4b:s3+s2], $0x80, v4, vm0, $0xb8;
	[tilespmem:$0x12200] =	vst v63  }
0x157: {  	v3 =	vperm.xlane v3, v2  }
0x158: {  	[tilespmem:s15], [sflag:$0x1] =	stream.indirect_vreg.gather [hbm4b:s4+s2], $0x80, v4, vm0, $0xb8;
	[tilespmem:$0x12200] =	vst v63  }
0x159: {  	s29 =	simm.s32 $0x5200;
	v3 =	vadd.s32 v1, v3  }
0x15a: {  	[tilespmem:s29], [sflag:$0x1] =	stream.indirect_vreg.gather [hbm4b:s5+s2], $0x80, v4, vm0, $0xb8;
	[tilespmem:$0x12200] =	vst v63  }
0x15b: {  	_ = 	snop  }
0x15c: {  	[tilespmem:s10], [sflag:$0x1] =	stream.indirect_vreg.gather [hbm4b:s6+s2], $0x80, v4, vm0, $0xb8;
	[tilespmem:$0x12200] =	vst v63  }
0x15d: {  	_ = 	snop  }
0x15e: {  	[tilespmem:s8], [sflag:$0x1] =	stream.indirect_vreg.gather [hbm4b:s3+s2], $0x80, v3, vm0, $0xb8;
	[tilespmem:$0x12200] =	vst v63  }
0x15f: {  	_ = 	snop  }
0x160: {  	[tilespmem:s16], [sflag:$0x1] =	stream.indirect_vreg.gather [hbm4b:s4+s2], $0x80, v3, vm0, $0xb8;
	[tilespmem:$0x12200] =	vst v63  }
0x161: {  	_ = 	snop  }
0x162: {  	[tilespmem:s23], [sflag:$0x1] =	stream.indirect_vreg.gather [hbm4b:s5+s2], $0x80, v3, vm0, $0xb8;
	[tilespmem:$0x12200] =	vst v63  }
0x163: {  	_ = 	snop  }
0x164: {  	[tilespmem:s13], [sflag:$0x1] =	stream.indirect_vreg.gather [hbm4b:s6+s2], $0x80, v3, vm0, $0xb8;
	[tilespmem:$0x12200] =	vst v63  }
0x165: {  	s31 =	rddreg [dreg:$0xc]  }
0x166: {  	[tilespmem:s9], [sflag:$0x3] =	stream.linear.gather [hbm4b:s31+s2], $0x1000, $0x38;
	[tilespmem:$0x12200] =	vst v63  }
0x167: {  	_ =	swait.ge [sflag:s20], $0x8000  }
0x168: {  	[sflag:s20] =	ssyncset.done $0x0  }
0x169: {  	[sflag:s20] =	ssyncadd.s32 $0xFFFF8000  }
0x16a: {  	_ =	swait.ge [sflag:s21], $0x1000  }
0x16b: {  	s0 =	sld [smem:$0x7F0]  }
0x16c: {  	[sflag:s21] =	ssyncset.done $0x0  }
0x16d: {  	s1 =	simm.s32 $0x8200;
	[sflag:s21] =	ssyncadd.s32 $0xFFFFF000  }
0x16e: {  	[hbm4b:s0+s2] =	stream.linear.scatter [tilespmem:s1], [sflag:$0x6], $0x1C00, $0x38;
	[tilespmem:$0x12200] =	vst v63  }
0x16f: {  	s16 =	simm.s32 $0xA200;
	s15 =	sadd.s32 $0x400, s0  }
0x170: {  	[hbm4b:s15+s2] =	stream.linear.scatter [tilespmem:s16], [sflag:$0x6], $0x1C00, $0x38;
	[tilespmem:$0x12200] =	vst v63  }
0x171: {  	s23 =	simm.s32 $0xC200;
	s19 =	sadd.s32 $0x800, s0  }
0x172: {  	[hbm4b:s19+s2] =	stream.linear.scatter [tilespmem:s23], [sflag:$0x6], $0x1C00, $0x38;
	[tilespmem:$0x12200] =	vst v63  }
0x173: {  	s26 =	simm.s32 $0x400;
	s14 =	simm.s32 $0xE200;
	s8 =	sadd.s32 $0xC00, s0  }
0x174: {  	[hbm4b:s8+s2] =	stream.linear.scatter [tilespmem:s14], [sflag:$0x6], $0x1C00, $0x38;
	[tilespmem:$0x12200] =	vst v63  }
0x175: {  	s24 =	simm.s32 $0x2000;
	s10 =	rddreg [dreg:$0xd];
	s0 =	simm.s32 $0x11200  }
0x176: {  	[hbm4b:s10+s26] =	stream.strided.scatter [tilespmem:s0], [sflag:$0x8], $0x1000, s24, s26, $0x38;
	[tilespmem:$0x12200] =	vst v63  }
0x177: {  	_ =	swait.ge [sflag:s22], $0x7000  }
0x178: {  	[sflag:s22] =	ssyncset.done $0x0  }
0x179: {  	[sflag:s22] =	ssyncadd.s32 $0xFFFF9000  }
0x17a: {  	_ =	swait.ge [sflag:s28], $0x1000  }
0x17b: {  	[sflag:s28] =	ssyncset.done $0x0  }
0x17c: {  	[sflag:s28] =	ssyncadd.s32 $0xFFFFF000  }
0x17d: {  	v3 =	vld [tilespmem:$0xA0];
	_ =	sdelay $0x4  }
0x17e: {  	v42 =	vshll.u32 v3, $0x3  }
0x17f: {  	v3 =	vand.u32 $0x7, v3;
	v4 =	vand.u32 $0xFFFFFFC0, v42  }
0x180: {  	v3 =	vor.u32 v3, v4  }
0x181: {  	v4 =	vperm.xlane v3, v0;
	_ =	sdelay $0x1  }
0x182: {  	v4 =	vadd.s32 v1, v4;
	_ =	sdelay $0x4  }
0x183: {  	[tilespmem:s1], [sflag:$0x2] =	stream.indirect_vreg.gather [hbm4b:s3+s2], $0x80, v4, vm0, $0xb8;
	[tilespmem:$0x12200] =	vst v63  }
0x184: {  	s26 =	simm.s32 $0x8A00;
	v3 =	vperm.xlane v3, v2  }
0x185: {  	[tilespmem:s26], [sflag:$0x2] =	stream.indirect_vreg.gather [hbm4b:s4+s2], $0x80, v4, vm0, $0xb8;
	[tilespmem:$0x12200] =	vst v63  }
0x186: {  	s24 =	simm.s32 $0x9200;
	v3 =	vadd.s32 v1, v3  }
0x187: {  	[tilespmem:s24], [sflag:$0x2] =	stream.indirect_vreg.gather [hbm4b:s5+s2], $0x80, v4, vm0, $0xb8;
	[tilespmem:$0x12200] =	vst v63  }
0x188: {  	s15 =	simm.s32 $0x9A00  }
0x189: {  	[tilespmem:s15], [sflag:$0x2] =	stream.indirect_vreg.gather [hbm4b:s6+s2], $0x80, v4, vm0, $0xb8;
	[tilespmem:$0x12200] =	vst v63  }
0x18a: {  	_ = 	snop  }
0x18b: {  	[tilespmem:s16], [sflag:$0x2] =	stream.indirect_vreg.gather [hbm4b:s3+s2], $0x80, v3, vm0, $0xb8;
	[tilespmem:$0x12200] =	vst v63  }
0x18c: {  	s9 =	simm.s32 $0xAA00  }
0x18d: {  	[tilespmem:s9], [sflag:$0x2] =	stream.indirect_vreg.gather [hbm4b:s4+s2], $0x80, v3, vm0, $0xb8;
	[tilespmem:$0x12200] =	vst v63  }
0x18e: {  	s16 =	simm.s32 $0xB200  }
0x18f: {  	[tilespmem:s16], [sflag:$0x2] =	stream.indirect_vreg.gather [hbm4b:s5+s2], $0x80, v3, vm0, $0xb8;
	[tilespmem:$0x12200] =	vst v63  }
0x190: {  	s29 =	simm.s32 $0xBA00  }
0x191: {  	[tilespmem:s29], [sflag:$0x2] =	stream.indirect_vreg.gather [hbm4b:s6+s2], $0x80, v3, vm0, $0xb8;
	[tilespmem:$0x12200] =	vst v63  }
0x192: {  	v3 =	vld [tilespmem:$0xB0];
	_ =	sdelay $0x4  }
0x193: {  	v43 =	vshll.u32 v3, $0x3  }
0x194: {  	v3 =	vand.u32 $0x7, v3;
	v4 =	vand.u32 $0xFFFFFFC0, v43  }
0x195: {  	v3 =	vor.u32 v3, v4  }
0x196: {  	v4 =	vperm.xlane v3, v0;
	_ =	sdelay $0x1  }
0x197: {  	v4 =	vadd.s32 v1, v4;
	_ =	sdelay $0x4  }
0x198: {  	[tilespmem:s23], [sflag:$0x2] =	stream.indirect_vreg.gather [hbm4b:s3+s2], $0x80, v4, vm0, $0xb8;
	[tilespmem:$0x12200] =	vst v63  }
0x199: {  	s31 =	simm.s32 $0xCA00;
	v3 =	vperm.xlane v3, v2  }
0x19a: {  	[tilespmem:s31], [sflag:$0x2] =	stream.indirect_vreg.gather [hbm4b:s4+s2], $0x80, v4, vm0, $0xb8;
	[tilespmem:$0x12200] =	vst v63  }
0x19b: {  	s8 =	simm.s32 $0xD200;
	v3 =	vadd.s32 v1, v3  }
0x19c: {  	[tilespmem:s8], [sflag:$0x2] =	stream.indirect_vreg.gather [hbm4b:s5+s2], $0x80, v4, vm0, $0xb8;
	[tilespmem:$0x12200] =	vst v63  }
0x19d: {  	s10 =	simm.s32 $0xDA00  }
0x19e: {  	[tilespmem:s10], [sflag:$0x2] =	stream.indirect_vreg.gather [hbm4b:s6+s2], $0x80, v4, vm0, $0xb8;
	[tilespmem:$0x12200] =	vst v63  }
0x19f: {  	_ = 	snop  }
0x1a0: {  	[tilespmem:s14], [sflag:$0x2] =	stream.indirect_vreg.gather [hbm4b:s3+s2], $0x80, v3, vm0, $0xb8;
	[tilespmem:$0x12200] =	vst v63  }
0x1a1: {  	s19 =	simm.s32 $0xEA00  }
0x1a2: {  	[tilespmem:s19], [sflag:$0x2] =	stream.indirect_vreg.gather [hbm4b:s4+s2], $0x80, v3, vm0, $0xb8;
	[tilespmem:$0x12200] =	vst v63  }
0x1a3: {  	s14 =	simm.s32 $0xF200  }
0x1a4: {  	[tilespmem:s14], [sflag:$0x2] =	stream.indirect_vreg.gather [hbm4b:s5+s2], $0x80, v3, vm0, $0xb8;
	[tilespmem:$0x12200] =	vst v63  }
0x1a5: {  	s16 =	simm.s32 $0xFA00  }
0x1a6: {  	[tilespmem:s16], [sflag:$0x2] =	stream.indirect_vreg.gather [hbm4b:s6+s2], $0x80, v3, vm0, $0xb8;
	[tilespmem:$0x12200] =	vst v63  }
0x1a7: {  	s15 =	rddreg [dreg:$0xe]  }
0x1a8: {  	[tilespmem:s0], [sflag:$0x4] =	stream.linear.gather [hbm4b:s15+s2], $0x1000, $0x38;
	[tilespmem:$0x12200] =	vst v63  }
0x1a9: {  	_ =	swait.ge [sflag:s30], $0x8000  }
0x1aa: {  	[sflag:s30] =	ssyncset.done $0x0  }
0x1ab: {  	[sflag:s30] =	ssyncadd.s32 $0xFFFF8000  }
0x1ac: {  	_ =	swait.ge [sflag:s12], $0x1000  }
0x1ad: {  	s23 =	sld [smem:$0x7F1]  }
0x1ae: {  	[sflag:s12] =	ssyncset.done $0x0  }
0x1af: {  	s14 =	simm.s32 $0x200;
	[sflag:s12] =	ssyncadd.s32 $0xFFFFF000  }
0x1b0: {  	[hbm4b:s23+s2] =	stream.linear.scatter [tilespmem:s14], [sflag:$0x5], $0x1C00, $0x38;
	[tilespmem:$0x12200] =	vst v63  }
0x1b1: {  	s15 =	simm.s32 $0x2200;
	s0 =	sadd.s32 $0x400, s23  }
0x1b2: {  	[hbm4b:s0+s2] =	stream.linear.scatter [tilespmem:s15], [sflag:$0x5], $0x1C00, $0x38;
	[tilespmem:$0x12200] =	vst v63  }
0x1b3: {  	s16 =	simm.s32 $0x4200;
	s1 =	sadd.s32 $0x800, s23  }
0x1b4: {  	[hbm4b:s1+s2] =	stream.linear.scatter [tilespmem:s16], [sflag:$0x5], $0x1C00, $0x38;
	[tilespmem:$0x12200] =	vst v63  }
0x1b5: {  	s10 =	rddreg [dreg:$0xf];
	s8 =	sadd.s32 $0xC00, s23;
	s0 =	simm.s32 $0x6200  }
0x1b6: {  	[hbm4b:s8+s2] =	stream.linear.scatter [tilespmem:s0], [sflag:$0x5], $0x1C00, $0x38;
	[tilespmem:$0x12200] =	vst v63  }
0x1b7: {  	s23 =	simm.s32 $0x2000;
	s1 =	simm.s32 $0x10200;
	s8 =	simm.s32 $0x400  }
0x1b8: {  	[hbm4b:s10+s8] =	stream.strided.scatter [tilespmem:s1], [sflag:$0x7], $0x1000, s23, s8, $0x38;
	[tilespmem:$0x12200] =	vst v63  }
0x1b9: {  	_ =	swait.ge [sflag:s17], $0x7000  }
0x1ba: {  	[sflag:s17] =	ssyncset.done $0x0  }
0x1bb: {  	[sflag:s17] =	ssyncadd.s32 $0xFFFF9000  }
0x1bc: {  	_ =	swait.ge [sflag:s18], $0x1000  }
0x1bd: {  	[sflag:s18] =	ssyncset.done $0x0  }
0x1be: {  	[sflag:s18] =	ssyncadd.s32 $0xFFFFF000  }
0x1bf: {  	v3 =	vld [tilespmem:$0xC0];
	_ =	sdelay $0x4  }
0x1c0: {  	v44 =	vshll.u32 v3, $0x3  }
0x1c1: {  	v3 =	vand.u32 $0x7, v3;
	v4 =	vand.u32 $0xFFFFFFC0, v44  }
0x1c2: {  	v3 =	vor.u32 v3, v4  }
0x1c3: {  	v4 =	vperm.xlane v3, v0;
	_ =	sdelay $0x1  }
0x1c4: {  	v4 =	vadd.s32 v1, v4;
	_ =	sdelay $0x4  }
0x1c5: {  	[tilespmem:s14], [sflag:$0x1] =	stream.indirect_vreg.gather [hbm4b:s3+s2], $0x80, v4, vm0, $0xb8;
	[tilespmem:$0x12200] =	vst v63  }
0x1c6: {  	s29 =	simm.s32 $0xA00;
	v3 =	vperm.xlane v3, v2  }
0x1c7: {  	[tilespmem:s29], [sflag:$0x1] =	stream.indirect_vreg.gather [hbm4b:s4+s2], $0x80, v4, vm0, $0xb8;
	[tilespmem:$0x12200] =	vst v63  }
0x1c8: {  	s25 =	simm.s32 $0x1200;
	v3 =	vadd.s32 v1, v3  }
0x1c9: {  	[tilespmem:s25], [sflag:$0x1] =	stream.indirect_vreg.gather [hbm4b:s5+s2], $0x80, v4, vm0, $0xb8;
	[tilespmem:$0x12200] =	vst v63  }
0x1ca: {  	s31 =	simm.s32 $0x1A00  }
0x1cb: {  	[tilespmem:s31], [sflag:$0x1] =	stream.indirect_vreg.gather [hbm4b:s6+s2], $0x80, v4, vm0, $0xb8;
	[tilespmem:$0x12200] =	vst v63  }
0x1cc: {  	_ = 	snop  }
0x1cd: {  	[tilespmem:s15], [sflag:$0x1] =	stream.indirect_vreg.gather [hbm4b:s3+s2], $0x80, v3, vm0, $0xb8;
	[tilespmem:$0x12200] =	vst v63  }
0x1ce: {  	s14 =	simm.s32 $0x2A00  }
0x1cf: {  	[tilespmem:s14], [sflag:$0x1] =	stream.indirect_vreg.gather [hbm4b:s4+s2], $0x80, v3, vm0, $0xb8;
	[tilespmem:$0x12200] =	vst v63  }
0x1d0: {  	s15 =	simm.s32 $0x3200  }
0x1d1: {  	[tilespmem:s15], [sflag:$0x1] =	stream.indirect_vreg.gather [hbm4b:s5+s2], $0x80, v3, vm0, $0xb8;
	[tilespmem:$0x12200] =	vst v63  }
0x1d2: {  	s11 =	simm.s32 $0x3A00  }
0x1d3: {  	[tilespmem:s11], [sflag:$0x1] =	stream.indirect_vreg.gather [hbm4b:s6+s2], $0x80, v3, vm0, $0xb8;
	[tilespmem:$0x12200] =	vst v63  }
0x1d4: {  	v3 =	vld [tilespmem:$0xD0];
	_ =	sdelay $0x4  }
0x1d5: {  	v45 =	vshll.u32 v3, $0x3  }
0x1d6: {  	v3 =	vand.u32 $0x7, v3;
	v4 =	vand.u32 $0xFFFFFFC0, v45  }
0x1d7: {  	v3 =	vor.u32 v3, v4  }
0x1d8: {  	v4 =	vperm.xlane v3, v0;
	_ =	sdelay $0x1  }
0x1d9: {  	v4 =	vadd.s32 v1, v4;
	_ =	sdelay $0x4  }
0x1da: {  	[tilespmem:s16], [sflag:$0x1] =	stream.indirect_vreg.gather [hbm4b:s3+s2], $0x80, v4, vm0, $0xb8;
	[tilespmem:$0x12200] =	vst v63  }
0x1db: {  	s25 =	simm.s32 $0x4A00;
	v3 =	vperm.xlane v3, v2  }
0x1dc: {  	[tilespmem:s25], [sflag:$0x1] =	stream.indirect_vreg.gather [hbm4b:s4+s2], $0x80, v4, vm0, $0xb8;
	[tilespmem:$0x12200] =	vst v63  }
0x1dd: {  	v3 =	vadd.s32 v1, v3;
	s16 =	simm.s32 $0x5200  }
0x1de: {  	[tilespmem:s16], [sflag:$0x1] =	stream.indirect_vreg.gather [hbm4b:s5+s2], $0x80, v4, vm0, $0xb8;
	[tilespmem:$0x12200] =	vst v63  }
0x1df: {  	s29 =	simm.s32 $0x5A00  }
0x1e0: {  	[tilespmem:s29], [sflag:$0x1] =	stream.indirect_vreg.gather [hbm4b:s6+s2], $0x80, v4, vm0, $0xb8;
	[tilespmem:$0x12200] =	vst v63  }
0x1e1: {  	_ = 	snop  }
0x1e2: {  	[tilespmem:s0], [sflag:$0x1] =	stream.indirect_vreg.gather [hbm4b:s3+s2], $0x80, v3, vm0, $0xb8;
	[tilespmem:$0x12200] =	vst v63  }
0x1e3: {  	s7 =	simm.s32 $0x6A00  }
0x1e4: {  	[tilespmem:s7], [sflag:$0x1] =	stream.indirect_vreg.gather [hbm4b:s4+s2], $0x80, v3, vm0, $0xb8;
	[tilespmem:$0x12200] =	vst v63  }
0x1e5: {  	s31 =	simm.s32 $0x7200  }
0x1e6: {  	[tilespmem:s31], [sflag:$0x1] =	stream.indirect_vreg.gather [hbm4b:s5+s2], $0x80, v3, vm0, $0xb8;
	[tilespmem:$0x12200] =	vst v63  }
0x1e7: {  	s13 =	simm.s32 $0x7A00  }
0x1e8: {  	[tilespmem:s13], [sflag:$0x1] =	stream.indirect_vreg.gather [hbm4b:s6+s2], $0x80, v3, vm0, $0xb8;
	[tilespmem:$0x12200] =	vst v63  }
0x1e9: {  	s7 =	rddreg [dreg:$0x10]  }
0x1ea: {  	[tilespmem:s1], [sflag:$0x3] =	stream.linear.gather [hbm4b:s7+s2], $0x1000, $0x38;
	[tilespmem:$0x12200] =	vst v63  }
0x1eb: {  	_ =	swait.ge [sflag:s20], $0x8000  }
0x1ec: {  	[sflag:s20] =	ssyncset.done $0x0  }
0x1ed: {  	[sflag:s20] =	ssyncadd.s32 $0xFFFF8000  }
0x1ee: {  	_ =	swait.ge [sflag:s21], $0x1000  }
0x1ef: {  	s10 =	sld [smem:$0x7F2]  }
0x1f0: {  	[sflag:s21] =	ssyncset.done $0x0  }
0x1f1: {  	s0 =	simm.s32 $0x8200;
	[sflag:s21] =	ssyncadd.s32 $0xFFFFF000  }
0x1f2: {  	[hbm4b:s10+s2] =	stream.linear.scatter [tilespmem:s0], [sflag:$0x6], $0x1C00, $0x38;
	[tilespmem:$0x12200] =	vst v63  }
0x1f3: {  	s1 =	simm.s32 $0xA200;
	s11 =	sadd.s32 $0x400, s10  }
0x1f4: {  	[hbm4b:s11+s2] =	stream.linear.scatter [tilespmem:s1], [sflag:$0x6], $0x1C00, $0x38;
	[tilespmem:$0x12200] =	vst v63  }
0x1f5: {  	s7 =	simm.s32 $0xC200;
	s13 =	sadd.s32 $0x800, s10  }
0x1f6: {  	[hbm4b:s13+s2] =	stream.linear.scatter [tilespmem:s7], [sflag:$0x6], $0x1C00, $0x38;
	[tilespmem:$0x12200] =	vst v63  }
0x1f7: {  	s14 =	sadd.s32 $0xC00, s10;
	s11 =	simm.s32 $0xE200  }
0x1f8: {  	[hbm4b:s14+s2] =	stream.linear.scatter [tilespmem:s11], [sflag:$0x6], $0x1C00, $0x38;
	[tilespmem:$0x12200] =	vst v63  }
0x1f9: {  	s25 =	simm.s32 $0x11200;
	s15 =	rddreg [dreg:$0x11]  }
0x1fa: {  	[hbm4b:s15+s8] =	stream.strided.scatter [tilespmem:s25], [sflag:$0x8], $0x1000, s23, s8, $0x38;
	[tilespmem:$0x12200] =	vst v63  }
0x1fb: {  	_ =	swait.ge [sflag:s22], $0x7000  }
0x1fc: {  	[sflag:s22] =	ssyncset.done $0x0  }
0x1fd: {  	[sflag:s22] =	ssyncadd.s32 $0xFFFF9000  }
0x1fe: {  	_ =	swait.ge [sflag:s28], $0x1000  }
0x1ff: {  	[sflag:s28] =	ssyncset.done $0x0  }
0x200: {  	[sflag:s28] =	ssyncadd.s32 $0xFFFFF000  }
0x201: {  	v3 =	vld [tilespmem:$0xE0];
	_ =	sdelay $0x4  }
0x202: {  	v46 =	vshll.u32 v3, $0x3  }
0x203: {  	v3 =	vand.u32 $0x7, v3;
	v4 =	vand.u32 $0xFFFFFFC0, v46  }
0x204: {  	v3 =	vor.u32 v3, v4  }
0x205: {  	v4 =	vperm.xlane v3, v0;
	_ =	sdelay $0x1  }
0x206: {  	v4 =	vadd.s32 v1, v4;
	_ =	sdelay $0x4  }
0x207: {  	[tilespmem:s0], [sflag:$0x2] =	stream.indirect_vreg.gather [hbm4b:s3+s2], $0x80, v4, vm0, $0xb8;
	[tilespmem:$0x12200] =	vst v63  }
0x208: {  	v3 =	vperm.xlane v3, v2  }
0x209: {  	[tilespmem:s26], [sflag:$0x2] =	stream.indirect_vreg.gather [hbm4b:s4+s2], $0x80, v4, vm0, $0xb8;
	[tilespmem:$0x12200] =	vst v63  }
0x20a: {  	v3 =	vadd.s32 v1, v3  }
0x20b: {  	[tilespmem:s24], [sflag:$0x2] =	stream.indirect_vreg.gather [hbm4b:s5+s2], $0x80, v4, vm0, $0xb8;
	[tilespmem:$0x12200] =	vst v63  }
0x20c: {  	s26 =	simm.s32 $0x9A00  }
0x20d: {  	[tilespmem:s26], [sflag:$0x2] =	stream.indirect_vreg.gather [hbm4b:s6+s2], $0x80, v4, vm0, $0xb8;
	[tilespmem:$0x12200] =	vst v63  }
0x20e: {  	_ = 	snop  }
0x20f: {  	[tilespmem:s1], [sflag:$0x2] =	stream.indirect_vreg.gather [hbm4b:s3+s2], $0x80, v3, vm0, $0xb8;
	[tilespmem:$0x12200] =	vst v63  }
0x210: {  	_ = 	snop  }
0x211: {  	[tilespmem:s9], [sflag:$0x2] =	stream.indirect_vreg.gather [hbm4b:s4+s2], $0x80, v3, vm0, $0xb8;
	[tilespmem:$0x12200] =	vst v63  }
0x212: {  	s31 =	simm.s32 $0xB200  }
0x213: {  	[tilespmem:s31], [sflag:$0x2] =	stream.indirect_vreg.gather [hbm4b:s5+s2], $0x80, v3, vm0, $0xb8;
	[tilespmem:$0x12200] =	vst v63  }
0x214: {  	s14 =	simm.s32 $0xBA00  }
0x215: {  	[tilespmem:s14], [sflag:$0x2] =	stream.indirect_vreg.gather [hbm4b:s6+s2], $0x80, v3, vm0, $0xb8;
	[tilespmem:$0x12200] =	vst v63  }
0x216: {  	v3 =	vld [tilespmem:$0xF0];
	_ =	sdelay $0x4  }
0x217: {  	v47 =	vshll.u32 v3, $0x3  }
0x218: {  	v3 =	vand.u32 $0x7, v3;
	v4 =	vand.u32 $0xFFFFFFC0, v47  }
0x219: {  	v3 =	vor.u32 v3, v4  }
0x21a: {  	v4 =	vperm.xlane v3, v0;
	_ =	sdelay $0x1  }
0x21b: {  	v4 =	vadd.s32 v1, v4;
	_ =	sdelay $0x4  }
0x21c: {  	[tilespmem:s7], [sflag:$0x2] =	stream.indirect_vreg.gather [hbm4b:s3+s2], $0x80, v4, vm0, $0xb8;
	[tilespmem:$0x12200] =	vst v63  }
0x21d: {  	s23 =	simm.s32 $0xCA00;
	v3 =	vperm.xlane v3, v2  }
0x21e: {  	[tilespmem:s23], [sflag:$0x2] =	stream.indirect_vreg.gather [hbm4b:s4+s2], $0x80, v4, vm0, $0xb8;
	[tilespmem:$0x12200] =	vst v63  }
0x21f: {  	s1 =	simm.s32 $0xD200;
	v3 =	vadd.s32 v1, v3  }
0x220: {  	[tilespmem:s1], [sflag:$0x2] =	stream.indirect_vreg.gather [hbm4b:s5+s2], $0x80, v4, vm0, $0xb8;
	[tilespmem:$0x12200] =	vst v63  }
0x221: {  	s15 =	simm.s32 $0xDA00  }
0x222: {  	[tilespmem:s15], [sflag:$0x2] =	stream.indirect_vreg.gather [hbm4b:s6+s2], $0x80, v4, vm0, $0xb8;
	[tilespmem:$0x12200] =	vst v63  }
0x223: {  	_ = 	snop  }
0x224: {  	[tilespmem:s11], [sflag:$0x2] =	stream.indirect_vreg.gather [hbm4b:s3+s2], $0x80, v3, vm0, $0xb8;
	[tilespmem:$0x12200] =	vst v63  }
0x225: {  	_ = 	snop  }
0x226: {  	[tilespmem:s19], [sflag:$0x2] =	stream.indirect_vreg.gather [hbm4b:s4+s2], $0x80, v3, vm0, $0xb8;
	[tilespmem:$0x12200] =	vst v63  }
0x227: {  	s7 =	simm.s32 $0xF200  }
0x228: {  	[tilespmem:s7], [sflag:$0x2] =	stream.indirect_vreg.gather [hbm4b:s5+s2], $0x80, v3, vm0, $0xb8;
	[tilespmem:$0x12200] =	vst v63  }
0x229: {  	s9 =	simm.s32 $0xFA00  }
0x22a: {  	[tilespmem:s9], [sflag:$0x2] =	stream.indirect_vreg.gather [hbm4b:s6+s2], $0x80, v3, vm0, $0xb8;
	[tilespmem:$0x12200] =	vst v63  }
0x22b: {  	s8 =	rddreg [dreg:$0x12]  }
0x22c: {  	[tilespmem:s25], [sflag:$0x4] =	stream.linear.gather [hbm4b:s8+s2], $0x1000, $0x38;
	[tilespmem:$0x12200] =	vst v63  }
0x22d: {  	_ =	swait.ge [sflag:s30], $0x8000  }
0x22e: {  	[sflag:s30] =	ssyncset.done $0x0  }
0x22f: {  	[sflag:s30] =	ssyncadd.s32 $0xFFFF8000  }
0x230: {  	_ =	swait.ge [sflag:s12], $0x1000  }
0x231: {  	s11 =	sld [smem:$0x7F3]  }
0x232: {  	[sflag:s12] =	ssyncset.done $0x0  }
0x233: {  	s19 =	simm.s32 $0x200;
	[sflag:s12] =	ssyncadd.s32 $0xFFFFF000  }
0x234: {  	[hbm4b:s11+s2] =	stream.linear.scatter [tilespmem:s19], [sflag:$0x5], $0x1C00, $0x38;
	[tilespmem:$0x12200] =	vst v63  }
0x235: {  	s25 =	simm.s32 $0x2200;
	s24 =	sadd.s32 $0x400, s11  }
0x236: {  	[hbm4b:s24+s2] =	stream.linear.scatter [tilespmem:s25], [sflag:$0x5], $0x1C00, $0x38;
	[tilespmem:$0x12200] =	vst v63  }
0x237: {  	s9 =	simm.s32 $0x4200;
	s0 =	sadd.s32 $0x800, s11  }
0x238: {  	[hbm4b:s0+s2] =	stream.linear.scatter [tilespmem:s9], [sflag:$0x5], $0x1C00, $0x38;
	[tilespmem:$0x12200] =	vst v63  }
0x239: {  	s10 =	simm.s32 $0x2000;
	s8 =	sadd.s32 $0xC00, s11;
	s0 =	simm.s32 $0x6200  }
0x23a: {  	[hbm4b:s8+s2] =	stream.linear.scatter [tilespmem:s0], [sflag:$0x5], $0x1C00, $0x38;
	[tilespmem:$0x12200] =	vst v63  }
0x23b: {  	s13 =	simm.s32 $0x400;
	s11 =	rddreg [dreg:$0x13];
	s8 =	simm.s32 $0x10200  }
0x23c: {  	[hbm4b:s11+s13] =	stream.strided.scatter [tilespmem:s8], [sflag:$0x7], $0x1000, s10, s13, $0x38;
	[tilespmem:$0x12200] =	vst v63  }
0x23d: {  	_ =	swait.ge [sflag:s17], $0x7000  }
0x23e: {  	[sflag:s17] =	ssyncset.done $0x0  }
0x23f: {  	[sflag:s17] =	ssyncadd.s32 $0xFFFF9000  }
0x240: {  	_ =	swait.ge [sflag:s18], $0x1000  }
0x241: {  	[sflag:s18] =	ssyncset.done $0x0  }
0x242: {  	[sflag:s18] =	ssyncadd.s32 $0xFFFFF000  }
0x243: {  	v3 =	vld [tilespmem:$0x100];
	_ =	sdelay $0x4  }
0x244: {  	v48 =	vshll.u32 v3, $0x3  }
0x245: {  	v3 =	vand.u32 $0x7, v3;
	v4 =	vand.u32 $0xFFFFFFC0, v48  }
0x246: {  	v3 =	vor.u32 v3, v4  }
0x247: {  	v4 =	vperm.xlane v3, v0;
	_ =	sdelay $0x1  }
0x248: {  	v4 =	vadd.s32 v1, v4;
	_ =	sdelay $0x4  }
0x249: {  	[tilespmem:s19], [sflag:$0x1] =	stream.indirect_vreg.gather [hbm4b:s3+s2], $0x80, v4, vm0, $0xb8;
	[tilespmem:$0x12200] =	vst v63  }
0x24a: {  	v3 =	vperm.xlane v3, v2;
	s19 =	simm.s32 $0xA00  }
0x24b: {  	[tilespmem:s19], [sflag:$0x1] =	stream.indirect_vreg.gather [hbm4b:s4+s2], $0x80, v4, vm0, $0xb8;
	[tilespmem:$0x12200] =	vst v63  }
0x24c: {  	v3 =	vadd.s32 v1, v3;
	s19 =	simm.s32 $0x1200  }
0x24d: {  	[tilespmem:s19], [sflag:$0x1] =	stream.indirect_vreg.gather [hbm4b:s5+s2], $0x80, v4, vm0, $0xb8;
	[tilespmem:$0x12200] =	vst v63  }
0x24e: {  	s24 =	simm.s32 $0x1A00  }
0x24f: {  	[tilespmem:s24], [sflag:$0x1] =	stream.indirect_vreg.gather [hbm4b:s6+s2], $0x80, v4, vm0, $0xb8;
	[tilespmem:$0x12200] =	vst v63  }
0x250: {  	_ = 	snop  }
0x251: {  	[tilespmem:s25], [sflag:$0x1] =	stream.indirect_vreg.gather [hbm4b:s3+s2], $0x80, v3, vm0, $0xb8;
	[tilespmem:$0x12200] =	vst v63  }
0x252: {  	s25 =	simm.s32 $0x2A00  }
0x253: {  	[tilespmem:s25], [sflag:$0x1] =	stream.indirect_vreg.gather [hbm4b:s4+s2], $0x80, v3, vm0, $0xb8;
	[tilespmem:$0x12200] =	vst v63  }
0x254: {  	s29 =	simm.s32 $0x3200  }
0x255: {  	[tilespmem:s29], [sflag:$0x1] =	stream.indirect_vreg.gather [hbm4b:s5+s2], $0x80, v3, vm0, $0xb8;
	[tilespmem:$0x12200] =	vst v63  }
0x256: {  	s13 =	simm.s32 $0x3A00  }
0x257: {  	[tilespmem:s13], [sflag:$0x1] =	stream.indirect_vreg.gather [hbm4b:s6+s2], $0x80, v3, vm0, $0xb8;
	[tilespmem:$0x12200] =	vst v63  }
0x258: {  	v3 =	vld [tilespmem:$0x110];
	_ =	sdelay $0x4  }
0x259: {  	v49 =	vshll.u32 v3, $0x3  }
0x25a: {  	v3 =	vand.u32 $0x7, v3;
	v4 =	vand.u32 $0xFFFFFFC0, v49  }
0x25b: {  	v3 =	vor.u32 v3, v4  }
0x25c: {  	v4 =	vperm.xlane v3, v0;
	_ =	sdelay $0x1  }
0x25d: {  	v4 =	vadd.s32 v1, v4;
	_ =	sdelay $0x4  }
0x25e: {  	[tilespmem:s9], [sflag:$0x1] =	stream.indirect_vreg.gather [hbm4b:s3+s2], $0x80, v4, vm0, $0xb8;
	[tilespmem:$0x12200] =	vst v63  }
0x25f: {  	s24 =	simm.s32 $0x4A00;
	v3 =	vperm.xlane v3, v2  }
0x260: {  	[tilespmem:s24], [sflag:$0x1] =	stream.indirect_vreg.gather [hbm4b:s4+s2], $0x80, v4, vm0, $0xb8;
	[tilespmem:$0x12200] =	vst v63  }
0x261: {  	v3 =	vadd.s32 v1, v3  }
0x262: {  	[tilespmem:s16], [sflag:$0x1] =	stream.indirect_vreg.gather [hbm4b:s5+s2], $0x80, v4, vm0, $0xb8;
	[tilespmem:$0x12200] =	vst v63  }
0x263: {  	s16 =	simm.s32 $0x5A00  }
0x264: {  	[tilespmem:s16], [sflag:$0x1] =	stream.indirect_vreg.gather [hbm4b:s6+s2], $0x80, v4, vm0, $0xb8;
	[tilespmem:$0x12200] =	vst v63  }
0x265: {  	_ = 	snop  }
0x266: {  	[tilespmem:s0], [sflag:$0x1] =	stream.indirect_vreg.gather [hbm4b:s3+s2], $0x80, v3, vm0, $0xb8;
	[tilespmem:$0x12200] =	vst v63  }
0x267: {  	s25 =	simm.s32 $0x6A00  }
0x268: {  	[tilespmem:s25], [sflag:$0x1] =	stream.indirect_vreg.gather [hbm4b:s4+s2], $0x80, v3, vm0, $0xb8;
	[tilespmem:$0x12200] =	vst v63  }
0x269: {  	s31 =	simm.s32 $0x7200  }
0x26a: {  	[tilespmem:s31], [sflag:$0x1] =	stream.indirect_vreg.gather [hbm4b:s5+s2], $0x80, v3, vm0, $0xb8;
	[tilespmem:$0x12200] =	vst v63  }
0x26b: {  	s7 =	simm.s32 $0x7A00  }
0x26c: {  	[tilespmem:s7], [sflag:$0x1] =	stream.indirect_vreg.gather [hbm4b:s6+s2], $0x80, v3, vm0, $0xb8;
	[tilespmem:$0x12200] =	vst v63  }
0x26d: {  	s1 =	rddreg [dreg:$0x14]  }
0x26e: {  	[tilespmem:s8], [sflag:$0x3] =	stream.linear.gather [hbm4b:s1+s2], $0x1000, $0x38;
	[tilespmem:$0x12200] =	vst v63  }
0x26f: {  	_ =	swait.ge [sflag:s20], $0x8000  }
0x270: {  	[sflag:s20] =	ssyncset.done $0x0  }
0x271: {  	[sflag:s20] =	ssyncadd.s32 $0xFFFF8000  }
0x272: {  	_ =	swait.ge [sflag:s21], $0x1000  }
0x273: {  	s9 =	sld [smem:$0x7F4]  }
0x274: {  	[sflag:s21] =	ssyncset.done $0x0  }
0x275: {  	s8 =	simm.s32 $0x8200;
	[sflag:s21] =	ssyncadd.s32 $0xFFFFF000  }
0x276: {  	[hbm4b:s9+s2] =	stream.linear.scatter [tilespmem:s8], [sflag:$0x6], $0x1C00, $0x38;
	[tilespmem:$0x12200] =	vst v63  }
0x277: {  	s0 =	simm.s32 $0xA200;
	s1 =	sadd.s32 $0x400, s9  }
0x278: {  	[hbm4b:s1+s2] =	stream.linear.scatter [tilespmem:s0], [sflag:$0x6], $0x1C00, $0x38;
	[tilespmem:$0x12200] =	vst v63  }
0x279: {  	s7 =	sadd.s32 $0x800, s9;
	s1 =	simm.s32 $0xC200  }
0x27a: {  	[hbm4b:s7+s2] =	stream.linear.scatter [tilespmem:s1], [sflag:$0x6], $0x1C00, $0x38;
	[tilespmem:$0x12200] =	vst v63  }
0x27b: {  	s11 =	simm.s32 $0x2000;
	s9 =	sadd.s32 $0xC00, s9;
	s7 =	simm.s32 $0xE200  }
0x27c: {  	[hbm4b:s9+s2] =	stream.linear.scatter [tilespmem:s7], [sflag:$0x6], $0x1C00, $0x38;
	[tilespmem:$0x12200] =	vst v63  }
0x27d: {  	s10 =	simm.s32 $0x400;
	s31 =	rddreg [dreg:$0x15];
	s9 =	simm.s32 $0x11200  }
0x27e: {  	[hbm4b:s31+s10] =	stream.strided.scatter [tilespmem:s9], [sflag:$0x8], $0x1000, s11, s10, $0x38;
	[tilespmem:$0x12200] =	vst v63  }
0x27f: {  	_ =	swait.ge [sflag:s22], $0x7000  }
0x280: {  	[sflag:s22] =	ssyncset.done $0x0  }
0x281: {  	[sflag:s22] =	ssyncadd.s32 $0xFFFF9000  }
0x282: {  	_ =	swait.ge [sflag:s28], $0x1000  }
0x283: {  	[sflag:s28] =	ssyncset.done $0x0  }
0x284: {  	[sflag:s28] =	ssyncadd.s32 $0xFFFFF000  }
0x285: {  	v3 =	vld [tilespmem:$0x120];
	_ =	sdelay $0x4  }
0x286: {  	v50 =	vshll.u32 v3, $0x3  }
0x287: {  	v3 =	vand.u32 $0x7, v3;
	v4 =	vand.u32 $0xFFFFFFC0, v50  }
0x288: {  	v3 =	vor.u32 v3, v4  }
0x289: {  	v4 =	vperm.xlane v3, v0;
	_ =	sdelay $0x1  }
0x28a: {  	v4 =	vadd.s32 v1, v4;
	_ =	sdelay $0x4  }
0x28b: {  	[tilespmem:s8], [sflag:$0x2] =	stream.indirect_vreg.gather [hbm4b:s3+s2], $0x80, v4, vm0, $0xb8;
	[tilespmem:$0x12200] =	vst v63  }
0x28c: {  	s31 =	simm.s32 $0x8A00;
	v3 =	vperm.xlane v3, v2  }
0x28d: {  	[tilespmem:s31], [sflag:$0x2] =	stream.indirect_vreg.gather [hbm4b:s4+s2], $0x80, v4, vm0, $0xb8;
	[tilespmem:$0x12200] =	vst v63  }
0x28e: {  	s29 =	simm.s32 $0x9200;
	v3 =	vadd.s32 v1, v3  }
0x28f: {  	[tilespmem:s29], [sflag:$0x2] =	stream.indirect_vreg.gather [hbm4b:s5+s2], $0x80, v4, vm0, $0xb8;
	[tilespmem:$0x12200] =	vst v63  }
0x290: {  	_ = 	snop  }
0x291: {  	[tilespmem:s26], [sflag:$0x2] =	stream.indirect_vreg.gather [hbm4b:s6+s2], $0x80, v4, vm0, $0xb8;
	[tilespmem:$0x12200] =	vst v63  }
0x292: {  	_ = 	snop  }
0x293: {  	[tilespmem:s0], [sflag:$0x2] =	stream.indirect_vreg.gather [hbm4b:s3+s2], $0x80, v3, vm0, $0xb8;
	[tilespmem:$0x12200] =	vst v63  }
0x294: {  	s31 =	simm.s32 $0xAA00  }
0x295: {  	[tilespmem:s31], [sflag:$0x2] =	stream.indirect_vreg.gather [hbm4b:s4+s2], $0x80, v3, vm0, $0xb8;
	[tilespmem:$0x12200] =	vst v63  }
0x296: {  	s8 =	simm.s32 $0xB200  }
0x297: {  	[tilespmem:s8], [sflag:$0x2] =	stream.indirect_vreg.gather [hbm4b:s5+s2], $0x80, v3, vm0, $0xb8;
	[tilespmem:$0x12200] =	vst v63  }
0x298: {  	_ = 	snop  }
0x299: {  	[tilespmem:s14], [sflag:$0x2] =	stream.indirect_vreg.gather [hbm4b:s6+s2], $0x80, v3, vm0, $0xb8;
	[tilespmem:$0x12200] =	vst v63  }
0x29a: {  	v3 =	vld [tilespmem:$0x130];
	_ =	sdelay $0x4  }
0x29b: {  	v51 =	vshll.u32 v3, $0x3  }
0x29c: {  	v3 =	vand.u32 $0x7, v3;
	v4 =	vand.u32 $0xFFFFFFC0, v51  }
0x29d: {  	v3 =	vor.u32 v3, v4  }
0x29e: {  	v4 =	vperm.xlane v3, v0;
	_ =	sdelay $0x1  }
0x29f: {  	v4 =	vadd.s32 v1, v4;
	_ =	sdelay $0x4  }
0x2a0: {  	[tilespmem:s1], [sflag:$0x2] =	stream.indirect_vreg.gather [hbm4b:s3+s2], $0x80, v4, vm0, $0xb8;
	[tilespmem:$0x12200] =	vst v63  }
0x2a1: {  	v3 =	vperm.xlane v3, v2  }
0x2a2: {  	[tilespmem:s23], [sflag:$0x2] =	stream.indirect_vreg.gather [hbm4b:s4+s2], $0x80, v4, vm0, $0xb8;
	[tilespmem:$0x12200] =	vst v63  }
0x2a3: {  	s26 =	simm.s32 $0xD200;
	v3 =	vadd.s32 v1, v3  }
0x2a4: {  	[tilespmem:s26], [sflag:$0x2] =	stream.indirect_vreg.gather [hbm4b:s5+s2], $0x80, v4, vm0, $0xb8;
	[tilespmem:$0x12200] =	vst v63  }
0x2a5: {  	_ = 	snop  }
0x2a6: {  	[tilespmem:s15], [sflag:$0x2] =	stream.indirect_vreg.gather [hbm4b:s6+s2], $0x80, v4, vm0, $0xb8;
	[tilespmem:$0x12200] =	vst v63  }
0x2a7: {  	_ = 	snop  }
0x2a8: {  	[tilespmem:s7], [sflag:$0x2] =	stream.indirect_vreg.gather [hbm4b:s3+s2], $0x80, v3, vm0, $0xb8;
	[tilespmem:$0x12200] =	vst v63  }
0x2a9: {  	s15 =	simm.s32 $0xEA00  }
0x2aa: {  	[tilespmem:s15], [sflag:$0x2] =	stream.indirect_vreg.gather [hbm4b:s4+s2], $0x80, v3, vm0, $0xb8;
	[tilespmem:$0x12200] =	vst v63  }
0x2ab: {  	s29 =	simm.s32 $0xF200  }
0x2ac: {  	[tilespmem:s29], [sflag:$0x2] =	stream.indirect_vreg.gather [hbm4b:s5+s2], $0x80, v3, vm0, $0xb8;
	[tilespmem:$0x12200] =	vst v63  }
0x2ad: {  	s1 =	simm.s32 $0xFA00  }
0x2ae: {  	[tilespmem:s1], [sflag:$0x2] =	stream.indirect_vreg.gather [hbm4b:s6+s2], $0x80, v3, vm0, $0xb8;
	[tilespmem:$0x12200] =	vst v63  }
0x2af: {  	s31 =	rddreg [dreg:$0x16]  }
0x2b0: {  	[tilespmem:s9], [sflag:$0x4] =	stream.linear.gather [hbm4b:s31+s2], $0x1000, $0x38;
	[tilespmem:$0x12200] =	vst v63  }
0x2b1: {  	_ =	swait.ge [sflag:s30], $0x8000  }
0x2b2: {  	[sflag:s30] =	ssyncset.done $0x0  }
0x2b3: {  	[sflag:s30] =	ssyncadd.s32 $0xFFFF8000  }
0x2b4: {  	_ =	swait.ge [sflag:s12], $0x1000  }
0x2b5: {  	s7 =	sld [smem:$0x7F5]  }
0x2b6: {  	[sflag:s12] =	ssyncset.done $0x0  }
0x2b7: {  	s0 =	simm.s32 $0x200;
	[sflag:s12] =	ssyncadd.s32 $0xFFFFF000  }
0x2b8: {  	[hbm4b:s7+s2] =	stream.linear.scatter [tilespmem:s0], [sflag:$0x5], $0x1C00, $0x38;
	[tilespmem:$0x12200] =	vst v63  }
0x2b9: {  	s1 =	simm.s32 $0x2200;
	s9 =	sadd.s32 $0x400, s7  }
0x2ba: {  	[hbm4b:s9+s2] =	stream.linear.scatter [tilespmem:s1], [sflag:$0x5], $0x1C00, $0x38;
	[tilespmem:$0x12200] =	vst v63  }
0x2bb: {  	s8 =	simm.s32 $0x4200;
	s14 =	sadd.s32 $0x800, s7  }
0x2bc: {  	[hbm4b:s14+s2] =	stream.linear.scatter [tilespmem:s8], [sflag:$0x5], $0x1C00, $0x38;
	[tilespmem:$0x12200] =	vst v63  }
0x2bd: {  	s11 =	simm.s32 $0x400;
	s23 =	sadd.s32 $0xC00, s7;
	s7 =	simm.s32 $0x6200  }
0x2be: {  	[hbm4b:s23+s2] =	stream.linear.scatter [tilespmem:s7], [sflag:$0x5], $0x1C00, $0x38;
	[tilespmem:$0x12200] =	vst v63  }
0x2bf: {  	s10 =	simm.s32 $0x2000;
	s26 =	rddreg [dreg:$0x17];
	s9 =	simm.s32 $0x10200  }
0x2c0: {  	[hbm4b:s26+s11] =	stream.strided.scatter [tilespmem:s9], [sflag:$0x7], $0x1000, s10, s11, $0x38;
	[tilespmem:$0x12200] =	vst v63  }
0x2c1: {  	_ =	swait.ge [sflag:s17], $0x7000  }
0x2c2: {  	[sflag:s17] =	ssyncset.done $0x0  }
0x2c3: {  	[sflag:s17] =	ssyncadd.s32 $0xFFFF9000  }
0x2c4: {  	_ =	swait.ge [sflag:s18], $0x1000  }
0x2c5: {  	[sflag:s18] =	ssyncset.done $0x0  }
0x2c6: {  	[sflag:s18] =	ssyncadd.s32 $0xFFFFF000  }
0x2c7: {  	v3 =	vld [tilespmem:$0x140];
	_ =	sdelay $0x4  }
0x2c8: {  	v52 =	vshll.u32 v3, $0x3  }
0x2c9: {  	v3 =	vand.u32 $0x7, v3;
	v4 =	vand.u32 $0xFFFFFFC0, v52  }
0x2ca: {  	v3 =	vor.u32 v3, v4  }
0x2cb: {  	v4 =	vperm.xlane v3, v0;
	_ =	sdelay $0x1  }
0x2cc: {  	v4 =	vadd.s32 v1, v4;
	_ =	sdelay $0x4  }
0x2cd: {  	[tilespmem:s0], [sflag:$0x1] =	stream.indirect_vreg.gather [hbm4b:s3+s2], $0x80, v4, vm0, $0xb8;
	[tilespmem:$0x12200] =	vst v63  }
0x2ce: {  	s14 =	simm.s32 $0xA00;
	v3 =	vperm.xlane v3, v2  }
0x2cf: {  	[tilespmem:s14], [sflag:$0x1] =	stream.indirect_vreg.gather [hbm4b:s4+s2], $0x80, v4, vm0, $0xb8;
	[tilespmem:$0x12200] =	vst v63  }
0x2d0: {  	v3 =	vadd.s32 v1, v3  }
0x2d1: {  	[tilespmem:s19], [sflag:$0x1] =	stream.indirect_vreg.gather [hbm4b:s5+s2], $0x80, v4, vm0, $0xb8;
	[tilespmem:$0x12200] =	vst v63  }
0x2d2: {  	s23 =	simm.s32 $0x1A00  }
0x2d3: {  	[tilespmem:s23], [sflag:$0x1] =	stream.indirect_vreg.gather [hbm4b:s6+s2], $0x80, v4, vm0, $0xb8;
	[tilespmem:$0x12200] =	vst v63  }
0x2d4: {  	_ = 	snop  }
0x2d5: {  	[tilespmem:s1], [sflag:$0x1] =	stream.indirect_vreg.gather [hbm4b:s3+s2], $0x80, v3, vm0, $0xb8;
	[tilespmem:$0x12200] =	vst v63  }
0x2d6: {  	s26 =	simm.s32 $0x2A00  }
0x2d7: {  	[tilespmem:s26], [sflag:$0x1] =	stream.indirect_vreg.gather [hbm4b:s4+s2], $0x80, v3, vm0, $0xb8;
	[tilespmem:$0x12200] =	vst v63  }
0x2d8: {  	s29 =	simm.s32 $0x3200  }
0x2d9: {  	[tilespmem:s29], [sflag:$0x1] =	stream.indirect_vreg.gather [hbm4b:s5+s2], $0x80, v3, vm0, $0xb8;
	[tilespmem:$0x12200] =	vst v63  }
0x2da: {  	_ = 	snop  }
0x2db: {  	[tilespmem:s13], [sflag:$0x1] =	stream.indirect_vreg.gather [hbm4b:s6+s2], $0x80, v3, vm0, $0xb8;
	[tilespmem:$0x12200] =	vst v63  }
0x2dc: {  	v3 =	vld [tilespmem:$0x150];
	_ =	sdelay $0x4  }
0x2dd: {  	v53 =	vshll.u32 v3, $0x3  }
0x2de: {  	v3 =	vand.u32 $0x7, v3;
	v4 =	vand.u32 $0xFFFFFFC0, v53  }
0x2df: {  	v3 =	vor.u32 v3, v4  }
0x2e0: {  	v4 =	vperm.xlane v3, v0;
	_ =	sdelay $0x1  }
0x2e1: {  	v4 =	vadd.s32 v1, v4;
	_ =	sdelay $0x4  }
0x2e2: {  	[tilespmem:s8], [sflag:$0x1] =	stream.indirect_vreg.gather [hbm4b:s3+s2], $0x80, v4, vm0, $0xb8;
	[tilespmem:$0x12200] =	vst v63  }
0x2e3: {  	v3 =	vperm.xlane v3, v2  }
0x2e4: {  	[tilespmem:s24], [sflag:$0x1] =	stream.indirect_vreg.gather [hbm4b:s4+s2], $0x80, v4, vm0, $0xb8;
	[tilespmem:$0x12200] =	vst v63  }
0x2e5: {  	s31 =	simm.s32 $0x5200;
	v3 =	vadd.s32 v1, v3  }
0x2e6: {  	[tilespmem:s31], [sflag:$0x1] =	stream.indirect_vreg.gather [hbm4b:s5+s2], $0x80, v4, vm0, $0xb8;
	[tilespmem:$0x12200] =	vst v63  }
0x2e7: {  	_ = 	snop  }
0x2e8: {  	[tilespmem:s16], [sflag:$0x1] =	stream.indirect_vreg.gather [hbm4b:s6+s2], $0x80, v4, vm0, $0xb8;
	[tilespmem:$0x12200] =	vst v63  }
0x2e9: {  	_ = 	snop  }
0x2ea: {  	[tilespmem:s7], [sflag:$0x1] =	stream.indirect_vreg.gather [hbm4b:s3+s2], $0x80, v3, vm0, $0xb8;
	[tilespmem:$0x12200] =	vst v63  }
0x2eb: {  	_ = 	snop  }
0x2ec: {  	[tilespmem:s25], [sflag:$0x1] =	stream.indirect_vreg.gather [hbm4b:s4+s2], $0x80, v3, vm0, $0xb8;
	[tilespmem:$0x12200] =	vst v63  }
0x2ed: {  	s1 =	simm.s32 $0x7200  }
0x2ee: {  	[tilespmem:s1], [sflag:$0x1] =	stream.indirect_vreg.gather [hbm4b:s5+s2], $0x80, v3, vm0, $0xb8;
	[tilespmem:$0x12200] =	vst v63  }
0x2ef: {  	s8 =	simm.s32 $0x7A00  }
0x2f0: {  	[tilespmem:s8], [sflag:$0x1] =	stream.indirect_vreg.gather [hbm4b:s6+s2], $0x80, v3, vm0, $0xb8;
	[tilespmem:$0x12200] =	vst v63  }
0x2f1: {  	s7 =	rddreg [dreg:$0x18]  }
0x2f2: {  	[tilespmem:s9], [sflag:$0x3] =	stream.linear.gather [hbm4b:s7+s2], $0x1000, $0x38;
	[tilespmem:$0x12200] =	vst v63  }
0x2f3: {  	_ =	swait.ge [sflag:s20], $0x8000  }
0x2f4: {  	[sflag:s20] =	ssyncset.done $0x0  }
0x2f5: {  	[sflag:s20] =	ssyncadd.s32 $0xFFFF8000  }
0x2f6: {  	_ =	swait.ge [sflag:s21], $0x1000  }
0x2f7: {  	s9 =	sld [smem:$0x7F6]  }
0x2f8: {  	[sflag:s21] =	ssyncset.done $0x0  }
0x2f9: {  	s13 =	simm.s32 $0x8200;
	[sflag:s21] =	ssyncadd.s32 $0xFFFFF000  }
0x2fa: {  	[hbm4b:s9+s2] =	stream.linear.scatter [tilespmem:s13], [sflag:$0x6], $0x1C00, $0x38;
	[tilespmem:$0x12200] =	vst v63  }
0x2fb: {  	s19 =	simm.s32 $0xA200;
	s16 =	sadd.s32 $0x400, s9  }
0x2fc: {  	[hbm4b:s16+s2] =	stream.linear.scatter [tilespmem:s19], [sflag:$0x6], $0x1C00, $0x38;
	[tilespmem:$0x12200] =	vst v63  }
0x2fd: {  	s24 =	simm.s32 $0xC200;
	s23 =	sadd.s32 $0x800, s9  }
0x2fe: {  	[hbm4b:s23+s2] =	stream.linear.scatter [tilespmem:s24], [sflag:$0x6], $0x1C00, $0x38;
	[tilespmem:$0x12200] =	vst v63  }
0x2ff: {  	s10 =	simm.s32 $0x2000;
	s1 =	simm.s32 $0xE200;
	s25 =	sadd.s32 $0xC00, s9  }
0x300: {  	[hbm4b:s25+s2] =	stream.linear.scatter [tilespmem:s1], [sflag:$0x6], $0x1C00, $0x38;
	[tilespmem:$0x12200] =	vst v63  }
0x301: {  	s11 =	simm.s32 $0x400;
	s14 =	simm.s32 $0x11200;
	s26 =	rddreg [dreg:$0x19]  }
0x302: {  	[hbm4b:s26+s11] =	stream.strided.scatter [tilespmem:s14], [sflag:$0x8], $0x1000, s10, s11, $0x38;
	[tilespmem:$0x12200] =	vst v63  }
0x303: {  	_ =	swait.ge [sflag:s22], $0x7000  }
0x304: {  	[sflag:s22] =	ssyncset.done $0x0  }
0x305: {  	[sflag:s22] =	ssyncadd.s32 $0xFFFF9000  }
0x306: {  	_ =	swait.ge [sflag:s28], $0x1000  }
0x307: {  	[sflag:s28] =	ssyncset.done $0x0  }
0x308: {  	[sflag:s28] =	ssyncadd.s32 $0xFFFFF000  }
0x309: {  	v3 =	vld [tilespmem:$0x160];
	_ =	sdelay $0x4  }
0x30a: {  	v54 =	vshll.u32 v3, $0x3  }
0x30b: {  	v3 =	vand.u32 $0x7, v3;
	v4 =	vand.u32 $0xFFFFFFC0, v54  }
0x30c: {  	v3 =	vor.u32 v3, v4  }
0x30d: {  	v4 =	vperm.xlane v3, v0;
	_ =	sdelay $0x1  }
0x30e: {  	v4 =	vadd.s32 v1, v4;
	_ =	sdelay $0x4  }
0x30f: {  	[tilespmem:s13], [sflag:$0x2] =	stream.indirect_vreg.gather [hbm4b:s3+s2], $0x80, v4, vm0, $0xb8;
	[tilespmem:$0x12200] =	vst v63  }
0x310: {  	s11 =	simm.s32 $0x8A00;
	v3 =	vperm.xlane v3, v2  }
0x311: {  	[tilespmem:s11], [sflag:$0x2] =	stream.indirect_vreg.gather [hbm4b:s4+s2], $0x80, v4, vm0, $0xb8;
	[tilespmem:$0x12200] =	vst v63  }
0x312: {  	s29 =	simm.s32 $0x9200;
	v3 =	vadd.s32 v1, v3  }
0x313: {  	[tilespmem:s29], [sflag:$0x2] =	stream.indirect_vreg.gather [hbm4b:s5+s2], $0x80, v4, vm0, $0xb8;
	[tilespmem:$0x12200] =	vst v63  }
0x314: {  	s10 =	simm.s32 $0x9A00  }
0x315: {  	[tilespmem:s10], [sflag:$0x2] =	stream.indirect_vreg.gather [hbm4b:s6+s2], $0x80, v4, vm0, $0xb8;
	[tilespmem:$0x12200] =	vst v63  }
0x316: {  	_ = 	snop  }
0x317: {  	[tilespmem:s19], [sflag:$0x2] =	stream.indirect_vreg.gather [hbm4b:s3+s2], $0x80, v3, vm0, $0xb8;
	[tilespmem:$0x12200] =	vst v63  }
0x318: {  	s31 =	simm.s32 $0xAA00  }
0x319: {  	[tilespmem:s31], [sflag:$0x2] =	stream.indirect_vreg.gather [hbm4b:s4+s2], $0x80, v3, vm0, $0xb8;
	[tilespmem:$0x12200] =	vst v63  }
0x31a: {  	s25 =	simm.s32 $0xB200  }
0x31b: {  	[tilespmem:s25], [sflag:$0x2] =	stream.indirect_vreg.gather [hbm4b:s5+s2], $0x80, v3, vm0, $0xb8;
	[tilespmem:$0x12200] =	vst v63  }
0x31c: {  	s26 =	simm.s32 $0xBA00  }
0x31d: {  	[tilespmem:s26], [sflag:$0x2] =	stream.indirect_vreg.gather [hbm4b:s6+s2], $0x80, v3, vm0, $0xb8;
	[tilespmem:$0x12200] =	vst v63  }
0x31e: {  	v3 =	vld [tilespmem:$0x170];
	_ =	sdelay $0x4  }
0x31f: {  	v55 =	vshll.u32 v3, $0x3  }
0x320: {  	v3 =	vand.u32 $0x7, v3;
	v4 =	vand.u32 $0xFFFFFFC0, v55  }
0x321: {  	v3 =	vor.u32 v3, v4  }
0x322: {  	v4 =	vperm.xlane v3, v0;
	_ =	sdelay $0x1  }
0x323: {  	v4 =	vadd.s32 v1, v4;
	_ =	sdelay $0x4  }
0x324: {  	[tilespmem:s24], [sflag:$0x2] =	stream.indirect_vreg.gather [hbm4b:s3+s2], $0x80, v4, vm0, $0xb8;
	[tilespmem:$0x12200] =	vst v63  }
0x325: {  	s7 =	simm.s32 $0xCA00;
	v3 =	vperm.xlane v3, v2  }
0x326: {  	[tilespmem:s7], [sflag:$0x2] =	stream.indirect_vreg.gather [hbm4b:s4+s2], $0x80, v4, vm0, $0xb8;
	[tilespmem:$0x12200] =	vst v63  }
0x327: {  	v3 =	vadd.s32 v1, v3;
	s24 =	simm.s32 $0xD200  }
0x328: {  	[tilespmem:s24], [sflag:$0x2] =	stream.indirect_vreg.gather [hbm4b:s5+s2], $0x80, v4, vm0, $0xb8;
	[tilespmem:$0x12200] =	vst v63  }
0x329: {  	s19 =	simm.s32 $0xDA00  }
0x32a: {  	[tilespmem:s19], [sflag:$0x2] =	stream.indirect_vreg.gather [hbm4b:s6+s2], $0x80, v4, vm0, $0xb8;
	[tilespmem:$0x12200] =	vst v63  }
0x32b: {  	_ = 	snop  }
0x32c: {  	[tilespmem:s1], [sflag:$0x2] =	stream.indirect_vreg.gather [hbm4b:s3+s2], $0x80, v3, vm0, $0xb8;
	[tilespmem:$0x12200] =	vst v63  }
0x32d: {  	_ = 	snop  }
0x32e: {  	[tilespmem:s15], [sflag:$0x2] =	stream.indirect_vreg.gather [hbm4b:s4+s2], $0x80, v3, vm0, $0xb8;
	[tilespmem:$0x12200] =	vst v63  }
0x32f: {  	s16 =	simm.s32 $0xF200  }
0x330: {  	[tilespmem:s16], [sflag:$0x2] =	stream.indirect_vreg.gather [hbm4b:s5+s2], $0x80, v3, vm0, $0xb8;
	[tilespmem:$0x12200] =	vst v63  }
0x331: {  	s13 =	simm.s32 $0xFA00  }
0x332: {  	[tilespmem:s13], [sflag:$0x2] =	stream.indirect_vreg.gather [hbm4b:s6+s2], $0x80, v3, vm0, $0xb8;
	[tilespmem:$0x12200] =	vst v63  }
0x333: {  	s8 =	rddreg [dreg:$0x1a]  }
0x334: {  	[tilespmem:s14], [sflag:$0x4] =	stream.linear.gather [hbm4b:s8+s2], $0x1000, $0x38;
	[tilespmem:$0x12200] =	vst v63  }
0x335: {  	_ =	swait.ge [sflag:s30], $0x8000  }
0x336: {  	[sflag:s30] =	ssyncset.done $0x0  }
0x337: {  	[sflag:s30] =	ssyncadd.s32 $0xFFFF8000  }
0x338: {  	_ =	swait.ge [sflag:s12], $0x1000  }
0x339: {  	s14 =	sld [smem:$0x7F7]  }
0x33a: {  	[sflag:s12] =	ssyncset.done $0x0  }
0x33b: {  	s1 =	simm.s32 $0x200;
	[sflag:s12] =	ssyncadd.s32 $0xFFFFF000  }
0x33c: {  	[hbm4b:s14+s2] =	stream.linear.scatter [tilespmem:s1], [sflag:$0x5], $0x1C00, $0x38;
	[tilespmem:$0x12200] =	vst v63  }
0x33d: {  	s15 =	simm.s32 $0x2200;
	s7 =	sadd.s32 $0x400, s14  }
0x33e: {  	[hbm4b:s7+s2] =	stream.linear.scatter [tilespmem:s15], [sflag:$0x5], $0x1C00, $0x38;
	[tilespmem:$0x12200] =	vst v63  }
0x33f: {  	s0 =	simm.s32 $0x4200;
	s8 =	sadd.s32 $0x800, s14  }
0x340: {  	[hbm4b:s8+s2] =	stream.linear.scatter [tilespmem:s0], [sflag:$0x5], $0x1C00, $0x38;
	[tilespmem:$0x12200] =	vst v63  }
0x341: {  	s9 =	simm.s32 $0x400;
	s13 =	sadd.s32 $0xC00, s14;
	s7 =	simm.s32 $0x6200  }
0x342: {  	[hbm4b:s13+s2] =	stream.linear.scatter [tilespmem:s7], [sflag:$0x5], $0x1C00, $0x38;
	[tilespmem:$0x12200] =	vst v63  }
0x343: {  	s23 =	simm.s32 $0x2000;
	s14 =	rddreg [dreg:$0x1b];
	s8 =	simm.s32 $0x10200  }
0x344: {  	[hbm4b:s14+s9] =	stream.strided.scatter [tilespmem:s8], [sflag:$0x7], $0x1000, s23, s9, $0x38;
	[tilespmem:$0x12200] =	vst v63  }
0x345: {  	_ =	swait.ge [sflag:s17], $0x7000  }
0x346: {  	[sflag:s17] =	ssyncset.done $0x0  }
0x347: {  	[sflag:s17] =	ssyncadd.s32 $0xFFFF9000  }
0x348: {  	_ =	swait.ge [sflag:s18], $0x1000  }
0x349: {  	[sflag:s18] =	ssyncset.done $0x0  }
0x34a: {  	[sflag:s18] =	ssyncadd.s32 $0xFFFFF000  }
0x34b: {  	v3 =	vld [tilespmem:$0x180];
	_ =	sdelay $0x4  }
0x34c: {  	v56 =	vshll.u32 v3, $0x3  }
0x34d: {  	v3 =	vand.u32 $0x7, v3;
	v4 =	vand.u32 $0xFFFFFFC0, v56  }
0x34e: {  	v3 =	vor.u32 v3, v4  }
0x34f: {  	v4 =	vperm.xlane v3, v0;
	_ =	sdelay $0x1  }
0x350: {  	v4 =	vadd.s32 v1, v4;
	_ =	sdelay $0x4  }
0x351: {  	[tilespmem:s1], [sflag:$0x1] =	stream.indirect_vreg.gather [hbm4b:s3+s2], $0x80, v4, vm0, $0xb8;
	[tilespmem:$0x12200] =	vst v63  }
0x352: {  	s9 =	simm.s32 $0xA00;
	v3 =	vperm.xlane v3, v2  }
0x353: {  	[tilespmem:s9], [sflag:$0x1] =	stream.indirect_vreg.gather [hbm4b:s4+s2], $0x80, v4, vm0, $0xb8;
	[tilespmem:$0x12200] =	vst v63  }
0x354: {  	s13 =	simm.s32 $0x1200;
	v3 =	vadd.s32 v1, v3  }
0x355: {  	[tilespmem:s13], [sflag:$0x1] =	stream.indirect_vreg.gather [hbm4b:s5+s2], $0x80, v4, vm0, $0xb8;
	[tilespmem:$0x12200] =	vst v63  }
0x356: {  	s29 =	simm.s32 $0x1A00  }
0x357: {  	[tilespmem:s29], [sflag:$0x1] =	stream.indirect_vreg.gather [hbm4b:s6+s2], $0x80, v4, vm0, $0xb8;
	[tilespmem:$0x12200] =	vst v63  }
0x358: {  	_ = 	snop  }
0x359: {  	[tilespmem:s15], [sflag:$0x1] =	stream.indirect_vreg.gather [hbm4b:s3+s2], $0x80, v3, vm0, $0xb8;
	[tilespmem:$0x12200] =	vst v63  }
0x35a: {  	s31 =	simm.s32 $0x2A00  }
0x35b: {  	[tilespmem:s31], [sflag:$0x1] =	stream.indirect_vreg.gather [hbm4b:s4+s2], $0x80, v3, vm0, $0xb8;
	[tilespmem:$0x12200] =	vst v63  }
0x35c: {  	s9 =	simm.s32 $0x3200  }
0x35d: {  	[tilespmem:s9], [sflag:$0x1] =	stream.indirect_vreg.gather [hbm4b:s5+s2], $0x80, v3, vm0, $0xb8;
	[tilespmem:$0x12200] =	vst v63  }
0x35e: {  	s13 =	simm.s32 $0x3A00  }
0x35f: {  	[tilespmem:s13], [sflag:$0x1] =	stream.indirect_vreg.gather [hbm4b:s6+s2], $0x80, v3, vm0, $0xb8;
	[tilespmem:$0x12200] =	vst v63  }
0x360: {  	v3 =	vld [tilespmem:$0x190];
	_ =	sdelay $0x4  }
0x361: {  	v57 =	vshll.u32 v3, $0x3  }
0x362: {  	v3 =	vand.u32 $0x7, v3;
	v4 =	vand.u32 $0xFFFFFFC0, v57  }
0x363: {  	v3 =	vor.u32 v3, v4  }
0x364: {  	v4 =	vperm.xlane v3, v0;
	_ =	sdelay $0x1  }
0x365: {  	v4 =	vadd.s32 v1, v4;
	_ =	sdelay $0x4  }
0x366: {  	[tilespmem:s0], [sflag:$0x1] =	stream.indirect_vreg.gather [hbm4b:s3+s2], $0x80, v4, vm0, $0xb8;
	[tilespmem:$0x12200] =	vst v63  }
0x367: {  	s15 =	simm.s32 $0x4A00;
	v3 =	vperm.xlane v3, v2  }
0x368: {  	[tilespmem:s15], [sflag:$0x1] =	stream.indirect_vreg.gather [hbm4b:s4+s2], $0x80, v4, vm0, $0xb8;
	[tilespmem:$0x12200] =	vst v63  }
0x369: {  	s29 =	simm.s32 $0x5200;
	v3 =	vadd.s32 v1, v3  }
0x36a: {  	[tilespmem:s29], [sflag:$0x1] =	stream.indirect_vreg.gather [hbm4b:s5+s2], $0x80, v4, vm0, $0xb8;
	[tilespmem:$0x12200] =	vst v63  }
0x36b: {  	s31 =	simm.s32 $0x5A00  }
0x36c: {  	[tilespmem:s31], [sflag:$0x1] =	stream.indirect_vreg.gather [hbm4b:s6+s2], $0x80, v4, vm0, $0xb8;
	[tilespmem:$0x12200] =	vst v63  }
0x36d: {  	_ = 	snop  }
0x36e: {  	[tilespmem:s7], [sflag:$0x1] =	stream.indirect_vreg.gather [hbm4b:s3+s2], $0x80, v3, vm0, $0xb8;
	[tilespmem:$0x12200] =	vst v63  }
0x36f: {  	s1 =	simm.s32 $0x6A00  }
0x370: {  	[tilespmem:s1], [sflag:$0x1] =	stream.indirect_vreg.gather [hbm4b:s4+s2], $0x80, v3, vm0, $0xb8;
	[tilespmem:$0x12200] =	vst v63  }
0x371: {  	s7 =	simm.s32 $0x7200  }
0x372: {  	[tilespmem:s7], [sflag:$0x1] =	stream.indirect_vreg.gather [hbm4b:s5+s2], $0x80, v3, vm0, $0xb8;
	[tilespmem:$0x12200] =	vst v63  }
0x373: {  	s13 =	simm.s32 $0x7A00  }
0x374: {  	[tilespmem:s13], [sflag:$0x1] =	stream.indirect_vreg.gather [hbm4b:s6+s2], $0x80, v3, vm0, $0xb8;
	[tilespmem:$0x12200] =	vst v63  }
0x375: {  	s9 =	rddreg [dreg:$0x1c]  }
0x376: {  	[tilespmem:s8], [sflag:$0x3] =	stream.linear.gather [hbm4b:s9+s2], $0x1000, $0x38;
	[tilespmem:$0x12200] =	vst v63  }
0x377: {  	_ =	swait.ge [sflag:s20], $0x8000  }
0x378: {  	[sflag:s20] =	ssyncset.done $0x0  }
0x379: {  	[sflag:s20] =	ssyncadd.s32 $0xFFFF8000  }
0x37a: {  	_ =	swait.ge [sflag:s21], $0x1000  }
0x37b: {  	s15 =	sld [smem:$0x7F8]  }
0x37c: {  	[sflag:s21] =	ssyncset.done $0x0  }
0x37d: {  	s0 =	simm.s32 $0x8200;
	[sflag:s21] =	ssyncadd.s32 $0xFFFFF000  }
0x37e: {  	[hbm4b:s15+s2] =	stream.linear.scatter [tilespmem:s0], [sflag:$0x6], $0x1C00, $0x38;
	[tilespmem:$0x12200] =	vst v63  }
0x37f: {  	s1 =	simm.s32 $0xA200;
	s8 =	sadd.s32 $0x400, s15  }
0x380: {  	[hbm4b:s8+s2] =	stream.linear.scatter [tilespmem:s1], [sflag:$0x6], $0x1C00, $0x38;
	[tilespmem:$0x12200] =	vst v63  }
0x381: {  	s7 =	simm.s32 $0xC200;
	s9 =	sadd.s32 $0x800, s15  }
0x382: {  	[hbm4b:s9+s2] =	stream.linear.scatter [tilespmem:s7], [sflag:$0x6], $0x1C00, $0x38;
	[tilespmem:$0x12200] =	vst v63  }
0x383: {  	s13 =	sadd.s32 $0xC00, s15;
	s8 =	simm.s32 $0xE200  }
0x384: {  	[hbm4b:s13+s2] =	stream.linear.scatter [tilespmem:s8], [sflag:$0x6], $0x1C00, $0x38;
	[tilespmem:$0x12200] =	vst v63  }
0x385: {  	s14 =	simm.s32 $0x400;
	s15 =	rddreg [dreg:$0x1d];
	s9 =	simm.s32 $0x11200  }
0x386: {  	[hbm4b:s15+s14] =	stream.strided.scatter [tilespmem:s9], [sflag:$0x8], $0x1000, s23, s14, $0x38;
	[tilespmem:$0x12200] =	vst v63  }
0x387: {  	_ =	swait.ge [sflag:s22], $0x7000  }
0x388: {  	[sflag:s22] =	ssyncset.done $0x0  }
0x389: {  	[sflag:s22] =	ssyncadd.s32 $0xFFFF9000  }
0x38a: {  	_ =	swait.ge [sflag:s28], $0x1000  }
0x38b: {  	[sflag:s28] =	ssyncset.done $0x0  }
0x38c: {  	[sflag:s28] =	ssyncadd.s32 $0xFFFFF000  }
0x38d: {  	v3 =	vld [tilespmem:$0x1A0];
	_ =	sdelay $0x4  }
0x38e: {  	v58 =	vshll.u32 v3, $0x3  }
0x38f: {  	v3 =	vand.u32 $0x7, v3;
	v4 =	vand.u32 $0xFFFFFFC0, v58  }
0x390: {  	v3 =	vor.u32 v3, v4  }
0x391: {  	v4 =	vperm.xlane v3, v0;
	_ =	sdelay $0x1  }
0x392: {  	v4 =	vadd.s32 v1, v4;
	_ =	sdelay $0x4  }
0x393: {  	[tilespmem:s0], [sflag:$0x2] =	stream.indirect_vreg.gather [hbm4b:s3+s2], $0x80, v4, vm0, $0xb8;
	[tilespmem:$0x12200] =	vst v63  }
0x394: {  	v3 =	vperm.xlane v3, v2  }
0x395: {  	[tilespmem:s11], [sflag:$0x2] =	stream.indirect_vreg.gather [hbm4b:s4+s2], $0x80, v4, vm0, $0xb8;
	[tilespmem:$0x12200] =	vst v63  }
0x396: {  	s29 =	simm.s32 $0x9200;
	v3 =	vadd.s32 v1, v3  }
0x397: {  	[tilespmem:s29], [sflag:$0x2] =	stream.indirect_vreg.gather [hbm4b:s5+s2], $0x80, v4, vm0, $0xb8;
	[tilespmem:$0x12200] =	vst v63  }
0x398: {  	_ = 	snop  }
0x399: {  	[tilespmem:s10], [sflag:$0x2] =	stream.indirect_vreg.gather [hbm4b:s6+s2], $0x80, v4, vm0, $0xb8;
	[tilespmem:$0x12200] =	vst v63  }
0x39a: {  	_ = 	snop  }
0x39b: {  	[tilespmem:s1], [sflag:$0x2] =	stream.indirect_vreg.gather [hbm4b:s3+s2], $0x80, v3, vm0, $0xb8;
	[tilespmem:$0x12200] =	vst v63  }
0x39c: {  	s31 =	simm.s32 $0xAA00  }
0x39d: {  	[tilespmem:s31], [sflag:$0x2] =	stream.indirect_vreg.gather [hbm4b:s4+s2], $0x80, v3, vm0, $0xb8;
	[tilespmem:$0x12200] =	vst v63  }
0x39e: {  	_ = 	snop  }
0x39f: {  	[tilespmem:s25], [sflag:$0x2] =	stream.indirect_vreg.gather [hbm4b:s5+s2], $0x80, v3, vm0, $0xb8;
	[tilespmem:$0x12200] =	vst v63  }
0x3a0: {  	_ = 	snop  }
0x3a1: {  	[tilespmem:s26], [sflag:$0x2] =	stream.indirect_vreg.gather [hbm4b:s6+s2], $0x80, v3, vm0, $0xb8;
	[tilespmem:$0x12200] =	vst v63  }
0x3a2: {  	v3 =	vld [tilespmem:$0x1B0];
	_ =	sdelay $0x4  }
0x3a3: {  	v59 =	vshll.u32 v3, $0x3  }
0x3a4: {  	v3 =	vand.u32 $0x7, v3;
	v4 =	vand.u32 $0xFFFFFFC0, v59  }
0x3a5: {  	v3 =	vor.u32 v3, v4  }
0x3a6: {  	v4 =	vperm.xlane v3, v0;
	_ =	sdelay $0x1  }
0x3a7: {  	v4 =	vadd.s32 v1, v4;
	_ =	sdelay $0x4  }
0x3a8: {  	[tilespmem:s7], [sflag:$0x2] =	stream.indirect_vreg.gather [hbm4b:s3+s2], $0x80, v4, vm0, $0xb8;
	[tilespmem:$0x12200] =	vst v63  }
0x3a9: {  	s1 =	simm.s32 $0xCA00;
	v3 =	vperm.xlane v3, v2  }
0x3aa: {  	[tilespmem:s1], [sflag:$0x2] =	stream.indirect_vreg.gather [hbm4b:s4+s2], $0x80, v4, vm0, $0xb8;
	[tilespmem:$0x12200] =	vst v63  }
0x3ab: {  	v3 =	vadd.s32 v1, v3  }
0x3ac: {  	[tilespmem:s24], [sflag:$0x2] =	stream.indirect_vreg.gather [hbm4b:s5+s2], $0x80, v4, vm0, $0xb8;
	[tilespmem:$0x12200] =	vst v63  }
0x3ad: {  	_ = 	snop  }
0x3ae: {  	[tilespmem:s19], [sflag:$0x2] =	stream.indirect_vreg.gather [hbm4b:s6+s2], $0x80, v4, vm0, $0xb8;
	[tilespmem:$0x12200] =	vst v63  }
0x3af: {  	_ = 	snop  }
0x3b0: {  	[tilespmem:s8], [sflag:$0x2] =	stream.indirect_vreg.gather [hbm4b:s3+s2], $0x80, v3, vm0, $0xb8;
	[tilespmem:$0x12200] =	vst v63  }
0x3b1: {  	s7 =	simm.s32 $0xEA00  }
0x3b2: {  	[tilespmem:s7], [sflag:$0x2] =	stream.indirect_vreg.gather [hbm4b:s4+s2], $0x80, v3, vm0, $0xb8;
	[tilespmem:$0x12200] =	vst v63  }
0x3b3: {  	_ = 	snop  }
0x3b4: {  	[tilespmem:s16], [sflag:$0x2] =	stream.indirect_vreg.gather [hbm4b:s5+s2], $0x80, v3, vm0, $0xb8;
	[tilespmem:$0x12200] =	vst v63  }
0x3b5: {  	s16 =	simm.s32 $0xFA00  }
0x3b6: {  	[tilespmem:s16], [sflag:$0x2] =	stream.indirect_vreg.gather [hbm4b:s6+s2], $0x80, v3, vm0, $0xb8;
	[tilespmem:$0x12200] =	vst v63  }
0x3b7: {  	s10 =	rddreg [dreg:$0x1e]  }
0x3b8: {  	[tilespmem:s9], [sflag:$0x4] =	stream.linear.gather [hbm4b:s10+s2], $0x1000, $0x38;
	[tilespmem:$0x12200] =	vst v63  }
0x3b9: {  	_ =	swait.ge [sflag:s30], $0x8000  }
0x3ba: {  	[sflag:s30] =	ssyncset.done $0x0  }
0x3bb: {  	[sflag:s30] =	ssyncadd.s32 $0xFFFF8000  }
0x3bc: {  	_ =	swait.ge [sflag:s12], $0x1000  }
0x3bd: {  	s19 =	sld [smem:$0x7F9]  }
0x3be: {  	[sflag:s12] =	ssyncset.done $0x0  }
0x3bf: {  	s9 =	simm.s32 $0x200;
	[sflag:s12] =	ssyncadd.s32 $0xFFFFF000  }
0x3c0: {  	[hbm4b:s19+s2] =	stream.linear.scatter [tilespmem:s9], [sflag:$0x5], $0x1C00, $0x38;
	[tilespmem:$0x12200] =	vst v63  }
0x3c1: {  	s0 =	simm.s32 $0x2200;
	s7 =	sadd.s32 $0x400, s19  }
0x3c2: {  	[hbm4b:s7+s2] =	stream.linear.scatter [tilespmem:s0], [sflag:$0x5], $0x1C00, $0x38;
	[tilespmem:$0x12200] =	vst v63  }
0x3c3: {  	s1 =	simm.s32 $0x4200;
	s8 =	sadd.s32 $0x800, s19  }
0x3c4: {  	[hbm4b:s8+s2] =	stream.linear.scatter [tilespmem:s1], [sflag:$0x5], $0x1C00, $0x38;
	[tilespmem:$0x12200] =	vst v63  }
0x3c5: {  	s16 =	sadd.s32 $0xC00, s19;
	s7 =	simm.s32 $0x6200  }
0x3c6: {  	[hbm4b:s16+s2] =	stream.linear.scatter [tilespmem:s7], [sflag:$0x5], $0x1C00, $0x38;
	[tilespmem:$0x12200] =	vst v63  }
0x3c7: {  	s19 =	rddreg [dreg:$0x1f];
	s8 =	simm.s32 $0x10200  }
0x3c8: {  	[hbm4b:s19+s14] =	stream.strided.scatter [tilespmem:s8], [sflag:$0x7], $0x1000, s23, s14, $0x38;
	[tilespmem:$0x12200] =	vst v63  }
0x3c9: {  	_ =	swait.ge [sflag:s17], $0x7000  }
0x3ca: {  	[sflag:s17] =	ssyncset.done $0x0  }
0x3cb: {  	[sflag:s17] =	ssyncadd.s32 $0xFFFF9000  }
0x3cc: {  	_ =	swait.ge [sflag:s18], $0x1000  }
0x3cd: {  	[sflag:s18] =	ssyncset.done $0x0  }
0x3ce: {  	[sflag:s18] =	ssyncadd.s32 $0xFFFFF000  }
0x3cf: {  	v3 =	vld [tilespmem:$0x1C0];
	_ =	sdelay $0x4  }
0x3d0: {  	v60 =	vshll.u32 v3, $0x3  }
0x3d1: {  	v3 =	vand.u32 $0x7, v3;
	v4 =	vand.u32 $0xFFFFFFC0, v60  }
0x3d2: {  	v3 =	vor.u32 v3, v4  }
0x3d3: {  	v4 =	vperm.xlane v3, v0;
	_ =	sdelay $0x1  }
0x3d4: {  	v4 =	vadd.s32 v1, v4;
	_ =	sdelay $0x4  }
0x3d5: {  	[tilespmem:s9], [sflag:$0x1] =	stream.indirect_vreg.gather [hbm4b:s3+s2], $0x80, v4, vm0, $0xb8;
	[tilespmem:$0x12200] =	vst v63  }
0x3d6: {  	s29 =	simm.s32 $0xA00;
	v3 =	vperm.xlane v3, v2  }
0x3d7: {  	[tilespmem:s29], [sflag:$0x1] =	stream.indirect_vreg.gather [hbm4b:s4+s2], $0x80, v4, vm0, $0xb8;
	[tilespmem:$0x12200] =	vst v63  }
0x3d8: {  	s31 =	simm.s32 $0x1200;
	v3 =	vadd.s32 v1, v3  }
0x3d9: {  	[tilespmem:s31], [sflag:$0x1] =	stream.indirect_vreg.gather [hbm4b:s5+s2], $0x80, v4, vm0, $0xb8;
	[tilespmem:$0x12200] =	vst v63  }
0x3da: {  	s16 =	simm.s32 $0x1A00  }
0x3db: {  	[tilespmem:s16], [sflag:$0x1] =	stream.indirect_vreg.gather [hbm4b:s6+s2], $0x80, v4, vm0, $0xb8;
	[tilespmem:$0x12200] =	vst v63  }
0x3dc: {  	_ = 	snop  }
0x3dd: {  	[tilespmem:s0], [sflag:$0x1] =	stream.indirect_vreg.gather [hbm4b:s3+s2], $0x80, v3, vm0, $0xb8;
	[tilespmem:$0x12200] =	vst v63  }
0x3de: {  	s29 =	simm.s32 $0x2A00  }
0x3df: {  	[tilespmem:s29], [sflag:$0x1] =	stream.indirect_vreg.gather [hbm4b:s4+s2], $0x80, v3, vm0, $0xb8;
	[tilespmem:$0x12200] =	vst v63  }
0x3e0: {  	s31 =	simm.s32 $0x3200  }
0x3e1: {  	[tilespmem:s31], [sflag:$0x1] =	stream.indirect_vreg.gather [hbm4b:s5+s2], $0x80, v3, vm0, $0xb8;
	[tilespmem:$0x12200] =	vst v63  }
0x3e2: {  	s9 =	simm.s32 $0x3A00  }
0x3e3: {  	[tilespmem:s9], [sflag:$0x1] =	stream.indirect_vreg.gather [hbm4b:s6+s2], $0x80, v3, vm0, $0xb8;
	[tilespmem:$0x12200] =	vst v63  }
0x3e4: {  	v3 =	vld [tilespmem:$0x1D0];
	_ =	sdelay $0x4  }
0x3e5: {  	v61 =	vshll.u32 v3, $0x3  }
0x3e6: {  	v3 =	vand.u32 $0x7, v3;
	v4 =	vand.u32 $0xFFFFFFC0, v61  }
0x3e7: {  	v3 =	vor.u32 v3, v4  }
0x3e8: {  	v4 =	vperm.xlane v3, v0;
	_ =	sdelay $0x1  }
0x3e9: {  	v4 =	vadd.s32 v1, v4;
	_ =	sdelay $0x4  }
0x3ea: {  	[tilespmem:s1], [sflag:$0x1] =	stream.indirect_vreg.gather [hbm4b:s3+s2], $0x80, v4, vm0, $0xb8;
	[tilespmem:$0x12200] =	vst v63  }
0x3eb: {  	s29 =	simm.s32 $0x4A00;
	v3 =	vperm.xlane v3, v2  }
0x3ec: {  	[tilespmem:s29], [sflag:$0x1] =	stream.indirect_vreg.gather [hbm4b:s4+s2], $0x80, v4, vm0, $0xb8;
	[tilespmem:$0x12200] =	vst v63  }
0x3ed: {  	s31 =	simm.s32 $0x5200;
	v3 =	vadd.s32 v1, v3  }
0x3ee: {  	[tilespmem:s31], [sflag:$0x1] =	stream.indirect_vreg.gather [hbm4b:s5+s2], $0x80, v4, vm0, $0xb8;
	[tilespmem:$0x12200] =	vst v63  }
0x3ef: {  	s1 =	simm.s32 $0x5A00  }
0x3f0: {  	[tilespmem:s1], [sflag:$0x1] =	stream.indirect_vreg.gather [hbm4b:s6+s2], $0x80, v4, vm0, $0xb8;
	[tilespmem:$0x12200] =	vst v63  }
0x3f1: {  	_ = 	snop  }
0x3f2: {  	[tilespmem:s7], [sflag:$0x1] =	stream.indirect_vreg.gather [hbm4b:s3+s2], $0x80, v3, vm0, $0xb8;
	[tilespmem:$0x12200] =	vst v63  }
0x3f3: {  	s7 =	simm.s32 $0x6A00  }
0x3f4: {  	[tilespmem:s7], [sflag:$0x1] =	stream.indirect_vreg.gather [hbm4b:s4+s2], $0x80, v3, vm0, $0xb8;
	[tilespmem:$0x12200] =	vst v63  }
0x3f5: {  	s29 =	simm.s32 $0x7200  }
0x3f6: {  	[tilespmem:s29], [sflag:$0x1] =	stream.indirect_vreg.gather [hbm4b:s5+s2], $0x80, v3, vm0, $0xb8;
	[tilespmem:$0x12200] =	vst v63  }
0x3f7: {  	s31 =	sld [smem:$0x7E9];
	s7 =	simm.s32 $0x7A00  }
0x3f8: {  	[tilespmem:s7], [sflag:$0x1] =	stream.indirect_vreg.gather [hbm4b:s6+s2], $0x80, v3, vm0, $0xb8;
	[tilespmem:$0x12200] =	vst v63  }
0x3f9: {  	_ = 	snop  }
0x3fa: {  	[tilespmem:s8], [sflag:$0x3] =	stream.linear.gather [hbm4b:s31+s2], $0x1000, $0x38;
	[tilespmem:$0x12200] =	vst v63  }
0x3fb: {  	_ =	swait.ge [sflag:s20], $0x8000  }
0x3fc: {  	[sflag:s20] =	ssyncset.done $0x0  }
0x3fd: {  	[sflag:s20] =	ssyncadd.s32 $0xFFFF8000  }
0x3fe: {  	_ =	swait.ge [sflag:s21], $0x1000  }
0x3ff: {  	s31 =	sld [smem:$0x7FA]  }
0x400: {  	[sflag:s21] =	ssyncset.done $0x0  }
0x401: {  	s0 =	simm.s32 $0x8200;
	[sflag:s21] =	ssyncadd.s32 $0xFFFFF000  }
0x402: {  	[hbm4b:s31+s2] =	stream.linear.scatter [tilespmem:s0], [sflag:$0x6], $0x1C00, $0x38;
	[tilespmem:$0x12200] =	vst v63  }
0x403: {  	s15 =	simm.s32 $0xA200;
	s8 =	sadd.s32 $0x400, s31  }
0x404: {  	[hbm4b:s8+s2] =	stream.linear.scatter [tilespmem:s15], [sflag:$0x6], $0x1C00, $0x38;
	[tilespmem:$0x12200] =	vst v63  }
0x405: {  	s13 =	simm.s32 $0xC200;
	s8 =	sadd.s32 $0x800, s31  }
0x406: {  	[hbm4b:s8+s2] =	stream.linear.scatter [tilespmem:s13], [sflag:$0x6], $0x1C00, $0x38;
	[tilespmem:$0x12200] =	vst v63  }
0x407: {  	s11 =	simm.s32 $0xE200;
	s29 =	sadd.s32 $0xC00, s31;
	s8 =	sld [smem:$0x7EA]  }
0x408: {  	[hbm4b:s29+s2] =	stream.linear.scatter [tilespmem:s11], [sflag:$0x6], $0x1C00, $0x38;
	[tilespmem:$0x12200] =	vst v63  }
0x409: {  	s10 =	simm.s32 $0x11200  }
0x40a: {  	[hbm4b:s8+s14] =	stream.strided.scatter [tilespmem:s10], [sflag:$0x8], $0x1000, s23, s14, $0x38;
	[tilespmem:$0x12200] =	vst v63  }
0x40b: {  	_ =	swait.ge [sflag:s22], $0x7000  }
0x40c: {  	[sflag:s22] =	ssyncset.done $0x0  }
0x40d: {  	[sflag:s22] =	ssyncadd.s32 $0xFFFF9000  }
0x40e: {  	_ =	swait.ge [sflag:s28], $0x1000  }
0x40f: {  	[sflag:s28] =	ssyncset.done $0x0  }
0x410: {  	[sflag:s28] =	ssyncadd.s32 $0xFFFFF000  }
0x411: {  	v3 =	vld [tilespmem:$0x1E0];
	_ =	sdelay $0x4  }
0x412: {  	v62 =	vshll.u32 v3, $0x3  }
0x413: {  	v3 =	vand.u32 $0x7, v3;
	v4 =	vand.u32 $0xFFFFFFC0, v62  }
0x414: {  	v3 =	vor.u32 v3, v4  }
0x415: {  	v4 =	vperm.xlane v3, v0;
	_ =	sdelay $0x1  }
0x416: {  	v4 =	vadd.s32 v1, v4;
	_ =	sdelay $0x4  }
0x417: {  	[tilespmem:s0], [sflag:$0x2] =	stream.indirect_vreg.gather [hbm4b:s3+s2], $0x80, v4, vm0, $0xb8;
	[tilespmem:$0x12200] =	vst v63  }
0x418: {  	s29 =	simm.s32 $0x8A00;
	v3 =	vperm.xlane v3, v2  }
0x419: {  	[tilespmem:s29], [sflag:$0x2] =	stream.indirect_vreg.gather [hbm4b:s4+s2], $0x80, v4, vm0, $0xb8;
	[tilespmem:$0x12200] =	vst v63  }
0x41a: {  	s31 =	simm.s32 $0x9200;
	v3 =	vadd.s32 v1, v3  }
0x41b: {  	[tilespmem:s31], [sflag:$0x2] =	stream.indirect_vreg.gather [hbm4b:s5+s2], $0x80, v4, vm0, $0xb8;
	[tilespmem:$0x12200] =	vst v63  }
0x41c: {  	s29 =	simm.s32 $0x9A00  }
0x41d: {  	[tilespmem:s29], [sflag:$0x2] =	stream.indirect_vreg.gather [hbm4b:s6+s2], $0x80, v4, vm0, $0xb8;
	[tilespmem:$0x12200] =	vst v63  }
0x41e: {  	_ = 	snop  }
0x41f: {  	[tilespmem:s15], [sflag:$0x2] =	stream.indirect_vreg.gather [hbm4b:s3+s2], $0x80, v3, vm0, $0xb8;
	[tilespmem:$0x12200] =	vst v63  }
0x420: {  	s31 =	simm.s32 $0xAA00  }
0x421: {  	[tilespmem:s31], [sflag:$0x2] =	stream.indirect_vreg.gather [hbm4b:s4+s2], $0x80, v3, vm0, $0xb8;
	[tilespmem:$0x12200] =	vst v63  }
0x422: {  	s25 =	simm.s32 $0xB200  }
0x423: {  	[tilespmem:s25], [sflag:$0x2] =	stream.indirect_vreg.gather [hbm4b:s5+s2], $0x80, v3, vm0, $0xb8;
	[tilespmem:$0x12200] =	vst v63  }
0x424: {  	s26 =	simm.s32 $0xBA00  }
0x425: {  	[tilespmem:s26], [sflag:$0x2] =	stream.indirect_vreg.gather [hbm4b:s6+s2], $0x80, v3, vm0, $0xb8;
	[tilespmem:$0x12200] =	vst v63  }
0x426: {  	v3 =	vld [tilespmem:$0x1F0];
	_ =	sdelay $0x4  }
0x427: {  	v63 =	vshll.u32 v3, $0x3  }
0x428: {  	v3 =	vand.u32 $0x7, v3;
	v4 =	vand.u32 $0xFFFFFFC0, v63  }
0x429: {  	v3 =	vor.u32 v3, v4  }
0x42a: {  	v4 =	vperm.xlane v3, v0;
	_ =	sdelay $0x1  }
0x42b: {  	v4 =	vadd.s32 v1, v4;
	_ =	sdelay $0x4  }
0x42c: {  	[tilespmem:s13], [sflag:$0x2] =	stream.indirect_vreg.gather [hbm4b:s3+s2], $0x80, v4, vm0, $0xb8;
	[tilespmem:$0x12200] =	vst v63  }
0x42d: {  	s29 =	simm.s32 $0xCA00;
	v3 =	vperm.xlane v3, v2  }
0x42e: {  	[tilespmem:s29], [sflag:$0x2] =	stream.indirect_vreg.gather [hbm4b:s4+s2], $0x80, v4, vm0, $0xb8;
	[tilespmem:$0x12200] =	vst v63  }
0x42f: {  	s31 =	simm.s32 $0xD200;
	v3 =	vadd.s32 v1, v3  }
0x430: {  	[tilespmem:s31], [sflag:$0x2] =	stream.indirect_vreg.gather [hbm4b:s5+s2], $0x80, v4, vm0, $0xb8;
	[tilespmem:$0x12200] =	vst v63  }
0x431: {  	s26 =	simm.s32 $0xDA00  }
0x432: {  	[tilespmem:s26], [sflag:$0x2] =	stream.indirect_vreg.gather [hbm4b:s6+s2], $0x80, v4, vm0, $0xb8;
	[tilespmem:$0x12200] =	vst v63  }
0x433: {  	_ = 	snop  }
0x434: {  	[tilespmem:s11], [sflag:$0x2] =	stream.indirect_vreg.gather [hbm4b:s3+s2], $0x80, v3, vm0, $0xb8;
	[tilespmem:$0x12200] =	vst v63  }
0x435: {  	s29 =	simm.s32 $0xEA00  }
0x436: {  	[tilespmem:s29], [sflag:$0x2] =	stream.indirect_vreg.gather [hbm4b:s4+s2], $0x80, v3, vm0, $0xb8;
	[tilespmem:$0x12200] =	vst v63  }
0x437: {  	s24 =	simm.s32 $0xF200  }
0x438: {  	[tilespmem:s24], [sflag:$0x2] =	stream.indirect_vreg.gather [hbm4b:s5+s2], $0x80, v3, vm0, $0xb8;
	[tilespmem:$0x12200] =	vst v63  }
0x439: {  	s25 =	simm.s32 $0xFA00;
	s31 =	sld [smem:$0x7EB]  }
0x43a: {  	[tilespmem:s25], [sflag:$0x2] =	stream.indirect_vreg.gather [hbm4b:s6+s2], $0x80, v3, vm0, $0xb8;
	[tilespmem:$0x12200] =	vst v63  }
0x43b: {  	_ = 	snop  }
0x43c: {  	[tilespmem:s10], [sflag:$0x4] =	stream.linear.gather [hbm4b:s31+s2], $0x1000, $0x38;
	[tilespmem:$0x12200] =	vst v63  }
0x43d: {  	s0 =	sld [smem:$0x7E8];
	_ =	swait.ge [sflag:s30], $0x8000  }
0x43e: {  	[sflag:s30] =	ssyncset.done $0x0  }
0x43f: {  	[sflag:s30] =	ssyncadd.s32 $0xFFFF8000  }
0x440: {  	_ =	swait.ge [sflag:s12], $0x1000  }
0x441: {  	s26 =	sld [smem:$0x7FB]  }
0x442: {  	[sflag:s12] =	ssyncset.done $0x0  }
0x443: {  	s19 =	simm.s32 $0x200;
	[sflag:s12] =	ssyncadd.s32 $0xFFFFF000  }
0x444: {  	[hbm4b:s26+s2] =	stream.linear.scatter [tilespmem:s19], [sflag:$0x5], $0x1C00, $0x38;
	[tilespmem:$0x12200] =	vst v63  }
0x445: {  	s16 =	simm.s32 $0x2200;
	s24 =	sadd.s32 $0x400, s26  }
0x446: {  	[hbm4b:s24+s2] =	stream.linear.scatter [tilespmem:s16], [sflag:$0x5], $0x1C00, $0x38;
	[tilespmem:$0x12200] =	vst v63  }
0x447: {  	s9 =	simm.s32 $0x4200;
	s25 =	sadd.s32 $0x800, s26  }
0x448: {  	[hbm4b:s25+s2] =	stream.linear.scatter [tilespmem:s9], [sflag:$0x5], $0x1C00, $0x38;
	[tilespmem:$0x12200] =	vst v63  }
0x449: {  	s1 =	simm.s32 $0x6200;
	s26 =	sadd.s32 $0xC00, s26;
	s9 =	sld [smem:$0x7EC]  }
0x44a: {  	[hbm4b:s26+s2] =	stream.linear.scatter [tilespmem:s1], [sflag:$0x5], $0x1C00, $0x38;
	[tilespmem:$0x12200] =	vst v63  }
0x44b: {  	s7 =	simm.s32 $0x10200  }
0x44c: {  	[hbm4b:s9+s14] =	stream.strided.scatter [tilespmem:s7], [sflag:$0x7], $0x1000, s23, s14, $0x38;
	[tilespmem:$0x12200] =	vst v63  }
0x44d: {  	_ =	swait.ge [sflag:s20], $0x8000  }
0x44e: {  	[sflag:s20] =	ssyncset.done $0x0  }
0x44f: {  	[sflag:s20] =	ssyncadd.s32 $0xFFFF8000  }
0x450: {  	_ =	swait.ge [sflag:s21], $0x1000  }
0x451: {  	s16 =	sld [smem:$0x7FC]  }
0x452: {  	[sflag:s21] =	ssyncset.done $0x0  }
0x453: {  	s8 =	simm.s32 $0x8200;
	[sflag:s21] =	ssyncadd.s32 $0xFFFFF000  }
0x454: {  	[hbm4b:s16+s2] =	stream.linear.scatter [tilespmem:s8], [sflag:$0x6], $0x1C00, $0x38;
	[tilespmem:$0x12200] =	vst v63  }
0x455: {  	s19 =	sadd.s32 $0x400, s16  }
0x456: {  	[hbm4b:s19+s2] =	stream.linear.scatter [tilespmem:s15], [sflag:$0x6], $0x1C00, $0x38;
	[tilespmem:$0x12200] =	vst v63  }
0x457: {  	s24 =	sadd.s32 $0x800, s16  }
0x458: {  	[hbm4b:s24+s2] =	stream.linear.scatter [tilespmem:s13], [sflag:$0x6], $0x1C00, $0x38;
	[tilespmem:$0x12200] =	vst v63  }
0x459: {  	s26 =	sld [smem:$0x7FD];
	s25 =	sadd.s32 $0xC00, s16  }
0x45a: {  	[hbm4b:s25+s2] =	stream.linear.scatter [tilespmem:s11], [sflag:$0x6], $0x1C00, $0x38;
	[tilespmem:$0x12200] =	vst v63  }
0x45b: {  	_ = 	snop  }
0x45c: {  	[hbm4b:s26+s14] =	stream.strided.scatter [tilespmem:s10], [sflag:$0x8], $0x1000, s23, s14, $0x38;
	[tilespmem:$0x12200] =	vst v63  }
0x45d: {  	_ =	swait.ge [sflag:s17], $0x7000  }
0x45e: {  	[sflag:s17] =	ssyncset.done $0x0  }
0x45f: {  	[sflag:s17] =	ssyncadd.s32 $0xFFFF9000  }
0x460: {  	_ =	swait.ge [sflag:s18], $0x1000  }
0x461: {  	[sflag:s18] =	ssyncset.done $0x0  }
0x462: {  	[sflag:s18] =	ssyncadd.s32 $0xFFFFF000  }
0x463: {  	p0 =	sne.s32 s0, $0x1;
	_ =	swait.ge [sflag:s22], $0x7000  }
.Ltmp0:
0x464: {  	[sflag:s22] =	ssyncset.done $0x0;
	(pc) =	sbr.rel @p0 .LBB2_1-.Ltmp0, $4  }
0x465: {  	[sflag:s22] =	ssyncadd.s32 $0xFFFF9000  }
0x466: {  	_ =	swait.ge [sflag:s28], $0x1000  }
0x467: {  	[sflag:s28] =	ssyncset.done $0x0  }
0x468: {  	s0 =	sadd.s32 $0xFFFFFFFF, s0;
	[sflag:s28] =	ssyncadd.s32 $0xFFFFF000  }
0x469: {  	_ =	sfence.sel $0x180000  }
0x46a: {  	[bflag:$0x0] =	sbarrier.arrive $0xFFFF  }
0x46b: {  	_ =	strace $0x90000047  }
0x46c: {  	s0 =	stileid.u32;
	[bflag:$0x2] =	sbarrier.arrive $0xFFFF  }
0x46d: {  	p0 =	sne.s32 s0, $0x0;
	s0 =	rddreg [dreg:$0x3]  }
0x46e: {  	s0 =	sadd.s32 @!p0 $0x100000, s0  }
0x46f: {  	[sflag:s0] =	ssyncadd.tile.s32 @!p0 $0x1;
	_ =	shalt  }
.Lfunc_end2:
_tile_overlayer_lowered:
.L_overlay_start_2:
0x470: {  	(tag) =	ssettag $0x2  }
0x471: {  	s0 =	rddreg [dreg:$0x0];
	s2 =	stileid.u32  }
0x472: {  	s1 =	rddreg [dreg:$0x1];
	p0 =	sne.s32 s2, $0x0  }
0x473: {  	s3 =	rddreg [dreg:$0x2];
	[bflag:$0x3] =	sbarrier.arrive $0xFFFF;
	s2 =	simm.s32 @!p0 $0x1C09  }
0x474: {  	[timem:s3], [sflag:s2] =	dma.local @!p0 [hbm:s0], s1  }
0x475: {  	s0 =	simm.s32 @!p0 $0x9  }
0x476: {  	_ =	swait.ge @!p0 [sflag:s0], s1  }
0x477: {  	s1 =	ssub.s32 @!p0 $0x0, s1;
	[sflag:s0] =	ssyncset.done @!p0 $0x0  }
0x478: {  	[sflag:s0] =	ssyncadd.s32 @!p0 s1  }
0x479: {  	[bflag:$0x3] =	sbarrier.arrive $0xFFFF  }
0x47a: {  	_ =	shalt  }

</sc_bundles>
